<compile_context>
chip_gen: v7x
topology: tpu7x:2x2x1
jax: 0.10.2.dev20260603
libtpu: 0.0.44.dev20260713+nightly
codegen_flags: <defaults>
</compile_context>

<pallas_src>
import jax
import jax.numpy as jnp
from jax import lax
from jax.experimental import pallas as pl
from jax.experimental.pallas import tpu as pltpu
from jax.experimental.pallas import tpu_sc as plsc

N_TRI = 1000000
N_EMIT = 10000
B = 1048576

NC, NS = 2, 16
NW = NC * NS
BPW = B // NW
CH = 2048
NCHUNK = BPW // CH
NTP = 1048576
TSL = NTP // NS
NEP = 10112
NVEC = CH // 16


NG = 3


def _sc_body(tri_hbm, comb_hbm, r0_hbm, r1_hbm, r2_hbm,
             o0_hbm, o1_hbm, o2_hbm,
             comb_sh, rad0_v, rad1_v, rad2_v,
             idx0_v, idx1_v, idx2_v, c0_v, c1_v, c2_v,
             ob00_v, ob01_v, ob02_v, ob10_v, ob11_v, ob12_v,
             sem_g0, sem_g1, sem_g2, sem_o0, sem_o1, sem_s,
             sem_t0, sem_t1, sem_t2):
    sid = lax.axis_index("s")
    wid = sid * NC + lax.axis_index("c")
    base = wid * BPW
    sem_g = (sem_g0, sem_g1, sem_g2)
    sem_o = (sem_o0, sem_o1)
    sem_t = (sem_t0, sem_t1, sem_t2)
    idx_b = (idx0_v, idx1_v, idx2_v)
    c_b = (c0_v, c1_v, c2_v)
    ob_b = ((ob00_v, ob01_v, ob02_v), (ob10_v, ob11_v, ob12_v))

    stage_d = pltpu.async_copy(comb_hbm.at[pl.ds(sid * TSL, TSL)],
                               comb_sh.at[pl.ds(sid * TSL, TSL)], sem_s)
    pltpu.sync_copy(r0_hbm, rad0_v)
    pltpu.sync_copy(r1_hbm, rad1_v)
    pltpu.sync_copy(r2_hbm, rad2_v)
    tri_d = [None] * NG
    for p in range(NG):
        tri_d[p] = pltpu.async_copy(tri_hbm.at[pl.ds(base + p * CH, CH)],
                                    idx_b[p], sem_t[p])
    stage_d.wait()
    plsc.subcore_barrier()

    def rad_lookup(g, b):
        cb = c_b[g]
        o0b, o1b, o2b = ob_b[b]

        def vec(j, carry):
            s = pl.ds(j * 16, 16)
            c16 = cb[s]
            o0b[s] = plsc.load_gather(rad0_v, [c16])
            o1b[s] = plsc.load_gather(rad1_v, [c16])
            o2b[s] = plsc.load_gather(rad2_v, [c16])
            return carry

        lax.fori_loop(0, NVEC, vec, 0)

    gather_d = [None] * NG
    out_d = [None, None]
    for p in range(NG):
        tri_d[p].wait()
        gather_d[p] = pltpu.async_copy(comb_sh.at[idx_b[p]], c_b[p], sem_g[p])
    for i in range(NCHUNK):
        g = i % NG
        b = i & 1
        j = i + NG - 1
        if NG <= j < NCHUNK:
            gj = j % NG
            tri_d[gj].wait()
            gather_d[gj] = pltpu.async_copy(comb_sh.at[idx_b[gj]], c_b[gj],
                                            sem_g[gj])
        gather_d[g].wait()
        if out_d[b] is not None:
            for d in out_d[b]:
                d.wait()
        rad_lookup(g, b)
        off = base + i * CH
        out_d[b] = (
            pltpu.async_copy(ob_b[b][0], o0_hbm.at[pl.ds(off, CH)], sem_o[b]),
            pltpu.async_copy(ob_b[b][1], o1_hbm.at[pl.ds(off, CH)], sem_o[b]),
            pltpu.async_copy(ob_b[b][2], o2_hbm.at[pl.ds(off, CH)], sem_o[b]),
        )
        if i + NG < NCHUNK:
            tri_d[g] = pltpu.async_copy(
                tri_hbm.at[pl.ds(base + (i + NG) * CH, CH)], idx_b[g],
                sem_t[g])
    for ds_ in out_d:
        if ds_ is not None:
            for d in ds_:
                d.wait()


_mesh = plsc.VectorSubcoreMesh(core_axis_name="c", subcore_axis_name="s")

_sc_call = pl.kernel(
    _sc_body,
    out_type=tuple(jax.ShapeDtypeStruct((B,), jnp.float32) for _ in range(3)),
    mesh=_mesh,
    compiler_params=pltpu.CompilerParams(needs_layout_passes=False),
    scratch_types=[
        pltpu.VMEM_SHARED((NTP,), jnp.int32),
        pltpu.VMEM((NEP,), jnp.float32),
        pltpu.VMEM((NEP,), jnp.float32),
        pltpu.VMEM((NEP,), jnp.float32),
        pltpu.VMEM((CH,), jnp.int32),
        pltpu.VMEM((CH,), jnp.int32),
        pltpu.VMEM((CH,), jnp.int32),
        pltpu.VMEM((CH,), jnp.int32),
        pltpu.VMEM((CH,), jnp.int32),
        pltpu.VMEM((CH,), jnp.int32),
        pltpu.VMEM((CH,), jnp.float32),
        pltpu.VMEM((CH,), jnp.float32),
        pltpu.VMEM((CH,), jnp.float32),
        pltpu.VMEM((CH,), jnp.float32),
        pltpu.VMEM((CH,), jnp.float32),
        pltpu.VMEM((CH,), jnp.float32),
        pltpu.SemaphoreType.DMA,
        pltpu.SemaphoreType.DMA,
        pltpu.SemaphoreType.DMA,
        pltpu.SemaphoreType.DMA,
        pltpu.SemaphoreType.DMA,
        pltpu.SemaphoreType.DMA,
        pltpu.SemaphoreType.DMA,
        pltpu.SemaphoreType.DMA,
        pltpu.SemaphoreType.DMA,
    ],
)


def kernel(triangle_idx, is_emitter, emitter_idx, radiance):
    comb = jnp.where(
        is_emitter,
        jnp.clip(emitter_idx.astype(jnp.int32), 0, N_EMIT - 1),
        N_EMIT,
    ).astype(jnp.int32)
    comb = jnp.concatenate([comb, jnp.zeros((NTP - N_TRI,), jnp.int32)])
    radpad = jnp.zeros((NEP, 3), jnp.float32)
    radpad = radpad.at[:N_EMIT].set(radiance)
    r0, r1, r2 = radpad[:, 0], radpad[:, 1], radpad[:, 2]
    o0, o1, o2 = _sc_call(triangle_idx.astype(jnp.int32), comb, r0, r1, r2)
    return jnp.stack([o0, o1, o2], axis=1)

# --- scband reference (transcript-rebuilt; emitter-appended) ---
"""Pipeline reference for scband-area-emitter-53455162966342 (READ-ONLY COPY).

The authoritative reference and input builder live on the scoring server;
editing this copy changes nothing except your own understanding.
"""

import jax, jax.numpy as jnp
import numpy as np

N_TRI = 1000000
N_EMIT = 10000
B = 1048576


def setup_inputs(seed: int = 0) -> dict:
    key = jax.random.key(seed)
    k1, k2 = jax.random.split(key, 2)
    triangle_idx = jax.random.randint(k1, (B,), 0, N_TRI)
    # buffers that AreaEmitter.__init__ would load from emitter_path
    is_emitter = jnp.arange(N_TRI) < N_EMIT  # bool[N_TRI]
    emitter_idx = jnp.where(is_emitter, jnp.arange(N_TRI), -1)  # long[N_TRI]
    radiance = jax.random.uniform(k2, (N_EMIT, 3), dtype=jnp.float32) * 10.0
    return {
        "triangle_idx": triangle_idx,
        "is_emitter": is_emitter,
        "emitter_idx": emitter_idx,
        "radiance": radiance,
    }


def reference(triangle_idx, is_emitter, emitter_idx, radiance):
    # forward(triangle_idx): gather emitter radiance for hit triangles
    vis = triangle_idx != -1
    tri_safe = jnp.where(vis, triangle_idx, 0)
    is_area = is_emitter[tri_safe] & vis
    e_idx = emitter_idx[tri_safe]
    e_safe = jnp.where(is_area, e_idx, 0)
    Le = jnp.where(is_area[:, None], radiance[e_safe], 0.0)
    Le = Le * vis[:, None].astype(Le.dtype)
    return Le

if __name__ == "__main__":
    import jax
    _d = setup_inputs()
    print(jax.jit(kernel)(*tuple(_d.values())))

</pallas_src>

<mosaic_0001>
#map = affine_map<(d0, d1) -> (0)>
module attributes {stable_mosaic.version = 14 : i64} {
  func.func @_sc_body(%arg0: i32, %arg1: i32, %arg2: memref<1048576xi32, #tpu.memory_space<hbm>>, %arg3: memref<1048576xi32, #tpu.memory_space<hbm>>, %arg4: memref<10112xf32, #tpu.memory_space<hbm>>, %arg5: memref<10112xf32, #tpu.memory_space<hbm>>, %arg6: memref<10112xf32, #tpu.memory_space<hbm>>, %arg7: memref<1048576xf32, #tpu.memory_space<hbm>>, %arg8: memref<1048576xf32, #tpu.memory_space<hbm>>, %arg9: memref<1048576xf32, #tpu.memory_space<hbm>>, %arg10: memref<1048576xi32, #tpu.memory_space<vmem_shared>>, %arg11: memref<10112xf32, #tpu.memory_space<vmem>>, %arg12: memref<10112xf32, #tpu.memory_space<vmem>>, %arg13: memref<10112xf32, #tpu.memory_space<vmem>>, %arg14: memref<2048xi32, #tpu.memory_space<vmem>>, %arg15: memref<2048xi32, #tpu.memory_space<vmem>>, %arg16: memref<2048xi32, #tpu.memory_space<vmem>>, %arg17: memref<2048xi32, #tpu.memory_space<vmem>>, %arg18: memref<2048xi32, #tpu.memory_space<vmem>>, %arg19: memref<2048xi32, #tpu.memory_space<vmem>>, %arg20: memref<2048xf32, #tpu.memory_space<vmem>>, %arg21: memref<2048xf32, #tpu.memory_space<vmem>>, %arg22: memref<2048xf32, #tpu.memory_space<vmem>>, %arg23: memref<2048xf32, #tpu.memory_space<vmem>>, %arg24: memref<2048xf32, #tpu.memory_space<vmem>>, %arg25: memref<2048xf32, #tpu.memory_space<vmem>>, %arg26: memref<!tpu.dma_semaphore, #tpu.memory_space<semaphore_mem>>, %arg27: memref<!tpu.dma_semaphore, #tpu.memory_space<semaphore_mem>>, %arg28: memref<!tpu.dma_semaphore, #tpu.memory_space<semaphore_mem>>, %arg29: memref<!tpu.dma_semaphore, #tpu.memory_space<semaphore_mem>>, %arg30: memref<!tpu.dma_semaphore, #tpu.memory_space<semaphore_mem>>, %arg31: memref<!tpu.dma_semaphore, #tpu.memory_space<semaphore_mem>>, %arg32: memref<!tpu.dma_semaphore, #tpu.memory_space<semaphore_mem>>, %arg33: memref<!tpu.dma_semaphore, #tpu.memory_space<semaphore_mem>>, %arg34: memref<!tpu.dma_semaphore, #tpu.memory_space<semaphore_mem>>) attributes {dimension_semantics = [#tpu.dimension_semantics<core_parallel>, #tpu.dimension_semantics<subcore_parallel>], iteration_bounds = array<i64: 2, 16>, scalar_prefetch = 0 : i64, scratch_operands = 25 : i64, tpu.core_type = #tpu.core_type<sc_vector_subcore>, window_params = [{transform_indices = #map}, {transform_indices = #map}, {transform_indices = #map}, {transform_indices = #map}, {transform_indices = #map}, {transform_indices = #map}, {transform_indices = #map}, {transform_indices = #map}]} {
    %mul3A = arith.constant 2 : i32
    %mul3A_0 = arith.muli %arg1, %mul3A : i32
    %add3A = arith.addi %mul3A_0, %arg0 : i32
    %mul3A_1 = arith.constant 32768 : i32
    %mul3A_2 = arith.muli %add3A, %mul3A_1 : i32
    %mul3A_3 = arith.constant 65536 : i32
    %mul3A_4 = arith.muli %arg1, %mul3A_3 : i32
    %mul3A_5 = arith.constant 65536 : i32
    %mul3A_6 = arith.muli %arg1, %mul3A_5 : i32
    %dma_start3A = tpu.memref_slice %arg10[%mul3A_6] : memref<1048576xi32, #tpu.memory_space<vmem_shared>> -> memref<65536xi32, #tpu.memory_space<vmem_shared>>
    %dma_start3A_7 = tpu.memref_slice %arg3[%mul3A_4] : memref<1048576xi32, #tpu.memory_space<hbm>> -> memref<65536xi32, #tpu.memory_space<hbm>>
    tpu.enqueue_dma source(%dma_start3A_7 : memref<65536xi32, #tpu.memory_space<hbm>>) target(%dma_start3A : memref<65536xi32, #tpu.memory_space<vmem_shared>>) target_semaphore(%arg31 : memref<!tpu.dma_semaphore, #tpu.memory_space<semaphore_mem>>)
    "tpu.region"() ({
      %run_scoped3A = tpu.sem_alloc : memref<!tpu.dma_semaphore, #tpu.memory_space<semaphore_mem>>
      tpu.enqueue_dma source(%arg4 : memref<10112xf32, #tpu.memory_space<hbm>>) target(%arg11 : memref<10112xf32, #tpu.memory_space<vmem>>) target_semaphore(%run_scoped3A : memref<!tpu.dma_semaphore, #tpu.memory_space<semaphore_mem>>)
      tpu.wait_dma2 semaphore(%run_scoped3A : memref<!tpu.dma_semaphore, #tpu.memory_space<semaphore_mem>>) src(%arg4 : memref<10112xf32, #tpu.memory_space<hbm>>) dst(%arg11 : memref<10112xf32, #tpu.memory_space<vmem>>)
      tpu.yield
    }) : () -> ()
    "tpu.region"() ({
      %run_scoped3A = tpu.sem_alloc : memref<!tpu.dma_semaphore, #tpu.memory_space<semaphore_mem>>
      tpu.enqueue_dma source(%arg5 : memref<10112xf32, #tpu.memory_space<hbm>>) target(%arg12 : memref<10112xf32, #tpu.memory_space<vmem>>) target_semaphore(%run_scoped3A : memref<!tpu.dma_semaphore, #tpu.memory_space<semaphore_mem>>)
      tpu.wait_dma2 semaphore(%run_scoped3A : memref<!tpu.dma_semaphore, #tpu.memory_space<semaphore_mem>>) src(%arg5 : memref<10112xf32, #tpu.memory_space<hbm>>) dst(%arg12 : memref<10112xf32, #tpu.memory_space<vmem>>)
      tpu.yield
    }) : () -> ()
    "tpu.region"() ({
      %run_scoped3A = tpu.sem_alloc : memref<!tpu.dma_semaphore, #tpu.memory_space<semaphore_mem>>
      tpu.enqueue_dma source(%arg6 : memref<10112xf32, #tpu.memory_space<hbm>>) target(%arg13 : memref<10112xf32, #tpu.memory_space<vmem>>) target_semaphore(%run_scoped3A : memref<!tpu.dma_semaphore, #tpu.memory_space<semaphore_mem>>)
      tpu.wait_dma2 semaphore(%run_scoped3A : memref<!tpu.dma_semaphore, #tpu.memory_space<semaphore_mem>>) src(%arg6 : memref<10112xf32, #tpu.memory_space<hbm>>) dst(%arg13 : memref<10112xf32, #tpu.memory_space<vmem>>)
      tpu.yield
    }) : () -> ()
    %add3A_8 = arith.constant 0 : i32
    %add3A_9 = arith.addi %mul3A_2, %add3A_8 : i32
    %dma_start3A_10 = tpu.memref_slice %arg2[%add3A_9] : memref<1048576xi32, #tpu.memory_space<hbm>> -> memref<2048xi32, #tpu.memory_space<hbm>>
    %dma_start3A_11 = tpu.memref_slice %arg2[%add3A_9] : memref<1048576xi32, #tpu.memory_space<hbm>> -> memref<2048xi32, #tpu.memory_space<hbm>>
    tpu.enqueue_dma source(%dma_start3A_11 : memref<2048xi32, #tpu.memory_space<hbm>>) target(%arg14 : memref<2048xi32, #tpu.memory_space<vmem>>) target_semaphore(%arg32 : memref<!tpu.dma_semaphore, #tpu.memory_space<semaphore_mem>>)
    %add3A_12 = arith.constant 2048 : i32
    %add3A_13 = arith.addi %mul3A_2, %add3A_12 : i32
    %dma_start3A_14 = tpu.memref_slice %arg2[%add3A_13] : memref<1048576xi32, #tpu.memory_space<hbm>> -> memref<2048xi32, #tpu.memory_space<hbm>>
    %dma_start3A_15 = tpu.memref_slice %arg2[%add3A_13] : memref<1048576xi32, #tpu.memory_space<hbm>> -> memref<2048xi32, #tpu.memory_space<hbm>>
    tpu.enqueue_dma source(%dma_start3A_15 : memref<2048xi32, #tpu.memory_space<hbm>>) target(%arg15 : memref<2048xi32, #tpu.memory_space<vmem>>) target_semaphore(%arg33 : memref<!tpu.dma_semaphore, #tpu.memory_space<semaphore_mem>>)
    %add3A_16 = arith.constant 4096 : i32
    %add3A_17 = arith.addi %mul3A_2, %add3A_16 : i32
    %dma_start3A_18 = tpu.memref_slice %arg2[%add3A_17] : memref<1048576xi32, #tpu.memory_space<hbm>> -> memref<2048xi32, #tpu.memory_space<hbm>>
    %dma_start3A_19 = tpu.memref_slice %arg2[%add3A_17] : memref<1048576xi32, #tpu.memory_space<hbm>> -> memref<2048xi32, #tpu.memory_space<hbm>>
    tpu.enqueue_dma source(%dma_start3A_19 : memref<2048xi32, #tpu.memory_space<hbm>>) target(%arg16 : memref<2048xi32, #tpu.memory_space<vmem>>) target_semaphore(%arg34 : memref<!tpu.dma_semaphore, #tpu.memory_space<semaphore_mem>>)
    %dma_wait3A = tpu.memref_slice %arg10[%mul3A_6] : memref<1048576xi32, #tpu.memory_space<vmem_shared>> -> memref<65536xi32, #tpu.memory_space<vmem_shared>>
    %dma_wait3A_20 = tpu.memref_slice %arg3[%mul3A_4] : memref<1048576xi32, #tpu.memory_space<hbm>> -> memref<65536xi32, #tpu.memory_space<hbm>>
    tpu.wait_dma2 semaphore(%arg31 : memref<!tpu.dma_semaphore, #tpu.memory_space<semaphore_mem>>) src(%dma_wait3A_20 : memref<65536xi32, #tpu.memory_space<hbm>>) dst(%dma_wait3A : memref<65536xi32, #tpu.memory_space<vmem_shared>>)
    %barrier3A = arith.constant 0 : index
    tpu.barrier barrier_id(%barrier3A)
    %dma_wait3A_21 = tpu.memref_slice %arg2[%add3A_9] : memref<1048576xi32, #tpu.memory_space<hbm>> -> memref<2048xi32, #tpu.memory_space<hbm>>
    %dma_wait3A_22 = tpu.memref_slice %arg2[%add3A_9] : memref<1048576xi32, #tpu.memory_space<hbm>> -> memref<2048xi32, #tpu.memory_space<hbm>>
    tpu.wait_dma2 semaphore(%arg32 : memref<!tpu.dma_semaphore, #tpu.memory_space<semaphore_mem>>) src(%dma_wait3A_22 : memref<2048xi32, #tpu.memory_space<hbm>>) dst(%arg14 : memref<2048xi32, #tpu.memory_space<vmem>>)
    %dma_start3A_23 = arith.constant 0 : i32
    %dma_start3A_24 = tpu.memref_slice %arg10[%dma_start3A_23] : memref<1048576xi32, #tpu.memory_space<vmem_shared>> -> memref<1048576xi32, #tpu.memory_space<vmem_shared>>
    tpu.enqueue_indirect_dma source(%dma_start3A_24 : memref<1048576xi32, #tpu.memory_space<vmem_shared>>) target(%arg17 : memref<2048xi32, #tpu.memory_space<vmem>>) offsets(%arg14 : memref<2048xi32, #tpu.memory_space<vmem>>) semaphore(%arg26 : memref<!tpu.dma_semaphore, #tpu.memory_space<semaphore_mem>>)
    %dma_wait3A_25 = tpu.memref_slice %arg2[%add3A_13] : memref<1048576xi32, #tpu.memory_space<hbm>> -> memref<2048xi32, #tpu.memory_space<hbm>>
    %dma_wait3A_26 = tpu.memref_slice %arg2[%add3A_13] : memref<1048576xi32, #tpu.memory_space<hbm>> -> memref<2048xi32, #tpu.memory_space<hbm>>
    tpu.wait_dma2 semaphore(%arg33 : memref<!tpu.dma_semaphore, #tpu.memory_space<semaphore_mem>>) src(%dma_wait3A_26 : memref<2048xi32, #tpu.memory_space<hbm>>) dst(%arg15 : memref<2048xi32, #tpu.memory_space<vmem>>)
    %dma_start3A_27 = arith.constant 0 : i32
    %dma_start3A_28 = tpu.memref_slice %arg10[%dma_start3A_27] : memref<1048576xi32, #tpu.memory_space<vmem_shared>> -> memref<1048576xi32, #tpu.memory_space<vmem_shared>>
    tpu.enqueue_indirect_dma source(%dma_start3A_28 : memref<1048576xi32, #tpu.memory_space<vmem_shared>>) target(%arg18 : memref<2048xi32, #tpu.memory_space<vmem>>) offsets(%arg15 : memref<2048xi32, #tpu.memory_space<vmem>>) semaphore(%arg27 : memref<!tpu.dma_semaphore, #tpu.memory_space<semaphore_mem>>)
    %dma_wait3A_29 = tpu.memref_slice %arg2[%add3A_17] : memref<1048576xi32, #tpu.memory_space<hbm>> -> memref<2048xi32, #tpu.memory_space<hbm>>
    %dma_wait3A_30 = tpu.memref_slice %arg2[%add3A_17] : memref<1048576xi32, #tpu.memory_space<hbm>> -> memref<2048xi32, #tpu.memory_space<hbm>>
    tpu.wait_dma2 semaphore(%arg34 : memref<!tpu.dma_semaphore, #tpu.memory_space<semaphore_mem>>) src(%dma_wait3A_30 : memref<2048xi32, #tpu.memory_space<hbm>>) dst(%arg16 : memref<2048xi32, #tpu.memory_space<vmem>>)
    %dma_start3A_31 = arith.constant 0 : i32
    %dma_start3A_32 = tpu.memref_slice %arg10[%dma_start3A_31] : memref<1048576xi32, #tpu.memory_space<vmem_shared>> -> memref<1048576xi32, #tpu.memory_space<vmem_shared>>
    tpu.enqueue_indirect_dma source(%dma_start3A_32 : memref<1048576xi32, #tpu.memory_space<vmem_shared>>) target(%arg19 : memref<2048xi32, #tpu.memory_space<vmem>>) offsets(%arg16 : memref<2048xi32, #tpu.memory_space<vmem>>) semaphore(%arg28 : memref<!tpu.dma_semaphore, #tpu.memory_space<semaphore_mem>>)
    %dma_wait3A_33 = arith.constant 0 : i32
    %dma_wait3A_34 = tpu.memref_slice %arg10[%dma_wait3A_33] : memref<1048576xi32, #tpu.memory_space<vmem_shared>> -> memref<1048576xi32, #tpu.memory_space<vmem_shared>>
    tpu.wait_indirect_dma semaphore(%arg26 : memref<!tpu.dma_semaphore, #tpu.memory_space<semaphore_mem>>) src(%dma_wait3A_34 : memref<1048576xi32, #tpu.memory_space<vmem_shared>>) dst(%arg17 : memref<2048xi32, #tpu.memory_space<vmem>>)
    %scan3A = arith.constant 0 : i32
    %scan3A_35 = arith.constant 0 : i32
    %scan3A_36 = arith.constant 128 : i32
    %scan3A_37 = arith.addi %scan3A_35, %scan3A_36 : i32
    %scan3A_38 = arith.constant 1 : i32
    scf.for %scan3A_488 = %scan3A_35 to %scan3A_37 step %scan3A_38  : i32 {
      %mul3A_489 = arith.constant 16 : i32
      %mul3A_490 = arith.muli %scan3A_488, %mul3A_489 : i32
      %get3A = arith.index_cast %mul3A_490 : i32 to index
      %get3A_491 = tpu.vector_load %arg17[%get3A] {strides = array<i32>} : memref<2048xi32, #tpu.memory_space<vmem>>, vector<16xi32>,
      %gather3A = tpu.vector_load_idx %arg11[%get3A_491] : memref<10112xf32, #tpu.memory_space<vmem>>[vector<16xi32>], vector<16xf32>,
      %swap3A = arith.index_cast %mul3A_490 : i32 to index
      %swap3A_492 = tpu.vector_load %arg20[%swap3A] {strides = array<i32>} : memref<2048xf32, #tpu.memory_space<vmem>>, vector<16xf32>,
      tpu.vector_store %arg20[%swap3A], %gather3A {strides = array<i32>} : memref<2048xf32, #tpu.memory_space<vmem>>, vector<16xf32>,
      %gather3A_493 = tpu.vector_load_idx %arg12[%get3A_491] : memref<10112xf32, #tpu.memory_space<vmem>>[vector<16xi32>], vector<16xf32>,
      %swap3A_494 = arith.index_cast %mul3A_490 : i32 to index
      %swap3A_495 = tpu.vector_load %arg21[%swap3A_494] {strides = array<i32>} : memref<2048xf32, #tpu.memory_space<vmem>>, vector<16xf32>,
      tpu.vector_store %arg21[%swap3A_494], %gather3A_493 {strides = array<i32>} : memref<2048xf32, #tpu.memory_space<vmem>>, vector<16xf32>,
      %gather3A_496 = tpu.vector_load_idx %arg13[%get3A_491] : memref<10112xf32, #tpu.memory_space<vmem>>[vector<16xi32>], vector<16xf32>,
      %swap3A_497 = arith.index_cast %mul3A_490 : i32 to index
      %swap3A_498 = tpu.vector_load %arg22[%swap3A_497] {strides = array<i32>} : memref<2048xf32, #tpu.memory_space<vmem>>, vector<16xf32>,
      tpu.vector_store %arg22[%swap3A_497], %gather3A_496 {strides = array<i32>} : memref<2048xf32, #tpu.memory_space<vmem>>, vector<16xf32>,
    }
    %scan3A_39 = arith.constant 128 : i32
    %add3A_40 = arith.constant 0 : i32
    %add3A_41 = arith.addi %mul3A_2, %add3A_40 : i32
    %dma_start3A_42 = tpu.memref_slice %arg7[%add3A_41] : memref<1048576xf32, #tpu.memory_space<hbm>> -> memref<2048xf32, #tpu.memory_space<hbm>>
    %dma_start3A_43 = tpu.memref_slice %arg7[%add3A_41] : memref<1048576xf32, #tpu.memory_space<hbm>> -> memref<2048xf32, #tpu.memory_space<hbm>>
    tpu.enqueue_dma source(%arg20 : memref<2048xf32, #tpu.memory_space<vmem>>) target(%dma_start3A_43 : memref<2048xf32, #tpu.memory_space<hbm>>) target_semaphore(%arg29 : memref<!tpu.dma_semaphore, #tpu.memory_space<semaphore_mem>>)
    %dma_start3A_44 = tpu.memref_slice %arg8[%add3A_41] : memref<1048576xf32, #tpu.memory_space<hbm>> -> memref<2048xf32, #tpu.memory_space<hbm>>
    %dma_start3A_45 = tpu.memref_slice %arg8[%add3A_41] : memref<1048576xf32, #tpu.memory_space<hbm>> -> memref<2048xf32, #tpu.memory_space<hbm>>
    tpu.enqueue_dma source(%arg21 : memref<2048xf32, #tpu.memory_space<vmem>>) target(%dma_start3A_45 : memref<2048xf32, #tpu.memory_space<hbm>>) target_semaphore(%arg29 : memref<!tpu.dma_semaphore, #tpu.memory_space<semaphore_mem>>)
    %dma_start3A_46 = tpu.memref_slice %arg9[%add3A_41] : memref<1048576xf32, #tpu.memory_space<hbm>> -> memref<2048xf32, #tpu.memory_space<hbm>>
    %dma_start3A_47 = tpu.memref_slice %arg9[%add3A_41] : memref<1048576xf32, #tpu.memory_space<hbm>> -> memref<2048xf32, #tpu.memory_space<hbm>>
    tpu.enqueue_dma source(%arg22 : memref<2048xf32, #tpu.memory_space<vmem>>) target(%dma_start3A_47 : memref<2048xf32, #tpu.memory_space<hbm>>) target_semaphore(%arg29 : memref<!tpu.dma_semaphore, #tpu.memory_space<semaphore_mem>>)
    %add3A_48 = arith.constant 6144 : i32
    %add3A_49 = arith.addi %mul3A_2, %add3A_48 : i32
    %dma_start3A_50 = tpu.memref_slice %arg2[%add3A_49] : memref<1048576xi32, #tpu.memory_space<hbm>> -> memref<2048xi32, #tpu.memory_space<hbm>>
    %dma_start3A_51 = tpu.memref_slice %arg2[%add3A_49] : memref<1048576xi32, #tpu.memory_space<hbm>> -> memref<2048xi32, #tpu.memory_space<hbm>>
    tpu.enqueue_dma source(%dma_start3A_51 : memref<2048xi32, #tpu.memory_space<hbm>>) target(%arg14 : memref<2048xi32, #tpu.memory_space<vmem>>) target_semaphore(%arg32 : memref<!tpu.dma_semaphore, #tpu.memory_space<semaphore_mem>>)
    %dma_wait3A_52 = tpu.memref_slice %arg2[%add3A_49] : memref<1048576xi32, #tpu.memory_space<hbm>> -> memref<2048xi32, #tpu.memory_space<hbm>>
    %dma_wait3A_53 = tpu.memref_slice %arg2[%add3A_49] : memref<1048576xi32, #tpu.memory_space<hbm>> -> memref<2048xi32, #tpu.memory_space<hbm>>
    tpu.wait_dma2 semaphore(%arg32 : memref<!tpu.dma_semaphore, #tpu.memory_space<semaphore_mem>>) src(%dma_wait3A_53 : memref<2048xi32, #tpu.memory_space<hbm>>) dst(%arg14 : memref<2048xi32, #tpu.memory_space<vmem>>)
    %dma_start3A_54 = arith.constant 0 : i32
    %dma_start3A_55 = tpu.memref_slice %arg10[%dma_start3A_54] : memref<1048576xi32, #tpu.memory_space<vmem_shared>> -> memref<1048576xi32, #tpu.memory_space<vmem_shared>>
    tpu.enqueue_indirect_dma source(%dma_start3A_55 : memref<1048576xi32, #tpu.memory_space<vmem_shared>>) target(%arg17 : memref<2048xi32, #tpu.memory_space<vmem>>) offsets(%arg14 : memref<2048xi32, #tpu.memory_space<vmem>>) semaphore(%arg26 : memref<!tpu.dma_semaphore, #tpu.memory_space<semaphore_mem>>)
    %dma_wait3A_56 = arith.constant 0 : i32
    %dma_wait3A_57 = tpu.memref_slice %arg10[%dma_wait3A_56] : memref<1048576xi32, #tpu.memory_space<vmem_shared>> -> memref<1048576xi32, #tpu.memory_space<vmem_shared>>
    tpu.wait_indirect_dma semaphore(%arg27 : memref<!tpu.dma_semaphore, #tpu.memory_space<semaphore_mem>>) src(%dma_wait3A_57 : memref<1048576xi32, #tpu.memory_space<vmem_shared>>) dst(%arg18 : memref<2048xi32, #tpu.memory_space<vmem>>)
    %scan3A_58 = arith.constant 0 : i32
    %scan3A_59 = arith.constant 0 : i32
    %scan3A_60 = arith.constant 128 : i32
    %scan3A_61 = arith.addi %scan3A_59, %scan3A_60 : i32
    %scan3A_62 = arith.constant 1 : i32
    scf.for %scan3A_488 = %scan3A_59 to %scan3A_61 step %scan3A_62  : i32 {
      %mul3A_489 = arith.constant 16 : i32
      %mul3A_490 = arith.muli %scan3A_488, %mul3A_489 : i32
      %get3A = arith.index_cast %mul3A_490 : i32 to index
      %get3A_491 = tpu.vector_load %arg18[%get3A] {strides = array<i32>} : memref<2048xi32, #tpu.memory_space<vmem>>, vector<16xi32>,
      %gather3A = tpu.vector_load_idx %arg11[%get3A_491] : memref<10112xf32, #tpu.memory_space<vmem>>[vector<16xi32>], vector<16xf32>,
      %swap3A = arith.index_cast %mul3A_490 : i32 to index
      %swap3A_492 = tpu.vector_load %arg23[%swap3A] {strides = array<i32>} : memref<2048xf32, #tpu.memory_space<vmem>>, vector<16xf32>,
      tpu.vector_store %arg23[%swap3A], %gather3A {strides = array<i32>} : memref<2048xf32, #tpu.memory_space<vmem>>, vector<16xf32>,
      %gather3A_493 = tpu.vector_load_idx %arg12[%get3A_491] : memref<10112xf32, #tpu.memory_space<vmem>>[vector<16xi32>], vector<16xf32>,
      %swap3A_494 = arith.index_cast %mul3A_490 : i32 to index
      %swap3A_495 = tpu.vector_load %arg24[%swap3A_494] {strides = array<i32>} : memref<2048xf32, #tpu.memory_space<vmem>>, vector<16xf32>,
      tpu.vector_store %arg24[%swap3A_494], %gather3A_493 {strides = array<i32>} : memref<2048xf32, #tpu.memory_space<vmem>>, vector<16xf32>,
      %gather3A_496 = tpu.vector_load_idx %arg13[%get3A_491] : memref<10112xf32, #tpu.memory_space<vmem>>[vector<16xi32>], vector<16xf32>,
      %swap3A_497 = arith.index_cast %mul3A_490 : i32 to index
      %swap3A_498 = tpu.vector_load %arg25[%swap3A_497] {strides = array<i32>} : memref<2048xf32, #tpu.memory_space<vmem>>, vector<16xf32>,
      tpu.vector_store %arg25[%swap3A_497], %gather3A_496 {strides = array<i32>} : memref<2048xf32, #tpu.memory_space<vmem>>, vector<16xf32>,
    }
    %scan3A_63 = arith.constant 128 : i32
    %add3A_64 = arith.constant 2048 : i32
    %add3A_65 = arith.addi %mul3A_2, %add3A_64 : i32
    %dma_start3A_66 = tpu.memref_slice %arg7[%add3A_65] : memref<1048576xf32, #tpu.memory_space<hbm>> -> memref<2048xf32, #tpu.memory_space<hbm>>
    %dma_start3A_67 = tpu.memref_slice %arg7[%add3A_65] : memref<1048576xf32, #tpu.memory_space<hbm>> -> memref<2048xf32, #tpu.memory_space<hbm>>
    tpu.enqueue_dma source(%arg23 : memref<2048xf32, #tpu.memory_space<vmem>>) target(%dma_start3A_67 : memref<2048xf32, #tpu.memory_space<hbm>>) target_semaphore(%arg30 : memref<!tpu.dma_semaphore, #tpu.memory_space<semaphore_mem>>)
    %dma_start3A_68 = tpu.memref_slice %arg8[%add3A_65] : memref<1048576xf32, #tpu.memory_space<hbm>> -> memref<2048xf32, #tpu.memory_space<hbm>>
    %dma_start3A_69 = tpu.memref_slice %arg8[%add3A_65] : memref<1048576xf32, #tpu.memory_space<hbm>> -> memref<2048xf32, #tpu.memory_space<hbm>>
    tpu.enqueue_dma source(%arg24 : memref<2048xf32, #tpu.memory_space<vmem>>) target(%dma_start3A_69 : memref<2048xf32, #tpu.memory_space<hbm>>) target_semaphore(%arg30 : memref<!tpu.dma_semaphore, #tpu.memory_space<semaphore_mem>>)
    %dma_start3A_70 = tpu.memref_slice %arg9[%add3A_65] : memref<1048576xf32, #tpu.memory_space<hbm>> -> memref<2048xf32, #tpu.memory_space<hbm>>
    %dma_start3A_71 = tpu.memref_slice %arg9[%add3A_65] : memref<1048576xf32, #tpu.memory_space<hbm>> -> memref<2048xf32, #tpu.memory_space<hbm>>
    tpu.enqueue_dma source(%arg25 : memref<2048xf32, #tpu.memory_space<vmem>>) target(%dma_start3A_71 : memref<2048xf32, #tpu.memory_space<hbm>>) target_semaphore(%arg30 : memref<!tpu.dma_semaphore, #tpu.memory_space<semaphore_mem>>)
    %add3A_72 = arith.constant 8192 : i32
    %add3A_73 = arith.addi %mul3A_2, %add3A_72 : i32
    %dma_start3A_74 = tpu.memref_slice %arg2[%add3A_73] : memref<1048576xi32, #tpu.memory_space<hbm>> -> memref<2048xi32, #tpu.memory_space<hbm>>
    %dma_start3A_75 = tpu.memref_slice %arg2[%add3A_73] : memref<1048576xi32, #tpu.memory_space<hbm>> -> memref<2048xi32, #tpu.memory_space<hbm>>
    tpu.enqueue_dma source(%dma_start3A_75 : memref<2048xi32, #tpu.memory_space<hbm>>) target(%arg15 : memref<2048xi32, #tpu.memory_space<vmem>>) target_semaphore(%arg33 : memref<!tpu.dma_semaphore, #tpu.memory_space<semaphore_mem>>)
    %dma_wait3A_76 = tpu.memref_slice %arg2[%add3A_73] : memref<1048576xi32, #tpu.memory_space<hbm>> -> memref<2048xi32, #tpu.memory_space<hbm>>
    %dma_wait3A_77 = tpu.memref_slice %arg2[%add3A_73] : memref<1048576xi32, #tpu.memory_space<hbm>> -> memref<2048xi32, #tpu.memory_space<hbm>>
    tpu.wait_dma2 semaphore(%arg33 : memref<!tpu.dma_semaphore, #tpu.memory_space<semaphore_mem>>) src(%dma_wait3A_77 : memref<2048xi32, #tpu.memory_space<hbm>>) dst(%arg15 : memref<2048xi32, #tpu.memory_space<vmem>>)
    %dma_start3A_78 = arith.constant 0 : i32
    %dma_start3A_79 = tpu.memref_slice %arg10[%dma_start3A_78] : memref<1048576xi32, #tpu.memory_space<vmem_shared>> -> memref<1048576xi32, #tpu.memory_space<vmem_shared>>
    tpu.enqueue_indirect_dma source(%dma_start3A_79 : memref<1048576xi32, #tpu.memory_space<vmem_shared>>) target(%arg18 : memref<2048xi32, #tpu.memory_space<vmem>>) offsets(%arg15 : memref<2048xi32, #tpu.memory_space<vmem>>) semaphore(%arg27 : memref<!tpu.dma_semaphore, #tpu.memory_space<semaphore_mem>>)
    %dma_wait3A_80 = arith.constant 0 : i32
    %dma_wait3A_81 = tpu.memref_slice %arg10[%dma_wait3A_80] : memref<1048576xi32, #tpu.memory_space<vmem_shared>> -> memref<1048576xi32, #tpu.memory_space<vmem_shared>>
    tpu.wait_indirect_dma semaphore(%arg28 : memref<!tpu.dma_semaphore, #tpu.memory_space<semaphore_mem>>) src(%dma_wait3A_81 : memref<1048576xi32, #tpu.memory_space<vmem_shared>>) dst(%arg19 : memref<2048xi32, #tpu.memory_space<vmem>>)
    %dma_wait3A_82 = tpu.memref_slice %arg7[%add3A_41] : memref<1048576xf32, #tpu.memory_space<hbm>> -> memref<2048xf32, #tpu.memory_space<hbm>>
    %dma_wait3A_83 = tpu.memref_slice %arg7[%add3A_41] : memref<1048576xf32, #tpu.memory_space<hbm>> -> memref<2048xf32, #tpu.memory_space<hbm>>
    tpu.wait_dma2 semaphore(%arg29 : memref<!tpu.dma_semaphore, #tpu.memory_space<semaphore_mem>>) src(%arg20 : memref<2048xf32, #tpu.memory_space<vmem>>) dst(%dma_wait3A_83 : memref<2048xf32, #tpu.memory_space<hbm>>)
    %dma_wait3A_84 = tpu.memref_slice %arg8[%add3A_41] : memref<1048576xf32, #tpu.memory_space<hbm>> -> memref<2048xf32, #tpu.memory_space<hbm>>
    %dma_wait3A_85 = tpu.memref_slice %arg8[%add3A_41] : memref<1048576xf32, #tpu.memory_space<hbm>> -> memref<2048xf32, #tpu.memory_space<hbm>>
    tpu.wait_dma2 semaphore(%arg29 : memref<!tpu.dma_semaphore, #tpu.memory_space<semaphore_mem>>) src(%arg21 : memref<2048xf32, #tpu.memory_space<vmem>>) dst(%dma_wait3A_85 : memref<2048xf32, #tpu.memory_space<hbm>>)
    %dma_wait3A_86 = tpu.memref_slice %arg9[%add3A_41] : memref<1048576xf32, #tpu.memory_space<hbm>> -> memref<2048xf32, #tpu.memory_space<hbm>>
    %dma_wait3A_87 = tpu.memref_slice %arg9[%add3A_41] : memref<1048576xf32, #tpu.memory_space<hbm>> -> memref<2048xf32, #tpu.memory_space<hbm>>
    tpu.wait_dma2 semaphore(%arg29 : memref<!tpu.dma_semaphore, #tpu.memory_space<semaphore_mem>>) src(%arg22 : memref<2048xf32, #tpu.memory_space<vmem>>) dst(%dma_wait3A_87 : memref<2048xf32, #tpu.memory_space<hbm>>)
    %scan3A_88 = arith.constant 0 : i32
    %scan3A_89 = arith.constant 0 : i32
    %scan3A_90 = arith.constant 128 : i32
    %scan3A_91 = arith.addi %scan3A_89, %scan3A_90 : i32
    %scan3A_92 = arith.constant 1 : i32
    scf.for %scan3A_488 = %scan3A_89 to %scan3A_91 step %scan3A_92  : i32 {
      %mul3A_489 = arith.constant 16 : i32
      %mul3A_490 = arith.muli %scan3A_488, %mul3A_489 : i32
      %get3A = arith.index_cast %mul3A_490 : i32 to index
      %get3A_491 = tpu.vector_load %arg19[%get3A] {strides = array<i32>} : memref<2048xi32, #tpu.memory_space<vmem>>, vector<16xi32>,
      %gather3A = tpu.vector_load_idx %arg11[%get3A_491] : memref<10112xf32, #tpu.memory_space<vmem>>[vector<16xi32>], vector<16xf32>,
      %swap3A = arith.index_cast %mul3A_490 : i32 to index
      %swap3A_492 = tpu.vector_load %arg20[%swap3A] {strides = array<i32>} : memref<2048xf32, #tpu.memory_space<vmem>>, vector<16xf32>,
      tpu.vector_store %arg20[%swap3A], %gather3A {strides = array<i32>} : memref<2048xf32, #tpu.memory_space<vmem>>, vector<16xf32>,
      %gather3A_493 = tpu.vector_load_idx %arg12[%get3A_491] : memref<10112xf32, #tpu.memory_space<vmem>>[vector<16xi32>], vector<16xf32>,
      %swap3A_494 = arith.index_cast %mul3A_490 : i32 to index
      %swap3A_495 = tpu.vector_load %arg21[%swap3A_494] {strides = array<i32>} : memref<2048xf32, #tpu.memory_space<vmem>>, vector<16xf32>,
      tpu.vector_store %arg21[%swap3A_494], %gather3A_493 {strides = array<i32>} : memref<2048xf32, #tpu.memory_space<vmem>>, vector<16xf32>,
      %gather3A_496 = tpu.vector_load_idx %arg13[%get3A_491] : memref<10112xf32, #tpu.memory_space<vmem>>[vector<16xi32>], vector<16xf32>,
      %swap3A_497 = arith.index_cast %mul3A_490 : i32 to index
      %swap3A_498 = tpu.vector_load %arg22[%swap3A_497] {strides = array<i32>} : memref<2048xf32, #tpu.memory_space<vmem>>, vector<16xf32>,
      tpu.vector_store %arg22[%swap3A_497], %gather3A_496 {strides = array<i32>} : memref<2048xf32, #tpu.memory_space<vmem>>, vector<16xf32>,
    }
    %scan3A_93 = arith.constant 128 : i32
    %add3A_94 = arith.constant 4096 : i32
    %add3A_95 = arith.addi %mul3A_2, %add3A_94 : i32
    %dma_start3A_96 = tpu.memref_slice %arg7[%add3A_95] : memref<1048576xf32, #tpu.memory_space<hbm>> -> memref<2048xf32, #tpu.memory_space<hbm>>
    %dma_start3A_97 = tpu.memref_slice %arg7[%add3A_95] : memref<1048576xf32, #tpu.memory_space<hbm>> -> memref<2048xf32, #tpu.memory_space<hbm>>
    tpu.enqueue_dma source(%arg20 : memref<2048xf32, #tpu.memory_space<vmem>>) target(%dma_start3A_97 : memref<2048xf32, #tpu.memory_space<hbm>>) target_semaphore(%arg29 : memref<!tpu.dma_semaphore, #tpu.memory_space<semaphore_mem>>)
    %dma_start3A_98 = tpu.memref_slice %arg8[%add3A_95] : memref<1048576xf32, #tpu.memory_space<hbm>> -> memref<2048xf32, #tpu.memory_space<hbm>>
    %dma_start3A_99 = tpu.memref_slice %arg8[%add3A_95] : memref<1048576xf32, #tpu.memory_space<hbm>> -> memref<2048xf32, #tpu.memory_space<hbm>>
    tpu.enqueue_dma source(%arg21 : memref<2048xf32, #tpu.memory_space<vmem>>) target(%dma_start3A_99 : memref<2048xf32, #tpu.memory_space<hbm>>) target_semaphore(%arg29 : memref<!tpu.dma_semaphore, #tpu.memory_space<semaphore_mem>>)
    %dma_start3A_100 = tpu.memref_slice %arg9[%add3A_95] : memref<1048576xf32, #tpu.memory_space<hbm>> -> memref<2048xf32, #tpu.memory_space<hbm>>
    %dma_start3A_101 = tpu.memref_slice %arg9[%add3A_95] : memref<1048576xf32, #tpu.memory_space<hbm>> -> memref<2048xf32, #tpu.memory_space<hbm>>
    tpu.enqueue_dma source(%arg22 : memref<2048xf32, #tpu.memory_space<vmem>>) target(%dma_start3A_101 : memref<2048xf32, #tpu.memory_space<hbm>>) target_semaphore(%arg29 : memref<!tpu.dma_semaphore, #tpu.memory_space<semaphore_mem>>)
    %add3A_102 = arith.constant 10240 : i32
    %add3A_103 = arith.addi %mul3A_2, %add3A_102 : i32
    %dma_start3A_104 = tpu.memref_slice %arg2[%add3A_103] : memref<1048576xi32, #tpu.memory_space<hbm>> -> memref<2048xi32, #tpu.memory_space<hbm>>
    %dma_start3A_105 = tpu.memref_slice %arg2[%add3A_103] : memref<1048576xi32, #tpu.memory_space<hbm>> -> memref<2048xi32, #tpu.memory_space<hbm>>
    tpu.enqueue_dma source(%dma_start3A_105 : memref<2048xi32, #tpu.memory_space<hbm>>) target(%arg16 : memref<2048xi32, #tpu.memory_space<vmem>>) target_semaphore(%arg34 : memref<!tpu.dma_semaphore, #tpu.memory_space<semaphore_mem>>)
    %dma_wait3A_106 = tpu.memref_slice %arg2[%add3A_103] : memref<1048576xi32, #tpu.memory_space<hbm>> -> memref<2048xi32, #tpu.memory_space<hbm>>
    %dma_wait3A_107 = tpu.memref_slice %arg2[%add3A_103] : memref<1048576xi32, #tpu.memory_space<hbm>> -> memref<2048xi32, #tpu.memory_space<hbm>>
    tpu.wait_dma2 semaphore(%arg34 : memref<!tpu.dma_semaphore, #tpu.memory_space<semaphore_mem>>) src(%dma_wait3A_107 : memref<2048xi32, #tpu.memory_space<hbm>>) dst(%arg16 : memref<2048xi32, #tpu.memory_space<vmem>>)
    %dma_start3A_108 = arith.constant 0 : i32
    %dma_start3A_109 = tpu.memref_slice %arg10[%dma_start3A_108] : memref<1048576xi32, #tpu.memory_space<vmem_shared>> -> memref<1048576xi32, #tpu.memory_space<vmem_shared>>
    tpu.enqueue_indirect_dma source(%dma_start3A_109 : memref<1048576xi32, #tpu.memory_space<vmem_shared>>) target(%arg19 : memref<2048xi32, #tpu.memory_space<vmem>>) offsets(%arg16 : memref<2048xi32, #tpu.memory_space<vmem>>) semaphore(%arg28 : memref<!tpu.dma_semaphore, #tpu.memory_space<semaphore_mem>>)
    %dma_wait3A_110 = arith.constant 0 : i32
    %dma_wait3A_111 = tpu.memref_slice %arg10[%dma_wait3A_110] : memref<1048576xi32, #tpu.memory_space<vmem_shared>> -> memref<1048576xi32, #tpu.memory_space<vmem_shared>>
    tpu.wait_indirect_dma semaphore(%arg26 : memref<!tpu.dma_semaphore, #tpu.memory_space<semaphore_mem>>) src(%dma_wait3A_111 : memref<1048576xi32, #tpu.memory_space<vmem_shared>>) dst(%arg17 : memref<2048xi32, #tpu.memory_space<vmem>>)
    %dma_wait3A_112 = tpu.memref_slice %arg7[%add3A_65] : memref<1048576xf32, #tpu.memory_space<hbm>> -> memref<2048xf32, #tpu.memory_space<hbm>>
    %dma_wait3A_113 = tpu.memref_slice %arg7[%add3A_65] : memref<1048576xf32, #tpu.memory_space<hbm>> -> memref<2048xf32, #tpu.memory_space<hbm>>
    tpu.wait_dma2 semaphore(%arg30 : memref<!tpu.dma_semaphore, #tpu.memory_space<semaphore_mem>>) src(%arg23 : memref<2048xf32, #tpu.memory_space<vmem>>) dst(%dma_wait3A_113 : memref<2048xf32, #tpu.memory_space<hbm>>)
    %dma_wait3A_114 = tpu.memref_slice %arg8[%add3A_65] : memref<1048576xf32, #tpu.memory_space<hbm>> -> memref<2048xf32, #tpu.memory_space<hbm>>
    %dma_wait3A_115 = tpu.memref_slice %arg8[%add3A_65] : memref<1048576xf32, #tpu.memory_space<hbm>> -> memref<2048xf32, #tpu.memory_space<hbm>>
    tpu.wait_dma2 semaphore(%arg30 : memref<!tpu.dma_semaphore, #tpu.memory_space<semaphore_mem>>) src(%arg24 : memref<2048xf32, #tpu.memory_space<vmem>>) dst(%dma_wait3A_115 : memref<2048xf32, #tpu.memory_space<hbm>>)
    %dma_wait3A_116 = tpu.memref_slice %arg9[%add3A_65] : memref<1048576xf32, #tpu.memory_space<hbm>> -> memref<2048xf32, #tpu.memory_space<hbm>>
    %dma_wait3A_117 = tpu.memref_slice %arg9[%add3A_65] : memref<1048576xf32, #tpu.memory_space<hbm>> -> memref<2048xf32, #tpu.memory_space<hbm>>
    tpu.wait_dma2 semaphore(%arg30 : memref<!tpu.dma_semaphore, #tpu.memory_space<semaphore_mem>>) src(%arg25 : memref<2048xf32, #tpu.memory_space<vmem>>) dst(%dma_wait3A_117 : memref<2048xf32, #tpu.memory_space<hbm>>)
    %scan3A_118 = arith.constant 0 : i32
    %scan3A_119 = arith.constant 0 : i32
    %scan3A_120 = arith.constant 128 : i32
    %scan3A_121 = arith.addi %scan3A_119, %scan3A_120 : i32
    %scan3A_122 = arith.constant 1 : i32
    scf.for %scan3A_488 = %scan3A_119 to %scan3A_121 step %scan3A_122  : i32 {
      %mul3A_489 = arith.constant 16 : i32
      %mul3A_490 = arith.muli %scan3A_488, %mul3A_489 : i32
      %get3A = arith.index_cast %mul3A_490 : i32 to index
      %get3A_491 = tpu.vector_load %arg17[%get3A] {strides = array<i32>} : memref<2048xi32, #tpu.memory_space<vmem>>, vector<16xi32>,
      %gather3A = tpu.vector_load_idx %arg11[%get3A_491] : memref<10112xf32, #tpu.memory_space<vmem>>[vector<16xi32>], vector<16xf32>,
      %swap3A = arith.index_cast %mul3A_490 : i32 to index
      %swap3A_492 = tpu.vector_load %arg23[%swap3A] {strides = array<i32>} : memref<2048xf32, #tpu.memory_space<vmem>>, vector<16xf32>,
      tpu.vector_store %arg23[%swap3A], %gather3A {strides = array<i32>} : memref<2048xf32, #tpu.memory_space<vmem>>, vector<16xf32>,
      %gather3A_493 = tpu.vector_load_idx %arg12[%get3A_491] : memref<10112xf32, #tpu.memory_space<vmem>>[vector<16xi32>], vector<16xf32>,
      %swap3A_494 = arith.index_cast %mul3A_490 : i32 to index
      %swap3A_495 = tpu.vector_load %arg24[%swap3A_494] {strides = array<i32>} : memref<2048xf32, #tpu.memory_space<vmem>>, vector<16xf32>,
      tpu.vector_store %arg24[%swap3A_494], %gather3A_493 {strides = array<i32>} : memref<2048xf32, #tpu.memory_space<vmem>>, vector<16xf32>,
      %gather3A_496 = tpu.vector_load_idx %arg13[%get3A_491] : memref<10112xf32, #tpu.memory_space<vmem>>[vector<16xi32>], vector<16xf32>,
      %swap3A_497 = arith.index_cast %mul3A_490 : i32 to index
      %swap3A_498 = tpu.vector_load %arg25[%swap3A_497] {strides = array<i32>} : memref<2048xf32, #tpu.memory_space<vmem>>, vector<16xf32>,
      tpu.vector_store %arg25[%swap3A_497], %gather3A_496 {strides = array<i32>} : memref<2048xf32, #tpu.memory_space<vmem>>, vector<16xf32>,
    }
    %scan3A_123 = arith.constant 128 : i32
    %add3A_124 = arith.constant 6144 : i32
    %add3A_125 = arith.addi %mul3A_2, %add3A_124 : i32
    %dma_start3A_126 = tpu.memref_slice %arg7[%add3A_125] : memref<1048576xf32, #tpu.memory_space<hbm>> -> memref<2048xf32, #tpu.memory_space<hbm>>
    %dma_start3A_127 = tpu.memref_slice %arg7[%add3A_125] : memref<1048576xf32, #tpu.memory_space<hbm>> -> memref<2048xf32, #tpu.memory_space<hbm>>
    tpu.enqueue_dma source(%arg23 : memref<2048xf32, #tpu.memory_space<vmem>>) target(%dma_start3A_127 : memref<2048xf32, #tpu.memory_space<hbm>>) target_semaphore(%arg30 : memref<!tpu.dma_semaphore, #tpu.memory_space<semaphore_mem>>)
    %dma_start3A_128 = tpu.memref_slice %arg8[%add3A_125] : memref<1048576xf32, #tpu.memory_space<hbm>> -> memref<2048xf32, #tpu.memory_space<hbm>>
    %dma_start3A_129 = tpu.memref_slice %arg8[%add3A_125] : memref<1048576xf32, #tpu.memory_space<hbm>> -> memref<2048xf32, #tpu.memory_space<hbm>>
    tpu.enqueue_dma source(%arg24 : memref<2048xf32, #tpu.memory_space<vmem>>) target(%dma_start3A_129 : memref<2048xf32, #tpu.memory_space<hbm>>) target_semaphore(%arg30 : memref<!tpu.dma_semaphore, #tpu.memory_space<semaphore_mem>>)
    %dma_start3A_130 = tpu.memref_slice %arg9[%add3A_125] : memref<1048576xf32, #tpu.memory_space<hbm>> -> memref<2048xf32, #tpu.memory_space<hbm>>
    %dma_start3A_131 = tpu.memref_slice %arg9[%add3A_125] : memref<1048576xf32, #tpu.memory_space<hbm>> -> memref<2048xf32, #tpu.memory_space<hbm>>
    tpu.enqueue_dma source(%arg25 : memref<2048xf32, #tpu.memory_space<vmem>>) target(%dma_start3A_131 : memref<2048xf32, #tpu.memory_space<hbm>>) target_semaphore(%arg30 : memref<!tpu.dma_semaphore, #tpu.memory_space<semaphore_mem>>)
    %add3A_132 = arith.constant 12288 : i32
    %add3A_133 = arith.addi %mul3A_2, %add3A_132 : i32
    %dma_start3A_134 = tpu.memref_slice %arg2[%add3A_133] : memref<1048576xi32, #tpu.memory_space<hbm>> -> memref<2048xi32, #tpu.memory_space<hbm>>
    %dma_start3A_135 = tpu.memref_slice %arg2[%add3A_133] : memref<1048576xi32, #tpu.memory_space<hbm>> -> memref<2048xi32, #tpu.memory_space<hbm>>
    tpu.enqueue_dma source(%dma_start3A_135 : memref<2048xi32, #tpu.memory_space<hbm>>) target(%arg14 : memref<2048xi32, #tpu.memory_space<vmem>>) target_semaphore(%arg32 : memref<!tpu.dma_semaphore, #tpu.memory_space<semaphore_mem>>)
    %dma_wait3A_136 = tpu.memref_slice %arg2[%add3A_133] : memref<1048576xi32, #tpu.memory_space<hbm>> -> memref<2048xi32, #tpu.memory_space<hbm>>
    %dma_wait3A_137 = tpu.memref_slice %arg2[%add3A_133] : memref<1048576xi32, #tpu.memory_space<hbm>> -> memref<2048xi32, #tpu.memory_space<hbm>>
    tpu.wait_dma2 semaphore(%arg32 : memref<!tpu.dma_semaphore, #tpu.memory_space<semaphore_mem>>) src(%dma_wait3A_137 : memref<2048xi32, #tpu.memory_space<hbm>>) dst(%arg14 : memref<2048xi32, #tpu.memory_space<vmem>>)
    %dma_start3A_138 = arith.constant 0 : i32
    %dma_start3A_139 = tpu.memref_slice %arg10[%dma_start3A_138] : memref<1048576xi32, #tpu.memory_space<vmem_shared>> -> memref<1048576xi32, #tpu.memory_space<vmem_shared>>
    tpu.enqueue_indirect_dma source(%dma_start3A_139 : memref<1048576xi32, #tpu.memory_space<vmem_shared>>) target(%arg17 : memref<2048xi32, #tpu.memory_space<vmem>>) offsets(%arg14 : memref<2048xi32, #tpu.memory_space<vmem>>) semaphore(%arg26 : memref<!tpu.dma_semaphore, #tpu.memory_space<semaphore_mem>>)
    %dma_wait3A_140 = arith.constant 0 : i32
    %dma_wait3A_141 = tpu.memref_slice %arg10[%dma_wait3A_140] : memref<1048576xi32, #tpu.memory_space<vmem_shared>> -> memref<1048576xi32, #tpu.memory_space<vmem_shared>>
    tpu.wait_indirect_dma semaphore(%arg27 : memref<!tpu.dma_semaphore, #tpu.memory_space<semaphore_mem>>) src(%dma_wait3A_141 : memref<1048576xi32, #tpu.memory_space<vmem_shared>>) dst(%arg18 : memref<2048xi32, #tpu.memory_space<vmem>>)
    %dma_wait3A_142 = tpu.memref_slice %arg7[%add3A_95] : memref<1048576xf32, #tpu.memory_space<hbm>> -> memref<2048xf32, #tpu.memory_space<hbm>>
    %dma_wait3A_143 = tpu.memref_slice %arg7[%add3A_95] : memref<1048576xf32, #tpu.memory_space<hbm>> -> memref<2048xf32, #tpu.memory_space<hbm>>
    tpu.wait_dma2 semaphore(%arg29 : memref<!tpu.dma_semaphore, #tpu.memory_space<semaphore_mem>>) src(%arg20 : memref<2048xf32, #tpu.memory_space<vmem>>) dst(%dma_wait3A_143 : memref<2048xf32, #tpu.memory_space<hbm>>)
    %dma_wait3A_144 = tpu.memref_slice %arg8[%add3A_95] : memref<1048576xf32, #tpu.memory_space<hbm>> -> memref<2048xf32, #tpu.memory_space<hbm>>
    %dma_wait3A_145 = tpu.memref_slice %arg8[%add3A_95] : memref<1048576xf32, #tpu.memory_space<hbm>> -> memref<2048xf32, #tpu.memory_space<hbm>>
    tpu.wait_dma2 semaphore(%arg29 : memref<!tpu.dma_semaphore, #tpu.memory_space<semaphore_mem>>) src(%arg21 : memref<2048xf32, #tpu.memory_space<vmem>>) dst(%dma_wait3A_145 : memref<2048xf32, #tpu.memory_space<hbm>>)
    %dma_wait3A_146 = tpu.memref_slice %arg9[%add3A_95] : memref<1048576xf32, #tpu.memory_space<hbm>> -> memref<2048xf32, #tpu.memory_space<hbm>>
    %dma_wait3A_147 = tpu.memref_slice %arg9[%add3A_95] : memref<1048576xf32, #tpu.memory_space<hbm>> -> memref<2048xf32, #tpu.memory_space<hbm>>
    tpu.wait_dma2 semaphore(%arg29 : memref<!tpu.dma_semaphore, #tpu.memory_space<semaphore_mem>>) src(%arg22 : memref<2048xf32, #tpu.memory_space<vmem>>) dst(%dma_wait3A_147 : memref<2048xf32, #tpu.memory_space<hbm>>)
    %scan3A_148 = arith.constant 0 : i32
    %scan3A_149 = arith.constant 0 : i32
    %scan3A_150 = arith.constant 128 : i32
    %scan3A_151 = arith.addi %scan3A_149, %scan3A_150 : i32
    %scan3A_152 = arith.constant 1 : i32
    scf.for %scan3A_488 = %scan3A_149 to %scan3A_151 step %scan3A_152  : i32 {
      %mul3A_489 = arith.constant 16 : i32
      %mul3A_490 = arith.muli %scan3A_488, %mul3A_489 : i32
      %get3A = arith.index_cast %mul3A_490 : i32 to index
      %get3A_491 = tpu.vector_load %arg18[%get3A] {strides = array<i32>} : memref<2048xi32, #tpu.memory_space<vmem>>, vector<16xi32>,
      %gather3A = tpu.vector_load_idx %arg11[%get3A_491] : memref<10112xf32, #tpu.memory_space<vmem>>[vector<16xi32>], vector<16xf32>,
      %swap3A = arith.index_cast %mul3A_490 : i32 to index
      %swap3A_492 = tpu.vector_load %arg20[%swap3A] {strides = array<i32>} : memref<2048xf32, #tpu.memory_space<vmem>>, vector<16xf32>,
      tpu.vector_store %arg20[%swap3A], %gather3A {strides = array<i32>} : memref<2048xf32, #tpu.memory_space<vmem>>, vector<16xf32>,
      %gather3A_493 = tpu.vector_load_idx %arg12[%get3A_491] : memref<10112xf32, #tpu.memory_space<vmem>>[vector<16xi32>], vector<16xf32>,
      %swap3A_494 = arith.index_cast %mul3A_490 : i32 to index
      %swap3A_495 = tpu.vector_load %arg21[%swap3A_494] {strides = array<i32>} : memref<2048xf32, #tpu.memory_space<vmem>>, vector<16xf32>,
      tpu.vector_store %arg21[%swap3A_494], %gather3A_493 {strides = array<i32>} : memref<2048xf32, #tpu.memory_space<vmem>>, vector<16xf32>,
      %gather3A_496 = tpu.vector_load_idx %arg13[%get3A_491] : memref<10112xf32, #tpu.memory_space<vmem>>[vector<16xi32>], vector<16xf32>,
      %swap3A_497 = arith.index_cast %mul3A_490 : i32 to index
      %swap3A_498 = tpu.vector_load %arg22[%swap3A_497] {strides = array<i32>} : memref<2048xf32, #tpu.memory_space<vmem>>, vector<16xf32>,
      tpu.vector_store %arg22[%swap3A_497], %gather3A_496 {strides = array<i32>} : memref<2048xf32, #tpu.memory_space<vmem>>, vector<16xf32>,
    }
    %scan3A_153 = arith.constant 128 : i32
    %add3A_154 = arith.constant 8192 : i32
    %add3A_155 = arith.addi %mul3A_2, %add3A_154 : i32
    %dma_start3A_156 = tpu.memref_slice %arg7[%add3A_155] : memref<1048576xf32, #tpu.memory_space<hbm>> -> memref<2048xf32, #tpu.memory_space<hbm>>
    %dma_start3A_157 = tpu.memref_slice %arg7[%add3A_155] : memref<1048576xf32, #tpu.memory_space<hbm>> -> memref<2048xf32, #tpu.memory_space<hbm>>
    tpu.enqueue_dma source(%arg20 : memref<2048xf32, #tpu.memory_space<vmem>>) target(%dma_start3A_157 : memref<2048xf32, #tpu.memory_space<hbm>>) target_semaphore(%arg29 : memref<!tpu.dma_semaphore, #tpu.memory_space<semaphore_mem>>)
    %dma_start3A_158 = tpu.memref_slice %arg8[%add3A_155] : memref<1048576xf32, #tpu.memory_space<hbm>> -> memref<2048xf32, #tpu.memory_space<hbm>>
    %dma_start3A_159 = tpu.memref_slice %arg8[%add3A_155] : memref<1048576xf32, #tpu.memory_space<hbm>> -> memref<2048xf32, #tpu.memory_space<hbm>>
    tpu.enqueue_dma source(%arg21 : memref<2048xf32, #tpu.memory_space<vmem>>) target(%dma_start3A_159 : memref<2048xf32, #tpu.memory_space<hbm>>) target_semaphore(%arg29 : memref<!tpu.dma_semaphore, #tpu.memory_space<semaphore_mem>>)
    %dma_start3A_160 = tpu.memref_slice %arg9[%add3A_155] : memref<1048576xf32, #tpu.memory_space<hbm>> -> memref<2048xf32, #tpu.memory_space<hbm>>
    %dma_start3A_161 = tpu.memref_slice %arg9[%add3A_155] : memref<1048576xf32, #tpu.memory_space<hbm>> -> memref<2048xf32, #tpu.memory_space<hbm>>
    tpu.enqueue_dma source(%arg22 : memref<2048xf32, #tpu.memory_space<vmem>>) target(%dma_start3A_161 : memref<2048xf32, #tpu.memory_space<hbm>>) target_semaphore(%arg29 : memref<!tpu.dma_semaphore, #tpu.memory_space<semaphore_mem>>)
    %add3A_162 = arith.constant 14336 : i32
    %add3A_163 = arith.addi %mul3A_2, %add3A_162 : i32
    %dma_start3A_164 = tpu.memref_slice %arg2[%add3A_163] : memref<1048576xi32, #tpu.memory_space<hbm>> -> memref<2048xi32, #tpu.memory_space<hbm>>
    %dma_start3A_165 = tpu.memref_slice %arg2[%add3A_163] : memref<1048576xi32, #tpu.memory_space<hbm>> -> memref<2048xi32, #tpu.memory_space<hbm>>
    tpu.enqueue_dma source(%dma_start3A_165 : memref<2048xi32, #tpu.memory_space<hbm>>) target(%arg15 : memref<2048xi32, #tpu.memory_space<vmem>>) target_semaphore(%arg33 : memref<!tpu.dma_semaphore, #tpu.memory_space<semaphore_mem>>)
    %dma_wait3A_166 = tpu.memref_slice %arg2[%add3A_163] : memref<1048576xi32, #tpu.memory_space<hbm>> -> memref<2048xi32, #tpu.memory_space<hbm>>
    %dma_wait3A_167 = tpu.memref_slice %arg2[%add3A_163] : memref<1048576xi32, #tpu.memory_space<hbm>> -> memref<2048xi32, #tpu.memory_space<hbm>>
    tpu.wait_dma2 semaphore(%arg33 : memref<!tpu.dma_semaphore, #tpu.memory_space<semaphore_mem>>) src(%dma_wait3A_167 : memref<2048xi32, #tpu.memory_space<hbm>>) dst(%arg15 : memref<2048xi32, #tpu.memory_space<vmem>>)
    %dma_start3A_168 = arith.constant 0 : i32
    %dma_start3A_169 = tpu.memref_slice %arg10[%dma_start3A_168] : memref<1048576xi32, #tpu.memory_space<vmem_shared>> -> memref<1048576xi32, #tpu.memory_space<vmem_shared>>
    tpu.enqueue_indirect_dma source(%dma_start3A_169 : memref<1048576xi32, #tpu.memory_space<vmem_shared>>) target(%arg18 : memref<2048xi32, #tpu.memory_space<vmem>>) offsets(%arg15 : memref<2048xi32, #tpu.memory_space<vmem>>) semaphore(%arg27 : memref<!tpu.dma_semaphore, #tpu.memory_space<semaphore_mem>>)
    %dma_wait3A_170 = arith.constant 0 : i32
    %dma_wait3A_171 = tpu.memref_slice %arg10[%dma_wait3A_170] : memref<1048576xi32, #tpu.memory_space<vmem_shared>> -> memref<1048576xi32, #tpu.memory_space<vmem_shared>>
    tpu.wait_indirect_dma semaphore(%arg28 : memref<!tpu.dma_semaphore, #tpu.memory_space<semaphore_mem>>) src(%dma_wait3A_171 : memref<1048576xi32, #tpu.memory_space<vmem_shared>>) dst(%arg19 : memref<2048xi32, #tpu.memory_space<vmem>>)
    %dma_wait3A_172 = tpu.memref_slice %arg7[%add3A_125] : memref<1048576xf32, #tpu.memory_space<hbm>> -> memref<2048xf32, #tpu.memory_space<hbm>>
    %dma_wait3A_173 = tpu.memref_slice %arg7[%add3A_125] : memref<1048576xf32, #tpu.memory_space<hbm>> -> memref<2048xf32, #tpu.memory_space<hbm>>
    tpu.wait_dma2 semaphore(%arg30 : memref<!tpu.dma_semaphore, #tpu.memory_space<semaphore_mem>>) src(%arg23 : memref<2048xf32, #tpu.memory_space<vmem>>) dst(%dma_wait3A_173 : memref<2048xf32, #tpu.memory_space<hbm>>)
    %dma_wait3A_174 = tpu.memref_slice %arg8[%add3A_125] : memref<1048576xf32, #tpu.memory_space<hbm>> -> memref<2048xf32, #tpu.memory_space<hbm>>
    %dma_wait3A_175 = tpu.memref_slice %arg8[%add3A_125] : memref<1048576xf32, #tpu.memory_space<hbm>> -> memref<2048xf32, #tpu.memory_space<hbm>>
    tpu.wait_dma2 semaphore(%arg30 : memref<!tpu.dma_semaphore, #tpu.memory_space<semaphore_mem>>) src(%arg24 : memref<2048xf32, #tpu.memory_space<vmem>>) dst(%dma_wait3A_175 : memref<2048xf32, #tpu.memory_space<hbm>>)
    %dma_wait3A_176 = tpu.memref_slice %arg9[%add3A_125] : memref<1048576xf32, #tpu.memory_space<hbm>> -> memref<2048xf32, #tpu.memory_space<hbm>>
    %dma_wait3A_177 = tpu.memref_slice %arg9[%add3A_125] : memref<1048576xf32, #tpu.memory_space<hbm>> -> memref<2048xf32, #tpu.memory_space<hbm>>
    tpu.wait_dma2 semaphore(%arg30 : memref<!tpu.dma_semaphore, #tpu.memory_space<semaphore_mem>>) src(%arg25 : memref<2048xf32, #tpu.memory_space<vmem>>) dst(%dma_wait3A_177 : memref<2048xf32, #tpu.memory_space<hbm>>)
    %scan3A_178 = arith.constant 0 : i32
    %scan3A_179 = arith.constant 0 : i32
    %scan3A_180 = arith.constant 128 : i32
    %scan3A_181 = arith.addi %scan3A_179, %scan3A_180 : i32
    %scan3A_182 = arith.constant 1 : i32
    scf.for %scan3A_488 = %scan3A_179 to %scan3A_181 step %scan3A_182  : i32 {
      %mul3A_489 = arith.constant 16 : i32
      %mul3A_490 = arith.muli %scan3A_488, %mul3A_489 : i32
      %get3A = arith.index_cast %mul3A_490 : i32 to index
      %get3A_491 = tpu.vector_load %arg19[%get3A] {strides = array<i32>} : memref<2048xi32, #tpu.memory_space<vmem>>, vector<16xi32>,
      %gather3A = tpu.vector_load_idx %arg11[%get3A_491] : memref<10112xf32, #tpu.memory_space<vmem>>[vector<16xi32>], vector<16xf32>,
      %swap3A = arith.index_cast %mul3A_490 : i32 to index
      %swap3A_492 = tpu.vector_load %arg23[%swap3A] {strides = array<i32>} : memref<2048xf32, #tpu.memory_space<vmem>>, vector<16xf32>,
      tpu.vector_store %arg23[%swap3A], %gather3A {strides = array<i32>} : memref<2048xf32, #tpu.memory_space<vmem>>, vector<16xf32>,
      %gather3A_493 = tpu.vector_load_idx %arg12[%get3A_491] : memref<10112xf32, #tpu.memory_space<vmem>>[vector<16xi32>], vector<16xf32>,
      %swap3A_494 = arith.index_cast %mul3A_490 : i32 to index
      %swap3A_495 = tpu.vector_load %arg24[%swap3A_494] {strides = array<i32>} : memref<2048xf32, #tpu.memory_space<vmem>>, vector<16xf32>,
      tpu.vector_store %arg24[%swap3A_494], %gather3A_493 {strides = array<i32>} : memref<2048xf32, #tpu.memory_space<vmem>>, vector<16xf32>,
      %gather3A_496 = tpu.vector_load_idx %arg13[%get3A_491] : memref<10112xf32, #tpu.memory_space<vmem>>[vector<16xi32>], vector<16xf32>,
      %swap3A_497 = arith.index_cast %mul3A_490 : i32 to index
      %swap3A_498 = tpu.vector_load %arg25[%swap3A_497] {strides = array<i32>} : memref<2048xf32, #tpu.memory_space<vmem>>, vector<16xf32>,
      tpu.vector_store %arg25[%swap3A_497], %gather3A_496 {strides = array<i32>} : memref<2048xf32, #tpu.memory_space<vmem>>, vector<16xf32>,
    }
    %scan3A_183 = arith.constant 128 : i32
    %add3A_184 = arith.constant 10240 : i32
    %add3A_185 = arith.addi %mul3A_2, %add3A_184 : i32
    %dma_start3A_186 = tpu.memref_slice %arg7[%add3A_185] : memref<1048576xf32, #tpu.memory_space<hbm>> -> memref<2048xf32, #tpu.memory_space<hbm>>
    %dma_start3A_187 = tpu.memref_slice %arg7[%add3A_185] : memref<1048576xf32, #tpu.memory_space<hbm>> -> memref<2048xf32, #tpu.memory_space<hbm>>
    tpu.enqueue_dma source(%arg23 : memref<2048xf32, #tpu.memory_space<vmem>>) target(%dma_start3A_187 : memref<2048xf32, #tpu.memory_space<hbm>>) target_semaphore(%arg30 : memref<!tpu.dma_semaphore, #tpu.memory_space<semaphore_mem>>)
    %dma_start3A_188 = tpu.memref_slice %arg8[%add3A_185] : memref<1048576xf32, #tpu.memory_space<hbm>> -> memref<2048xf32, #tpu.memory_space<hbm>>
    %dma_start3A_189 = tpu.memref_slice %arg8[%add3A_185] : memref<1048576xf32, #tpu.memory_space<hbm>> -> memref<2048xf32, #tpu.memory_space<hbm>>
    tpu.enqueue_dma source(%arg24 : memref<2048xf32, #tpu.memory_space<vmem>>) target(%dma_start3A_189 : memref<2048xf32, #tpu.memory_space<hbm>>) target_semaphore(%arg30 : memref<!tpu.dma_semaphore, #tpu.memory_space<semaphore_mem>>)
    %dma_start3A_190 = tpu.memref_slice %arg9[%add3A_185] : memref<1048576xf32, #tpu.memory_space<hbm>> -> memref<2048xf32, #tpu.memory_space<hbm>>
    %dma_start3A_191 = tpu.memref_slice %arg9[%add3A_185] : memref<1048576xf32, #tpu.memory_space<hbm>> -> memref<2048xf32, #tpu.memory_space<hbm>>
    tpu.enqueue_dma source(%arg25 : memref<2048xf32, #tpu.memory_space<vmem>>) target(%dma_start3A_191 : memref<2048xf32, #tpu.memory_space<hbm>>) target_semaphore(%arg30 : memref<!tpu.dma_semaphore, #tpu.memory_space<semaphore_mem>>)
    %add3A_192 = arith.constant 16384 : i32
    %add3A_193 = arith.addi %mul3A_2, %add3A_192 : i32
    %dma_start3A_194 = tpu.memref_slice %arg2[%add3A_193] : memref<1048576xi32, #tpu.memory_space<hbm>> -> memref<2048xi32, #tpu.memory_space<hbm>>
    %dma_start3A_195 = tpu.memref_slice %arg2[%add3A_193] : memref<1048576xi32, #tpu.memory_space<hbm>> -> memref<2048xi32, #tpu.memory_space<hbm>>
    tpu.enqueue_dma source(%dma_start3A_195 : memref<2048xi32, #tpu.memory_space<hbm>>) target(%arg16 : memref<2048xi32, #tpu.memory_space<vmem>>) target_semaphore(%arg34 : memref<!tpu.dma_semaphore, #tpu.memory_space<semaphore_mem>>)
    %dma_wait3A_196 = tpu.memref_slice %arg2[%add3A_193] : memref<1048576xi32, #tpu.memory_space<hbm>> -> memref<2048xi32, #tpu.memory_space<hbm>>
    %dma_wait3A_197 = tpu.memref_slice %arg2[%add3A_193] : memref<1048576xi32, #tpu.memory_space<hbm>> -> memref<2048xi32, #tpu.memory_space<hbm>>
    tpu.wait_dma2 semaphore(%arg34 : memref<!tpu.dma_semaphore, #tpu.memory_space<semaphore_mem>>) src(%dma_wait3A_197 : memref<2048xi32, #tpu.memory_space<hbm>>) dst(%arg16 : memref<2048xi32, #tpu.memory_space<vmem>>)
    %dma_start3A_198 = arith.constant 0 : i32
    %dma_start3A_199 = tpu.memref_slice %arg10[%dma_start3A_198] : memref<1048576xi32, #tpu.memory_space<vmem_shared>> -> memref<1048576xi32, #tpu.memory_space<vmem_shared>>
    tpu.enqueue_indirect_dma source(%dma_start3A_199 : memref<1048576xi32, #tpu.memory_space<vmem_shared>>) target(%arg19 : memref<2048xi32, #tpu.memory_space<vmem>>) offsets(%arg16 : memref<2048xi32, #tpu.memory_space<vmem>>) semaphore(%arg28 : memref<!tpu.dma_semaphore, #tpu.memory_space<semaphore_mem>>)
    %dma_wait3A_200 = arith.constant 0 : i32
    %dma_wait3A_201 = tpu.memref_slice %arg10[%dma_wait3A_200] : memref<1048576xi32, #tpu.memory_space<vmem_shared>> -> memref<1048576xi32, #tpu.memory_space<vmem_shared>>
    tpu.wait_indirect_dma semaphore(%arg26 : memref<!tpu.dma_semaphore, #tpu.memory_space<semaphore_mem>>) src(%dma_wait3A_201 : memref<1048576xi32, #tpu.memory_space<vmem_shared>>) dst(%arg17 : memref<2048xi32, #tpu.memory_space<vmem>>)
    %dma_wait3A_202 = tpu.memref_slice %arg7[%add3A_155] : memref<1048576xf32, #tpu.memory_space<hbm>> -> memref<2048xf32, #tpu.memory_space<hbm>>
    %dma_wait3A_203 = tpu.memref_slice %arg7[%add3A_155] : memref<1048576xf32, #tpu.memory_space<hbm>> -> memref<2048xf32, #tpu.memory_space<hbm>>
    tpu.wait_dma2 semaphore(%arg29 : memref<!tpu.dma_semaphore, #tpu.memory_space<semaphore_mem>>) src(%arg20 : memref<2048xf32, #tpu.memory_space<vmem>>) dst(%dma_wait3A_203 : memref<2048xf32, #tpu.memory_space<hbm>>)
    %dma_wait3A_204 = tpu.memref_slice %arg8[%add3A_155] : memref<1048576xf32, #tpu.memory_space<hbm>> -> memref<2048xf32, #tpu.memory_space<hbm>>
    %dma_wait3A_205 = tpu.memref_slice %arg8[%add3A_155] : memref<1048576xf32, #tpu.memory_space<hbm>> -> memref<2048xf32, #tpu.memory_space<hbm>>
    tpu.wait_dma2 semaphore(%arg29 : memref<!tpu.dma_semaphore, #tpu.memory_space<semaphore_mem>>) src(%arg21 : memref<2048xf32, #tpu.memory_space<vmem>>) dst(%dma_wait3A_205 : memref<2048xf32, #tpu.memory_space<hbm>>)
    %dma_wait3A_206 = tpu.memref_slice %arg9[%add3A_155] : memref<1048576xf32, #tpu.memory_space<hbm>> -> memref<2048xf32, #tpu.memory_space<hbm>>
    %dma_wait3A_207 = tpu.memref_slice %arg9[%add3A_155] : memref<1048576xf32, #tpu.memory_space<hbm>> -> memref<2048xf32, #tpu.memory_space<hbm>>
    tpu.wait_dma2 semaphore(%arg29 : memref<!tpu.dma_semaphore, #tpu.memory_space<semaphore_mem>>) src(%arg22 : memref<2048xf32, #tpu.memory_space<vmem>>) dst(%dma_wait3A_207 : memref<2048xf32, #tpu.memory_space<hbm>>)
    %scan3A_208 = arith.constant 0 : i32
    %scan3A_209 = arith.constant 0 : i32
    %scan3A_210 = arith.constant 128 : i32
    %scan3A_211 = arith.addi %scan3A_209, %scan3A_210 : i32
    %scan3A_212 = arith.constant 1 : i32
    scf.for %scan3A_488 = %scan3A_209 to %scan3A_211 step %scan3A_212  : i32 {
      %mul3A_489 = arith.constant 16 : i32
      %mul3A_490 = arith.muli %scan3A_488, %mul3A_489 : i32
      %get3A = arith.index_cast %mul3A_490 : i32 to index
      %get3A_491 = tpu.vector_load %arg17[%get3A] {strides = array<i32>} : memref<2048xi32, #tpu.memory_space<vmem>>, vector<16xi32>,
      %gather3A = tpu.vector_load_idx %arg11[%get3A_491] : memref<10112xf32, #tpu.memory_space<vmem>>[vector<16xi32>], vector<16xf32>,
      %swap3A = arith.index_cast %mul3A_490 : i32 to index
      %swap3A_492 = tpu.vector_load %arg20[%swap3A] {strides = array<i32>} : memref<2048xf32, #tpu.memory_space<vmem>>, vector<16xf32>,
      tpu.vector_store %arg20[%swap3A], %gather3A {strides = array<i32>} : memref<2048xf32, #tpu.memory_space<vmem>>, vector<16xf32>,
      %gather3A_493 = tpu.vector_load_idx %arg12[%get3A_491] : memref<10112xf32, #tpu.memory_space<vmem>>[vector<16xi32>], vector<16xf32>,
      %swap3A_494 = arith.index_cast %mul3A_490 : i32 to index
      %swap3A_495 = tpu.vector_load %arg21[%swap3A_494] {strides = array<i32>} : memref<2048xf32, #tpu.memory_space<vmem>>, vector<16xf32>,
      tpu.vector_store %arg21[%swap3A_494], %gather3A_493 {strides = array<i32>} : memref<2048xf32, #tpu.memory_space<vmem>>, vector<16xf32>,
      %gather3A_496 = tpu.vector_load_idx %arg13[%get3A_491] : memref<10112xf32, #tpu.memory_space<vmem>>[vector<16xi32>], vector<16xf32>,
      %swap3A_497 = arith.index_cast %mul3A_490 : i32 to index
      %swap3A_498 = tpu.vector_load %arg22[%swap3A_497] {strides = array<i32>} : memref<2048xf32, #tpu.memory_space<vmem>>, vector<16xf32>,
      tpu.vector_store %arg22[%swap3A_497], %gather3A_496 {strides = array<i32>} : memref<2048xf32, #tpu.memory_space<vmem>>, vector<16xf32>,
    }
    %scan3A_213 = arith.constant 128 : i32
    %add3A_214 = arith.constant 12288 : i32
    %add3A_215 = arith.addi %mul3A_2, %add3A_214 : i32
    %dma_start3A_216 = tpu.memref_slice %arg7[%add3A_215] : memref<1048576xf32, #tpu.memory_space<hbm>> -> memref<2048xf32, #tpu.memory_space<hbm>>
    %dma_start3A_217 = tpu.memref_slice %arg7[%add3A_215] : memref<1048576xf32, #tpu.memory_space<hbm>> -> memref<2048xf32, #tpu.memory_space<hbm>>
    tpu.enqueue_dma source(%arg20 : memref<2048xf32, #tpu.memory_space<vmem>>) target(%dma_start3A_217 : memref<2048xf32, #tpu.memory_space<hbm>>) target_semaphore(%arg29 : memref<!tpu.dma_semaphore, #tpu.memory_space<semaphore_mem>>)
    %dma_start3A_218 = tpu.memref_slice %arg8[%add3A_215] : memref<1048576xf32, #tpu.memory_space<hbm>> -> memref<2048xf32, #tpu.memory_space<hbm>>
    %dma_start3A_219 = tpu.memref_slice %arg8[%add3A_215] : memref<1048576xf32, #tpu.memory_space<hbm>> -> memref<2048xf32, #tpu.memory_space<hbm>>
    tpu.enqueue_dma source(%arg21 : memref<2048xf32, #tpu.memory_space<vmem>>) target(%dma_start3A_219 : memref<2048xf32, #tpu.memory_space<hbm>>) target_semaphore(%arg29 : memref<!tpu.dma_semaphore, #tpu.memory_space<semaphore_mem>>)
    %dma_start3A_220 = tpu.memref_slice %arg9[%add3A_215] : memref<1048576xf32, #tpu.memory_space<hbm>> -> memref<2048xf32, #tpu.memory_space<hbm>>
    %dma_start3A_221 = tpu.memref_slice %arg9[%add3A_215] : memref<1048576xf32, #tpu.memory_space<hbm>> -> memref<2048xf32, #tpu.memory_space<hbm>>
    tpu.enqueue_dma source(%arg22 : memref<2048xf32, #tpu.memory_space<vmem>>) target(%dma_start3A_221 : memref<2048xf32, #tpu.memory_space<hbm>>) target_semaphore(%arg29 : memref<!tpu.dma_semaphore, #tpu.memory_space<semaphore_mem>>)
    %add3A_222 = arith.constant 18432 : i32
    %add3A_223 = arith.addi %mul3A_2, %add3A_222 : i32
    %dma_start3A_224 = tpu.memref_slice %arg2[%add3A_223] : memref<1048576xi32, #tpu.memory_space<hbm>> -> memref<2048xi32, #tpu.memory_space<hbm>>
    %dma_start3A_225 = tpu.memref_slice %arg2[%add3A_223] : memref<1048576xi32, #tpu.memory_space<hbm>> -> memref<2048xi32, #tpu.memory_space<hbm>>
    tpu.enqueue_dma source(%dma_start3A_225 : memref<2048xi32, #tpu.memory_space<hbm>>) target(%arg14 : memref<2048xi32, #tpu.memory_space<vmem>>) target_semaphore(%arg32 : memref<!tpu.dma_semaphore, #tpu.memory_space<semaphore_mem>>)
    %dma_wait3A_226 = tpu.memref_slice %arg2[%add3A_223] : memref<1048576xi32, #tpu.memory_space<hbm>> -> memref<2048xi32, #tpu.memory_space<hbm>>
    %dma_wait3A_227 = tpu.memref_slice %arg2[%add3A_223] : memref<1048576xi32, #tpu.memory_space<hbm>> -> memref<2048xi32, #tpu.memory_space<hbm>>
    tpu.wait_dma2 semaphore(%arg32 : memref<!tpu.dma_semaphore, #tpu.memory_space<semaphore_mem>>) src(%dma_wait3A_227 : memref<2048xi32, #tpu.memory_space<hbm>>) dst(%arg14 : memref<2048xi32, #tpu.memory_space<vmem>>)
    %dma_start3A_228 = arith.constant 0 : i32
    %dma_start3A_229 = tpu.memref_slice %arg10[%dma_start3A_228] : memref<1048576xi32, #tpu.memory_space<vmem_shared>> -> memref<1048576xi32, #tpu.memory_space<vmem_shared>>
    tpu.enqueue_indirect_dma source(%dma_start3A_229 : memref<1048576xi32, #tpu.memory_space<vmem_shared>>) target(%arg17 : memref<2048xi32, #tpu.memory_space<vmem>>) offsets(%arg14 : memref<2048xi32, #tpu.memory_space<vmem>>) semaphore(%arg26 : memref<!tpu.dma_semaphore, #tpu.memory_space<semaphore_mem>>)
    %dma_wait3A_230 = arith.constant 0 : i32
    %dma_wait3A_231 = tpu.memref_slice %arg10[%dma_wait3A_230] : memref<1048576xi32, #tpu.memory_space<vmem_shared>> -> memref<1048576xi32, #tpu.memory_space<vmem_shared>>
    tpu.wait_indirect_dma semaphore(%arg27 : memref<!tpu.dma_semaphore, #tpu.memory_space<semaphore_mem>>) src(%dma_wait3A_231 : memref<1048576xi32, #tpu.memory_space<vmem_shared>>) dst(%arg18 : memref<2048xi32, #tpu.memory_space<vmem>>)
    %dma_wait3A_232 = tpu.memref_slice %arg7[%add3A_185] : memref<1048576xf32, #tpu.memory_space<hbm>> -> memref<2048xf32, #tpu.memory_space<hbm>>
    %dma_wait3A_233 = tpu.memref_slice %arg7[%add3A_185] : memref<1048576xf32, #tpu.memory_space<hbm>> -> memref<2048xf32, #tpu.memory_space<hbm>>
    tpu.wait_dma2 semaphore(%arg30 : memref<!tpu.dma_semaphore, #tpu.memory_space<semaphore_mem>>) src(%arg23 : memref<2048xf32, #tpu.memory_space<vmem>>) dst(%dma_wait3A_233 : memref<2048xf32, #tpu.memory_space<hbm>>)
    %dma_wait3A_234 = tpu.memref_slice %arg8[%add3A_185] : memref<1048576xf32, #tpu.memory_space<hbm>> -> memref<2048xf32, #tpu.memory_space<hbm>>
    %dma_wait3A_235 = tpu.memref_slice %arg8[%add3A_185] : memref<1048576xf32, #tpu.memory_space<hbm>> -> memref<2048xf32, #tpu.memory_space<hbm>>
    tpu.wait_dma2 semaphore(%arg30 : memref<!tpu.dma_semaphore, #tpu.memory_space<semaphore_mem>>) src(%arg24 : memref<2048xf32, #tpu.memory_space<vmem>>) dst(%dma_wait3A_235 : memref<2048xf32, #tpu.memory_space<hbm>>)
    %dma_wait3A_236 = tpu.memref_slice %arg9[%add3A_185] : memref<1048576xf32, #tpu.memory_space<hbm>> -> memref<2048xf32, #tpu.memory_space<hbm>>
    %dma_wait3A_237 = tpu.memref_slice %arg9[%add3A_185] : memref<1048576xf32, #tpu.memory_space<hbm>> -> memref<2048xf32, #tpu.memory_space<hbm>>
    tpu.wait_dma2 semaphore(%arg30 : memref<!tpu.dma_semaphore, #tpu.memory_space<semaphore_mem>>) src(%arg25 : memref<2048xf32, #tpu.memory_space<vmem>>) dst(%dma_wait3A_237 : memref<2048xf32, #tpu.memory_space<hbm>>)
    %scan3A_238 = arith.constant 0 : i32
    %scan3A_239 = arith.constant 0 : i32
    %scan3A_240 = arith.constant 128 : i32
    %scan3A_241 = arith.addi %scan3A_239, %scan3A_240 : i32
    %scan3A_242 = arith.constant 1 : i32
    scf.for %scan3A_488 = %scan3A_239 to %scan3A_241 step %scan3A_242  : i32 {
      %mul3A_489 = arith.constant 16 : i32
      %mul3A_490 = arith.muli %scan3A_488, %mul3A_489 : i32
      %get3A = arith.index_cast %mul3A_490 : i32 to index
      %get3A_491 = tpu.vector_load %arg18[%get3A] {strides = array<i32>} : memref<2048xi32, #tpu.memory_space<vmem>>, vector<16xi32>,
      %gather3A = tpu.vector_load_idx %arg11[%get3A_491] : memref<10112xf32, #tpu.memory_space<vmem>>[vector<16xi32>], vector<16xf32>,
      %swap3A = arith.index_cast %mul3A_490 : i32 to index
      %swap3A_492 = tpu.vector_load %arg23[%swap3A] {strides = array<i32>} : memref<2048xf32, #tpu.memory_space<vmem>>, vector<16xf32>,
      tpu.vector_store %arg23[%swap3A], %gather3A {strides = array<i32>} : memref<2048xf32, #tpu.memory_space<vmem>>, vector<16xf32>,
      %gather3A_493 = tpu.vector_load_idx %arg12[%get3A_491] : memref<10112xf32, #tpu.memory_space<vmem>>[vector<16xi32>], vector<16xf32>,
      %swap3A_494 = arith.index_cast %mul3A_490 : i32 to index
      %swap3A_495 = tpu.vector_load %arg24[%swap3A_494] {strides = array<i32>} : memref<2048xf32, #tpu.memory_space<vmem>>, vector<16xf32>,
      tpu.vector_store %arg24[%swap3A_494], %gather3A_493 {strides = array<i32>} : memref<2048xf32, #tpu.memory_space<vmem>>, vector<16xf32>,
      %gather3A_496 = tpu.vector_load_idx %arg13[%get3A_491] : memref<10112xf32, #tpu.memory_space<vmem>>[vector<16xi32>], vector<16xf32>,
      %swap3A_497 = arith.index_cast %mul3A_490 : i32 to index
      %swap3A_498 = tpu.vector_load %arg25[%swap3A_497] {strides = array<i32>} : memref<2048xf32, #tpu.memory_space<vmem>>, vector<16xf32>,
      tpu.vector_store %arg25[%swap3A_497], %gather3A_496 {strides = array<i32>} : memref<2048xf32, #tpu.memory_space<vmem>>, vector<16xf32>,
    }
    %scan3A_243 = arith.constant 128 : i32
    %add3A_244 = arith.constant 14336 : i32
    %add3A_245 = arith.addi %mul3A_2, %add3A_244 : i32
    %dma_start3A_246 = tpu.memref_slice %arg7[%add3A_245] : memref<1048576xf32, #tpu.memory_space<hbm>> -> memref<2048xf32, #tpu.memory_space<hbm>>
    %dma_start3A_247 = tpu.memref_slice %arg7[%add3A_245] : memref<1048576xf32, #tpu.memory_space<hbm>> -> memref<2048xf32, #tpu.memory_space<hbm>>
    tpu.enqueue_dma source(%arg23 : memref<2048xf32, #tpu.memory_space<vmem>>) target(%dma_start3A_247 : memref<2048xf32, #tpu.memory_space<hbm>>) target_semaphore(%arg30 : memref<!tpu.dma_semaphore, #tpu.memory_space<semaphore_mem>>)
    %dma_start3A_248 = tpu.memref_slice %arg8[%add3A_245] : memref<1048576xf32, #tpu.memory_space<hbm>> -> memref<2048xf32, #tpu.memory_space<hbm>>
    %dma_start3A_249 = tpu.memref_slice %arg8[%add3A_245] : memref<1048576xf32, #tpu.memory_space<hbm>> -> memref<2048xf32, #tpu.memory_space<hbm>>
    tpu.enqueue_dma source(%arg24 : memref<2048xf32, #tpu.memory_space<vmem>>) target(%dma_start3A_249 : memref<2048xf32, #tpu.memory_space<hbm>>) target_semaphore(%arg30 : memref<!tpu.dma_semaphore, #tpu.memory_space<semaphore_mem>>)
    %dma_start3A_250 = tpu.memref_slice %arg9[%add3A_245] : memref<1048576xf32, #tpu.memory_space<hbm>> -> memref<2048xf32, #tpu.memory_space<hbm>>
    %dma_start3A_251 = tpu.memref_slice %arg9[%add3A_245] : memref<1048576xf32, #tpu.memory_space<hbm>> -> memref<2048xf32, #tpu.memory_space<hbm>>
    tpu.enqueue_dma source(%arg25 : memref<2048xf32, #tpu.memory_space<vmem>>) target(%dma_start3A_251 : memref<2048xf32, #tpu.memory_space<hbm>>) target_semaphore(%arg30 : memref<!tpu.dma_semaphore, #tpu.memory_space<semaphore_mem>>)
    %add3A_252 = arith.constant 20480 : i32
    %add3A_253 = arith.addi %mul3A_2, %add3A_252 : i32
    %dma_start3A_254 = tpu.memref_slice %arg2[%add3A_253] : memref<1048576xi32, #tpu.memory_space<hbm>> -> memref<2048xi32, #tpu.memory_space<hbm>>
    %dma_start3A_255 = tpu.memref_slice %arg2[%add3A_253] : memref<1048576xi32, #tpu.memory_space<hbm>> -> memref<2048xi32, #tpu.memory_space<hbm>>
    tpu.enqueue_dma source(%dma_start3A_255 : memref<2048xi32, #tpu.memory_space<hbm>>) target(%arg15 : memref<2048xi32, #tpu.memory_space<vmem>>) target_semaphore(%arg33 : memref<!tpu.dma_semaphore, #tpu.memory_space<semaphore_mem>>)
    %dma_wait3A_256 = tpu.memref_slice %arg2[%add3A_253] : memref<1048576xi32, #tpu.memory_space<hbm>> -> memref<2048xi32, #tpu.memory_space<hbm>>
    %dma_wait3A_257 = tpu.memref_slice %arg2[%add3A_253] : memref<1048576xi32, #tpu.memory_space<hbm>> -> memref<2048xi32, #tpu.memory_space<hbm>>
    tpu.wait_dma2 semaphore(%arg33 : memref<!tpu.dma_semaphore, #tpu.memory_space<semaphore_mem>>) src(%dma_wait3A_257 : memref<2048xi32, #tpu.memory_space<hbm>>) dst(%arg15 : memref<2048xi32, #tpu.memory_space<vmem>>)
    %dma_start3A_258 = arith.constant 0 : i32
    %dma_start3A_259 = tpu.memref_slice %arg10[%dma_start3A_258] : memref<1048576xi32, #tpu.memory_space<vmem_shared>> -> memref<1048576xi32, #tpu.memory_space<vmem_shared>>
    tpu.enqueue_indirect_dma source(%dma_start3A_259 : memref<1048576xi32, #tpu.memory_space<vmem_shared>>) target(%arg18 : memref<2048xi32, #tpu.memory_space<vmem>>) offsets(%arg15 : memref<2048xi32, #tpu.memory_space<vmem>>) semaphore(%arg27 : memref<!tpu.dma_semaphore, #tpu.memory_space<semaphore_mem>>)
    %dma_wait3A_260 = arith.constant 0 : i32
    %dma_wait3A_261 = tpu.memref_slice %arg10[%dma_wait3A_260] : memref<1048576xi32, #tpu.memory_space<vmem_shared>> -> memref<1048576xi32, #tpu.memory_space<vmem_shared>>
    tpu.wait_indirect_dma semaphore(%arg28 : memref<!tpu.dma_semaphore, #tpu.memory_space<semaphore_mem>>) src(%dma_wait3A_261 : memref<1048576xi32, #tpu.memory_space<vmem_shared>>) dst(%arg19 : memref<2048xi32, #tpu.memory_space<vmem>>)
    %dma_wait3A_262 = tpu.memref_slice %arg7[%add3A_215] : memref<1048576xf32, #tpu.memory_space<hbm>> -> memref<2048xf32, #tpu.memory_space<hbm>>
    %dma_wait3A_263 = tpu.memref_slice %arg7[%add3A_215] : memref<1048576xf32, #tpu.memory_space<hbm>> -> memref<2048xf32, #tpu.memory_space<hbm>>
    tpu.wait_dma2 semaphore(%arg29 : memref<!tpu.dma_semaphore, #tpu.memory_space<semaphore_mem>>) src(%arg20 : memref<2048xf32, #tpu.memory_space<vmem>>) dst(%dma_wait3A_263 : memref<2048xf32, #tpu.memory_space<hbm>>)
    %dma_wait3A_264 = tpu.memref_slice %arg8[%add3A_215] : memref<1048576xf32, #tpu.memory_space<hbm>> -> memref<2048xf32, #tpu.memory_space<hbm>>
    %dma_wait3A_265 = tpu.memref_slice %arg8[%add3A_215] : memref<1048576xf32, #tpu.memory_space<hbm>> -> memref<2048xf32, #tpu.memory_space<hbm>>
    tpu.wait_dma2 semaphore(%arg29 : memref<!tpu.dma_semaphore, #tpu.memory_space<semaphore_mem>>) src(%arg21 : memref<2048xf32, #tpu.memory_space<vmem>>) dst(%dma_wait3A_265 : memref<2048xf32, #tpu.memory_space<hbm>>)
    %dma_wait3A_266 = tpu.memref_slice %arg9[%add3A_215] : memref<1048576xf32, #tpu.memory_space<hbm>> -> memref<2048xf32, #tpu.memory_space<hbm>>
    %dma_wait3A_267 = tpu.memref_slice %arg9[%add3A_215] : memref<1048576xf32, #tpu.memory_space<hbm>> -> memref<2048xf32, #tpu.memory_space<hbm>>
    tpu.wait_dma2 semaphore(%arg29 : memref<!tpu.dma_semaphore, #tpu.memory_space<semaphore_mem>>) src(%arg22 : memref<2048xf32, #tpu.memory_space<vmem>>) dst(%dma_wait3A_267 : memref<2048xf32, #tpu.memory_space<hbm>>)
    %scan3A_268 = arith.constant 0 : i32
    %scan3A_269 = arith.constant 0 : i32
    %scan3A_270 = arith.constant 128 : i32
    %scan3A_271 = arith.addi %scan3A_269, %scan3A_270 : i32
    %scan3A_272 = arith.constant 1 : i32
    scf.for %scan3A_488 = %scan3A_269 to %scan3A_271 step %scan3A_272  : i32 {
      %mul3A_489 = arith.constant 16 : i32
      %mul3A_490 = arith.muli %scan3A_488, %mul3A_489 : i32
      %get3A = arith.index_cast %mul3A_490 : i32 to index
      %get3A_491 = tpu.vector_load %arg19[%get3A] {strides = array<i32>} : memref<2048xi32, #tpu.memory_space<vmem>>, vector<16xi32>,
      %gather3A = tpu.vector_load_idx %arg11[%get3A_491] : memref<10112xf32, #tpu.memory_space<vmem>>[vector<16xi32>], vector<16xf32>,
      %swap3A = arith.index_cast %mul3A_490 : i32 to index
      %swap3A_492 = tpu.vector_load %arg20[%swap3A] {strides = array<i32>} : memref<2048xf32, #tpu.memory_space<vmem>>, vector<16xf32>,
      tpu.vector_store %arg20[%swap3A], %gather3A {strides = array<i32>} : memref<2048xf32, #tpu.memory_space<vmem>>, vector<16xf32>,
      %gather3A_493 = tpu.vector_load_idx %arg12[%get3A_491] : memref<10112xf32, #tpu.memory_space<vmem>>[vector<16xi32>], vector<16xf32>,
      %swap3A_494 = arith.index_cast %mul3A_490 : i32 to index
      %swap3A_495 = tpu.vector_load %arg21[%swap3A_494] {strides = array<i32>} : memref<2048xf32, #tpu.memory_space<vmem>>, vector<16xf32>,
      tpu.vector_store %arg21[%swap3A_494], %gather3A_493 {strides = array<i32>} : memref<2048xf32, #tpu.memory_space<vmem>>, vector<16xf32>,
      %gather3A_496 = tpu.vector_load_idx %arg13[%get3A_491] : memref<10112xf32, #tpu.memory_space<vmem>>[vector<16xi32>], vector<16xf32>,
      %swap3A_497 = arith.index_cast %mul3A_490 : i32 to index
      %swap3A_498 = tpu.vector_load %arg22[%swap3A_497] {strides = array<i32>} : memref<2048xf32, #tpu.memory_space<vmem>>, vector<16xf32>,
      tpu.vector_store %arg22[%swap3A_497], %gather3A_496 {strides = array<i32>} : memref<2048xf32, #tpu.memory_space<vmem>>, vector<16xf32>,
    }
    %scan3A_273 = arith.constant 128 : i32
    %add3A_274 = arith.constant 16384 : i32
    %add3A_275 = arith.addi %mul3A_2, %add3A_274 : i32
    %dma_start3A_276 = tpu.memref_slice %arg7[%add3A_275] : memref<1048576xf32, #tpu.memory_space<hbm>> -> memref<2048xf32, #tpu.memory_space<hbm>>
    %dma_start3A_277 = tpu.memref_slice %arg7[%add3A_275] : memref<1048576xf32, #tpu.memory_space<hbm>> -> memref<2048xf32, #tpu.memory_space<hbm>>
    tpu.enqueue_dma source(%arg20 : memref<2048xf32, #tpu.memory_space<vmem>>) target(%dma_start3A_277 : memref<2048xf32, #tpu.memory_space<hbm>>) target_semaphore(%arg29 : memref<!tpu.dma_semaphore, #tpu.memory_space<semaphore_mem>>)
    %dma_start3A_278 = tpu.memref_slice %arg8[%add3A_275] : memref<1048576xf32, #tpu.memory_space<hbm>> -> memref<2048xf32, #tpu.memory_space<hbm>>
    %dma_start3A_279 = tpu.memref_slice %arg8[%add3A_275] : memref<1048576xf32, #tpu.memory_space<hbm>> -> memref<2048xf32, #tpu.memory_space<hbm>>
    tpu.enqueue_dma source(%arg21 : memref<2048xf32, #tpu.memory_space<vmem>>) target(%dma_start3A_279 : memref<2048xf32, #tpu.memory_space<hbm>>) target_semaphore(%arg29 : memref<!tpu.dma_semaphore, #tpu.memory_space<semaphore_mem>>)
    %dma_start3A_280 = tpu.memref_slice %arg9[%add3A_275] : memref<1048576xf32, #tpu.memory_space<hbm>> -> memref<2048xf32, #tpu.memory_space<hbm>>
    %dma_start3A_281 = tpu.memref_slice %arg9[%add3A_275] : memref<1048576xf32, #tpu.memory_space<hbm>> -> memref<2048xf32, #tpu.memory_space<hbm>>
    tpu.enqueue_dma source(%arg22 : memref<2048xf32, #tpu.memory_space<vmem>>) target(%dma_start3A_281 : memref<2048xf32, #tpu.memory_space<hbm>>) target_semaphore(%arg29 : memref<!tpu.dma_semaphore, #tpu.memory_space<semaphore_mem>>)
    %add3A_282 = arith.constant 22528 : i32
    %add3A_283 = arith.addi %mul3A_2, %add3A_282 : i32
    %dma_start3A_284 = tpu.memref_slice %arg2[%add3A_283] : memref<1048576xi32, #tpu.memory_space<hbm>> -> memref<2048xi32, #tpu.memory_space<hbm>>
    %dma_start3A_285 = tpu.memref_slice %arg2[%add3A_283] : memref<1048576xi32, #tpu.memory_space<hbm>> -> memref<2048xi32, #tpu.memory_space<hbm>>
    tpu.enqueue_dma source(%dma_start3A_285 : memref<2048xi32, #tpu.memory_space<hbm>>) target(%arg16 : memref<2048xi32, #tpu.memory_space<vmem>>) target_semaphore(%arg34 : memref<!tpu.dma_semaphore, #tpu.memory_space<semaphore_mem>>)
    %dma_wait3A_286 = tpu.memref_slice %arg2[%add3A_283] : memref<1048576xi32, #tpu.memory_space<hbm>> -> memref<2048xi32, #tpu.memory_space<hbm>>
    %dma_wait3A_287 = tpu.memref_slice %arg2[%add3A_283] : memref<1048576xi32, #tpu.memory_space<hbm>> -> memref<2048xi32, #tpu.memory_space<hbm>>
    tpu.wait_dma2 semaphore(%arg34 : memref<!tpu.dma_semaphore, #tpu.memory_space<semaphore_mem>>) src(%dma_wait3A_287 : memref<2048xi32, #tpu.memory_space<hbm>>) dst(%arg16 : memref<2048xi32, #tpu.memory_space<vmem>>)
    %dma_start3A_288 = arith.constant 0 : i32
    %dma_start3A_289 = tpu.memref_slice %arg10[%dma_start3A_288] : memref<1048576xi32, #tpu.memory_space<vmem_shared>> -> memref<1048576xi32, #tpu.memory_space<vmem_shared>>
    tpu.enqueue_indirect_dma source(%dma_start3A_289 : memref<1048576xi32, #tpu.memory_space<vmem_shared>>) target(%arg19 : memref<2048xi32, #tpu.memory_space<vmem>>) offsets(%arg16 : memref<2048xi32, #tpu.memory_space<vmem>>) semaphore(%arg28 : memref<!tpu.dma_semaphore, #tpu.memory_space<semaphore_mem>>)
    %dma_wait3A_290 = arith.constant 0 : i32
    %dma_wait3A_291 = tpu.memref_slice %arg10[%dma_wait3A_290] : memref<1048576xi32, #tpu.memory_space<vmem_shared>> -> memref<1048576xi32, #tpu.memory_space<vmem_shared>>
    tpu.wait_indirect_dma semaphore(%arg26 : memref<!tpu.dma_semaphore, #tpu.memory_space<semaphore_mem>>) src(%dma_wait3A_291 : memref<1048576xi32, #tpu.memory_space<vmem_shared>>) dst(%arg17 : memref<2048xi32, #tpu.memory_space<vmem>>)
    %dma_wait3A_292 = tpu.memref_slice %arg7[%add3A_245] : memref<1048576xf32, #tpu.memory_space<hbm>> -> memref<2048xf32, #tpu.memory_space<hbm>>
    %dma_wait3A_293 = tpu.memref_slice %arg7[%add3A_245] : memref<1048576xf32, #tpu.memory_space<hbm>> -> memref<2048xf32, #tpu.memory_space<hbm>>
    tpu.wait_dma2 semaphore(%arg30 : memref<!tpu.dma_semaphore, #tpu.memory_space<semaphore_mem>>) src(%arg23 : memref<2048xf32, #tpu.memory_space<vmem>>) dst(%dma_wait3A_293 : memref<2048xf32, #tpu.memory_space<hbm>>)
    %dma_wait3A_294 = tpu.memref_slice %arg8[%add3A_245] : memref<1048576xf32, #tpu.memory_space<hbm>> -> memref<2048xf32, #tpu.memory_space<hbm>>
    %dma_wait3A_295 = tpu.memref_slice %arg8[%add3A_245] : memref<1048576xf32, #tpu.memory_space<hbm>> -> memref<2048xf32, #tpu.memory_space<hbm>>
    tpu.wait_dma2 semaphore(%arg30 : memref<!tpu.dma_semaphore, #tpu.memory_space<semaphore_mem>>) src(%arg24 : memref<2048xf32, #tpu.memory_space<vmem>>) dst(%dma_wait3A_295 : memref<2048xf32, #tpu.memory_space<hbm>>)
    %dma_wait3A_296 = tpu.memref_slice %arg9[%add3A_245] : memref<1048576xf32, #tpu.memory_space<hbm>> -> memref<2048xf32, #tpu.memory_space<hbm>>
    %dma_wait3A_297 = tpu.memref_slice %arg9[%add3A_245] : memref<1048576xf32, #tpu.memory_space<hbm>> -> memref<2048xf32, #tpu.memory_space<hbm>>
    tpu.wait_dma2 semaphore(%arg30 : memref<!tpu.dma_semaphore, #tpu.memory_space<semaphore_mem>>) src(%arg25 : memref<2048xf32, #tpu.memory_space<vmem>>) dst(%dma_wait3A_297 : memref<2048xf32, #tpu.memory_space<hbm>>)
    %scan3A_298 = arith.constant 0 : i32
    %scan3A_299 = arith.constant 0 : i32
    %scan3A_300 = arith.constant 128 : i32
    %scan3A_301 = arith.addi %scan3A_299, %scan3A_300 : i32
    %scan3A_302 = arith.constant 1 : i32
    scf.for %scan3A_488 = %scan3A_299 to %scan3A_301 step %scan3A_302  : i32 {
      %mul3A_489 = arith.constant 16 : i32
      %mul3A_490 = arith.muli %scan3A_488, %mul3A_489 : i32
      %get3A = arith.index_cast %mul3A_490 : i32 to index
      %get3A_491 = tpu.vector_load %arg17[%get3A] {strides = array<i32>} : memref<2048xi32, #tpu.memory_space<vmem>>, vector<16xi32>,
      %gather3A = tpu.vector_load_idx %arg11[%get3A_491] : memref<10112xf32, #tpu.memory_space<vmem>>[vector<16xi32>], vector<16xf32>,
      %swap3A = arith.index_cast %mul3A_490 : i32 to index
      %swap3A_492 = tpu.vector_load %arg23[%swap3A] {strides = array<i32>} : memref<2048xf32, #tpu.memory_space<vmem>>, vector<16xf32>,
      tpu.vector_store %arg23[%swap3A], %gather3A {strides = array<i32>} : memref<2048xf32, #tpu.memory_space<vmem>>, vector<16xf32>,
      %gather3A_493 = tpu.vector_load_idx %arg12[%get3A_491] : memref<10112xf32, #tpu.memory_space<vmem>>[vector<16xi32>], vector<16xf32>,
      %swap3A_494 = arith.index_cast %mul3A_490 : i32 to index
      %swap3A_495 = tpu.vector_load %arg24[%swap3A_494] {strides = array<i32>} : memref<2048xf32, #tpu.memory_space<vmem>>, vector<16xf32>,
      tpu.vector_store %arg24[%swap3A_494], %gather3A_493 {strides = array<i32>} : memref<2048xf32, #tpu.memory_space<vmem>>, vector<16xf32>,
      %gather3A_496 = tpu.vector_load_idx %arg13[%get3A_491] : memref<10112xf32, #tpu.memory_space<vmem>>[vector<16xi32>], vector<16xf32>,
      %swap3A_497 = arith.index_cast %mul3A_490 : i32 to index
      %swap3A_498 = tpu.vector_load %arg25[%swap3A_497] {strides = array<i32>} : memref<2048xf32, #tpu.memory_space<vmem>>, vector<16xf32>,
      tpu.vector_store %arg25[%swap3A_497], %gather3A_496 {strides = array<i32>} : memref<2048xf32, #tpu.memory_space<vmem>>, vector<16xf32>,
    }
    %scan3A_303 = arith.constant 128 : i32
    %add3A_304 = arith.constant 18432 : i32
    %add3A_305 = arith.addi %mul3A_2, %add3A_304 : i32
    %dma_start3A_306 = tpu.memref_slice %arg7[%add3A_305] : memref<1048576xf32, #tpu.memory_space<hbm>> -> memref<2048xf32, #tpu.memory_space<hbm>>
    %dma_start3A_307 = tpu.memref_slice %arg7[%add3A_305] : memref<1048576xf32, #tpu.memory_space<hbm>> -> memref<2048xf32, #tpu.memory_space<hbm>>
    tpu.enqueue_dma source(%arg23 : memref<2048xf32, #tpu.memory_space<vmem>>) target(%dma_start3A_307 : memref<2048xf32, #tpu.memory_space<hbm>>) target_semaphore(%arg30 : memref<!tpu.dma_semaphore, #tpu.memory_space<semaphore_mem>>)
    %dma_start3A_308 = tpu.memref_slice %arg8[%add3A_305] : memref<1048576xf32, #tpu.memory_space<hbm>> -> memref<2048xf32, #tpu.memory_space<hbm>>
    %dma_start3A_309 = tpu.memref_slice %arg8[%add3A_305] : memref<1048576xf32, #tpu.memory_space<hbm>> -> memref<2048xf32, #tpu.memory_space<hbm>>
    tpu.enqueue_dma source(%arg24 : memref<2048xf32, #tpu.memory_space<vmem>>) target(%dma_start3A_309 : memref<2048xf32, #tpu.memory_space<hbm>>) target_semaphore(%arg30 : memref<!tpu.dma_semaphore, #tpu.memory_space<semaphore_mem>>)
    %dma_start3A_310 = tpu.memref_slice %arg9[%add3A_305] : memref<1048576xf32, #tpu.memory_space<hbm>> -> memref<2048xf32, #tpu.memory_space<hbm>>
    %dma_start3A_311 = tpu.memref_slice %arg9[%add3A_305] : memref<1048576xf32, #tpu.memory_space<hbm>> -> memref<2048xf32, #tpu.memory_space<hbm>>
    tpu.enqueue_dma source(%arg25 : memref<2048xf32, #tpu.memory_space<vmem>>) target(%dma_start3A_311 : memref<2048xf32, #tpu.memory_space<hbm>>) target_semaphore(%arg30 : memref<!tpu.dma_semaphore, #tpu.memory_space<semaphore_mem>>)
    %add3A_312 = arith.constant 24576 : i32
    %add3A_313 = arith.addi %mul3A_2, %add3A_312 : i32
    %dma_start3A_314 = tpu.memref_slice %arg2[%add3A_313] : memref<1048576xi32, #tpu.memory_space<hbm>> -> memref<2048xi32, #tpu.memory_space<hbm>>
    %dma_start3A_315 = tpu.memref_slice %arg2[%add3A_313] : memref<1048576xi32, #tpu.memory_space<hbm>> -> memref<2048xi32, #tpu.memory_space<hbm>>
    tpu.enqueue_dma source(%dma_start3A_315 : memref<2048xi32, #tpu.memory_space<hbm>>) target(%arg14 : memref<2048xi32, #tpu.memory_space<vmem>>) target_semaphore(%arg32 : memref<!tpu.dma_semaphore, #tpu.memory_space<semaphore_mem>>)
    %dma_wait3A_316 = tpu.memref_slice %arg2[%add3A_313] : memref<1048576xi32, #tpu.memory_space<hbm>> -> memref<2048xi32, #tpu.memory_space<hbm>>
    %dma_wait3A_317 = tpu.memref_slice %arg2[%add3A_313] : memref<1048576xi32, #tpu.memory_space<hbm>> -> memref<2048xi32, #tpu.memory_space<hbm>>
    tpu.wait_dma2 semaphore(%arg32 : memref<!tpu.dma_semaphore, #tpu.memory_space<semaphore_mem>>) src(%dma_wait3A_317 : memref<2048xi32, #tpu.memory_space<hbm>>) dst(%arg14 : memref<2048xi32, #tpu.memory_space<vmem>>)
    %dma_start3A_318 = arith.constant 0 : i32
    %dma_start3A_319 = tpu.memref_slice %arg10[%dma_start3A_318] : memref<1048576xi32, #tpu.memory_space<vmem_shared>> -> memref<1048576xi32, #tpu.memory_space<vmem_shared>>
    tpu.enqueue_indirect_dma source(%dma_start3A_319 : memref<1048576xi32, #tpu.memory_space<vmem_shared>>) target(%arg17 : memref<2048xi32, #tpu.memory_space<vmem>>) offsets(%arg14 : memref<2048xi32, #tpu.memory_space<vmem>>) semaphore(%arg26 : memref<!tpu.dma_semaphore, #tpu.memory_space<semaphore_mem>>)
    %dma_wait3A_320 = arith.constant 0 : i32
    %dma_wait3A_321 = tpu.memref_slice %arg10[%dma_wait3A_320] : memref<1048576xi32, #tpu.memory_space<vmem_shared>> -> memref<1048576xi32, #tpu.memory_space<vmem_shared>>
    tpu.wait_indirect_dma semaphore(%arg27 : memref<!tpu.dma_semaphore, #tpu.memory_space<semaphore_mem>>) src(%dma_wait3A_321 : memref<1048576xi32, #tpu.memory_space<vmem_shared>>) dst(%arg18 : memref<2048xi32, #tpu.memory_space<vmem>>)
    %dma_wait3A_322 = tpu.memref_slice %arg7[%add3A_275] : memref<1048576xf32, #tpu.memory_space<hbm>> -> memref<2048xf32, #tpu.memory_space<hbm>>
    %dma_wait3A_323 = tpu.memref_slice %arg7[%add3A_275] : memref<1048576xf32, #tpu.memory_space<hbm>> -> memref<2048xf32, #tpu.memory_space<hbm>>
    tpu.wait_dma2 semaphore(%arg29 : memref<!tpu.dma_semaphore, #tpu.memory_space<semaphore_mem>>) src(%arg20 : memref<2048xf32, #tpu.memory_space<vmem>>) dst(%dma_wait3A_323 : memref<2048xf32, #tpu.memory_space<hbm>>)
    %dma_wait3A_324 = tpu.memref_slice %arg8[%add3A_275] : memref<1048576xf32, #tpu.memory_space<hbm>> -> memref<2048xf32, #tpu.memory_space<hbm>>
    %dma_wait3A_325 = tpu.memref_slice %arg8[%add3A_275] : memref<1048576xf32, #tpu.memory_space<hbm>> -> memref<2048xf32, #tpu.memory_space<hbm>>
    tpu.wait_dma2 semaphore(%arg29 : memref<!tpu.dma_semaphore, #tpu.memory_space<semaphore_mem>>) src(%arg21 : memref<2048xf32, #tpu.memory_space<vmem>>) dst(%dma_wait3A_325 : memref<2048xf32, #tpu.memory_space<hbm>>)
    %dma_wait3A_326 = tpu.memref_slice %arg9[%add3A_275] : memref<1048576xf32, #tpu.memory_space<hbm>> -> memref<2048xf32, #tpu.memory_space<hbm>>
    %dma_wait3A_327 = tpu.memref_slice %arg9[%add3A_275] : memref<1048576xf32, #tpu.memory_space<hbm>> -> memref<2048xf32, #tpu.memory_space<hbm>>
    tpu.wait_dma2 semaphore(%arg29 : memref<!tpu.dma_semaphore, #tpu.memory_space<semaphore_mem>>) src(%arg22 : memref<2048xf32, #tpu.memory_space<vmem>>) dst(%dma_wait3A_327 : memref<2048xf32, #tpu.memory_space<hbm>>)
    %scan3A_328 = arith.constant 0 : i32
    %scan3A_329 = arith.constant 0 : i32
    %scan3A_330 = arith.constant 128 : i32
    %scan3A_331 = arith.addi %scan3A_329, %scan3A_330 : i32
    %scan3A_332 = arith.constant 1 : i32
    scf.for %scan3A_488 = %scan3A_329 to %scan3A_331 step %scan3A_332  : i32 {
      %mul3A_489 = arith.constant 16 : i32
      %mul3A_490 = arith.muli %scan3A_488, %mul3A_489 : i32
      %get3A = arith.index_cast %mul3A_490 : i32 to index
      %get3A_491 = tpu.vector_load %arg18[%get3A] {strides = array<i32>} : memref<2048xi32, #tpu.memory_space<vmem>>, vector<16xi32>,
      %gather3A = tpu.vector_load_idx %arg11[%get3A_491] : memref<10112xf32, #tpu.memory_space<vmem>>[vector<16xi32>], vector<16xf32>,
      %swap3A = arith.index_cast %mul3A_490 : i32 to index
      %swap3A_492 = tpu.vector_load %arg20[%swap3A] {strides = array<i32>} : memref<2048xf32, #tpu.memory_space<vmem>>, vector<16xf32>,
      tpu.vector_store %arg20[%swap3A], %gather3A {strides = array<i32>} : memref<2048xf32, #tpu.memory_space<vmem>>, vector<16xf32>,
      %gather3A_493 = tpu.vector_load_idx %arg12[%get3A_491] : memref<10112xf32, #tpu.memory_space<vmem>>[vector<16xi32>], vector<16xf32>,
      %swap3A_494 = arith.index_cast %mul3A_490 : i32 to index
      %swap3A_495 = tpu.vector_load %arg21[%swap3A_494] {strides = array<i32>} : memref<2048xf32, #tpu.memory_space<vmem>>, vector<16xf32>,
      tpu.vector_store %arg21[%swap3A_494], %gather3A_493 {strides = array<i32>} : memref<2048xf32, #tpu.memory_space<vmem>>, vector<16xf32>,
      %gather3A_496 = tpu.vector_load_idx %arg13[%get3A_491] : memref<10112xf32, #tpu.memory_space<vmem>>[vector<16xi32>], vector<16xf32>,
      %swap3A_497 = arith.index_cast %mul3A_490 : i32 to index
      %swap3A_498 = tpu.vector_load %arg22[%swap3A_497] {strides = array<i32>} : memref<2048xf32, #tpu.memory_space<vmem>>, vector<16xf32>,
      tpu.vector_store %arg22[%swap3A_497], %gather3A_496 {strides = array<i32>} : memref<2048xf32, #tpu.memory_space<vmem>>, vector<16xf32>,
    }
    %scan3A_333 = arith.constant 128 : i32
    %add3A_334 = arith.constant 20480 : i32
    %add3A_335 = arith.addi %mul3A_2, %add3A_334 : i32
    %dma_start3A_336 = tpu.memref_slice %arg7[%add3A_335] : memref<1048576xf32, #tpu.memory_space<hbm>> -> memref<2048xf32, #tpu.memory_space<hbm>>
    %dma_start3A_337 = tpu.memref_slice %arg7[%add3A_335] : memref<1048576xf32, #tpu.memory_space<hbm>> -> memref<2048xf32, #tpu.memory_space<hbm>>
    tpu.enqueue_dma source(%arg20 : memref<2048xf32, #tpu.memory_space<vmem>>) target(%dma_start3A_337 : memref<2048xf32, #tpu.memory_space<hbm>>) target_semaphore(%arg29 : memref<!tpu.dma_semaphore, #tpu.memory_space<semaphore_mem>>)
    %dma_start3A_338 = tpu.memref_slice %arg8[%add3A_335] : memref<1048576xf32, #tpu.memory_space<hbm>> -> memref<2048xf32, #tpu.memory_space<hbm>>
    %dma_start3A_339 = tpu.memref_slice %arg8[%add3A_335] : memref<1048576xf32, #tpu.memory_space<hbm>> -> memref<2048xf32, #tpu.memory_space<hbm>>
    tpu.enqueue_dma source(%arg21 : memref<2048xf32, #tpu.memory_space<vmem>>) target(%dma_start3A_339 : memref<2048xf32, #tpu.memory_space<hbm>>) target_semaphore(%arg29 : memref<!tpu.dma_semaphore, #tpu.memory_space<semaphore_mem>>)
    %dma_start3A_340 = tpu.memref_slice %arg9[%add3A_335] : memref<1048576xf32, #tpu.memory_space<hbm>> -> memref<2048xf32, #tpu.memory_space<hbm>>
    %dma_start3A_341 = tpu.memref_slice %arg9[%add3A_335] : memref<1048576xf32, #tpu.memory_space<hbm>> -> memref<2048xf32, #tpu.memory_space<hbm>>
    tpu.enqueue_dma source(%arg22 : memref<2048xf32, #tpu.memory_space<vmem>>) target(%dma_start3A_341 : memref<2048xf32, #tpu.memory_space<hbm>>) target_semaphore(%arg29 : memref<!tpu.dma_semaphore, #tpu.memory_space<semaphore_mem>>)
    %add3A_342 = arith.constant 26624 : i32
    %add3A_343 = arith.addi %mul3A_2, %add3A_342 : i32
    %dma_start3A_344 = tpu.memref_slice %arg2[%add3A_343] : memref<1048576xi32, #tpu.memory_space<hbm>> -> memref<2048xi32, #tpu.memory_space<hbm>>
    %dma_start3A_345 = tpu.memref_slice %arg2[%add3A_343] : memref<1048576xi32, #tpu.memory_space<hbm>> -> memref<2048xi32, #tpu.memory_space<hbm>>
    tpu.enqueue_dma source(%dma_start3A_345 : memref<2048xi32, #tpu.memory_space<hbm>>) target(%arg15 : memref<2048xi32, #tpu.memory_space<vmem>>) target_semaphore(%arg33 : memref<!tpu.dma_semaphore, #tpu.memory_space<semaphore_mem>>)
    %dma_wait3A_346 = tpu.memref_slice %arg2[%add3A_343] : memref<1048576xi32, #tpu.memory_space<hbm>> -> memref<2048xi32, #tpu.memory_space<hbm>>
    %dma_wait3A_347 = tpu.memref_slice %arg2[%add3A_343] : memref<1048576xi32, #tpu.memory_space<hbm>> -> memref<2048xi32, #tpu.memory_space<hbm>>
    tpu.wait_dma2 semaphore(%arg33 : memref<!tpu.dma_semaphore, #tpu.memory_space<semaphore_mem>>) src(%dma_wait3A_347 : memref<2048xi32, #tpu.memory_space<hbm>>) dst(%arg15 : memref<2048xi32, #tpu.memory_space<vmem>>)
    %dma_start3A_348 = arith.constant 0 : i32
    %dma_start3A_349 = tpu.memref_slice %arg10[%dma_start3A_348] : memref<1048576xi32, #tpu.memory_space<vmem_shared>> -> memref<1048576xi32, #tpu.memory_space<vmem_shared>>
    tpu.enqueue_indirect_dma source(%dma_start3A_349 : memref<1048576xi32, #tpu.memory_space<vmem_shared>>) target(%arg18 : memref<2048xi32, #tpu.memory_space<vmem>>) offsets(%arg15 : memref<2048xi32, #tpu.memory_space<vmem>>) semaphore(%arg27 : memref<!tpu.dma_semaphore, #tpu.memory_space<semaphore_mem>>)
    %dma_wait3A_350 = arith.constant 0 : i32
    %dma_wait3A_351 = tpu.memref_slice %arg10[%dma_wait3A_350] : memref<1048576xi32, #tpu.memory_space<vmem_shared>> -> memref<1048576xi32, #tpu.memory_space<vmem_shared>>
    tpu.wait_indirect_dma semaphore(%arg28 : memref<!tpu.dma_semaphore, #tpu.memory_space<semaphore_mem>>) src(%dma_wait3A_351 : memref<1048576xi32, #tpu.memory_space<vmem_shared>>) dst(%arg19 : memref<2048xi32, #tpu.memory_space<vmem>>)
    %dma_wait3A_352 = tpu.memref_slice %arg7[%add3A_305] : memref<1048576xf32, #tpu.memory_space<hbm>> -> memref<2048xf32, #tpu.memory_space<hbm>>
    %dma_wait3A_353 = tpu.memref_slice %arg7[%add3A_305] : memref<1048576xf32, #tpu.memory_space<hbm>> -> memref<2048xf32, #tpu.memory_space<hbm>>
    tpu.wait_dma2 semaphore(%arg30 : memref<!tpu.dma_semaphore, #tpu.memory_space<semaphore_mem>>) src(%arg23 : memref<2048xf32, #tpu.memory_space<vmem>>) dst(%dma_wait3A_353 : memref<2048xf32, #tpu.memory_space<hbm>>)
    %dma_wait3A_354 = tpu.memref_slice %arg8[%add3A_305] : memref<1048576xf32, #tpu.memory_space<hbm>> -> memref<2048xf32, #tpu.memory_space<hbm>>
    %dma_wait3A_355 = tpu.memref_slice %arg8[%add3A_305] : memref<1048576xf32, #tpu.memory_space<hbm>> -> memref<2048xf32, #tpu.memory_space<hbm>>
    tpu.wait_dma2 semaphore(%arg30 : memref<!tpu.dma_semaphore, #tpu.memory_space<semaphore_mem>>) src(%arg24 : memref<2048xf32, #tpu.memory_space<vmem>>) dst(%dma_wait3A_355 : memref<2048xf32, #tpu.memory_space<hbm>>)
    %dma_wait3A_356 = tpu.memref_slice %arg9[%add3A_305] : memref<1048576xf32, #tpu.memory_space<hbm>> -> memref<2048xf32, #tpu.memory_space<hbm>>
    %dma_wait3A_357 = tpu.memref_slice %arg9[%add3A_305] : memref<1048576xf32, #tpu.memory_space<hbm>> -> memref<2048xf32, #tpu.memory_space<hbm>>
    tpu.wait_dma2 semaphore(%arg30 : memref<!tpu.dma_semaphore, #tpu.memory_space<semaphore_mem>>) src(%arg25 : memref<2048xf32, #tpu.memory_space<vmem>>) dst(%dma_wait3A_357 : memref<2048xf32, #tpu.memory_space<hbm>>)
    %scan3A_358 = arith.constant 0 : i32
    %scan3A_359 = arith.constant 0 : i32
    %scan3A_360 = arith.constant 128 : i32
    %scan3A_361 = arith.addi %scan3A_359, %scan3A_360 : i32
    %scan3A_362 = arith.constant 1 : i32
    scf.for %scan3A_488 = %scan3A_359 to %scan3A_361 step %scan3A_362  : i32 {
      %mul3A_489 = arith.constant 16 : i32
      %mul3A_490 = arith.muli %scan3A_488, %mul3A_489 : i32
      %get3A = arith.index_cast %mul3A_490 : i32 to index
      %get3A_491 = tpu.vector_load %arg19[%get3A] {strides = array<i32>} : memref<2048xi32, #tpu.memory_space<vmem>>, vector<16xi32>,
      %gather3A = tpu.vector_load_idx %arg11[%get3A_491] : memref<10112xf32, #tpu.memory_space<vmem>>[vector<16xi32>], vector<16xf32>,
      %swap3A = arith.index_cast %mul3A_490 : i32 to index
      %swap3A_492 = tpu.vector_load %arg23[%swap3A] {strides = array<i32>} : memref<2048xf32, #tpu.memory_space<vmem>>, vector<16xf32>,
      tpu.vector_store %arg23[%swap3A], %gather3A {strides = array<i32>} : memref<2048xf32, #tpu.memory_space<vmem>>, vector<16xf32>,
      %gather3A_493 = tpu.vector_load_idx %arg12[%get3A_491] : memref<10112xf32, #tpu.memory_space<vmem>>[vector<16xi32>], vector<16xf32>,
      %swap3A_494 = arith.index_cast %mul3A_490 : i32 to index
      %swap3A_495 = tpu.vector_load %arg24[%swap3A_494] {strides = array<i32>} : memref<2048xf32, #tpu.memory_space<vmem>>, vector<16xf32>,
      tpu.vector_store %arg24[%swap3A_494], %gather3A_493 {strides = array<i32>} : memref<2048xf32, #tpu.memory_space<vmem>>, vector<16xf32>,
      %gather3A_496 = tpu.vector_load_idx %arg13[%get3A_491] : memref<10112xf32, #tpu.memory_space<vmem>>[vector<16xi32>], vector<16xf32>,
      %swap3A_497 = arith.index_cast %mul3A_490 : i32 to index
      %swap3A_498 = tpu.vector_load %arg25[%swap3A_497] {strides = array<i32>} : memref<2048xf32, #tpu.memory_space<vmem>>, vector<16xf32>,
      tpu.vector_store %arg25[%swap3A_497], %gather3A_496 {strides = array<i32>} : memref<2048xf32, #tpu.memory_space<vmem>>, vector<16xf32>,
    }
    %scan3A_363 = arith.constant 128 : i32
    %add3A_364 = arith.constant 22528 : i32
    %add3A_365 = arith.addi %mul3A_2, %add3A_364 : i32
    %dma_start3A_366 = tpu.memref_slice %arg7[%add3A_365] : memref<1048576xf32, #tpu.memory_space<hbm>> -> memref<2048xf32, #tpu.memory_space<hbm>>
    %dma_start3A_367 = tpu.memref_slice %arg7[%add3A_365] : memref<1048576xf32, #tpu.memory_space<hbm>> -> memref<2048xf32, #tpu.memory_space<hbm>>
    tpu.enqueue_dma source(%arg23 : memref<2048xf32, #tpu.memory_space<vmem>>) target(%dma_start3A_367 : memref<2048xf32, #tpu.memory_space<hbm>>) target_semaphore(%arg30 : memref<!tpu.dma_semaphore, #tpu.memory_space<semaphore_mem>>)
    %dma_start3A_368 = tpu.memref_slice %arg8[%add3A_365] : memref<1048576xf32, #tpu.memory_space<hbm>> -> memref<2048xf32, #tpu.memory_space<hbm>>
    %dma_start3A_369 = tpu.memref_slice %arg8[%add3A_365] : memref<1048576xf32, #tpu.memory_space<hbm>> -> memref<2048xf32, #tpu.memory_space<hbm>>
    tpu.enqueue_dma source(%arg24 : memref<2048xf32, #tpu.memory_space<vmem>>) target(%dma_start3A_369 : memref<2048xf32, #tpu.memory_space<hbm>>) target_semaphore(%arg30 : memref<!tpu.dma_semaphore, #tpu.memory_space<semaphore_mem>>)
    %dma_start3A_370 = tpu.memref_slice %arg9[%add3A_365] : memref<1048576xf32, #tpu.memory_space<hbm>> -> memref<2048xf32, #tpu.memory_space<hbm>>
    %dma_start3A_371 = tpu.memref_slice %arg9[%add3A_365] : memref<1048576xf32, #tpu.memory_space<hbm>> -> memref<2048xf32, #tpu.memory_space<hbm>>
    tpu.enqueue_dma source(%arg25 : memref<2048xf32, #tpu.memory_space<vmem>>) target(%dma_start3A_371 : memref<2048xf32, #tpu.memory_space<hbm>>) target_semaphore(%arg30 : memref<!tpu.dma_semaphore, #tpu.memory_space<semaphore_mem>>)
    %add3A_372 = arith.constant 28672 : i32
    %add3A_373 = arith.addi %mul3A_2, %add3A_372 : i32
    %dma_start3A_374 = tpu.memref_slice %arg2[%add3A_373] : memref<1048576xi32, #tpu.memory_space<hbm>> -> memref<2048xi32, #tpu.memory_space<hbm>>
    %dma_start3A_375 = tpu.memref_slice %arg2[%add3A_373] : memref<1048576xi32, #tpu.memory_space<hbm>> -> memref<2048xi32, #tpu.memory_space<hbm>>
    tpu.enqueue_dma source(%dma_start3A_375 : memref<2048xi32, #tpu.memory_space<hbm>>) target(%arg16 : memref<2048xi32, #tpu.memory_space<vmem>>) target_semaphore(%arg34 : memref<!tpu.dma_semaphore, #tpu.memory_space<semaphore_mem>>)
    %dma_wait3A_376 = tpu.memref_slice %arg2[%add3A_373] : memref<1048576xi32, #tpu.memory_space<hbm>> -> memref<2048xi32, #tpu.memory_space<hbm>>
    %dma_wait3A_377 = tpu.memref_slice %arg2[%add3A_373] : memref<1048576xi32, #tpu.memory_space<hbm>> -> memref<2048xi32, #tpu.memory_space<hbm>>
    tpu.wait_dma2 semaphore(%arg34 : memref<!tpu.dma_semaphore, #tpu.memory_space<semaphore_mem>>) src(%dma_wait3A_377 : memref<2048xi32, #tpu.memory_space<hbm>>) dst(%arg16 : memref<2048xi32, #tpu.memory_space<vmem>>)
    %dma_start3A_378 = arith.constant 0 : i32
    %dma_start3A_379 = tpu.memref_slice %arg10[%dma_start3A_378] : memref<1048576xi32, #tpu.memory_space<vmem_shared>> -> memref<1048576xi32, #tpu.memory_space<vmem_shared>>
    tpu.enqueue_indirect_dma source(%dma_start3A_379 : memref<1048576xi32, #tpu.memory_space<vmem_shared>>) target(%arg19 : memref<2048xi32, #tpu.memory_space<vmem>>) offsets(%arg16 : memref<2048xi32, #tpu.memory_space<vmem>>) semaphore(%arg28 : memref<!tpu.dma_semaphore, #tpu.memory_space<semaphore_mem>>)
    %dma_wait3A_380 = arith.constant 0 : i32
    %dma_wait3A_381 = tpu.memref_slice %arg10[%dma_wait3A_380] : memref<1048576xi32, #tpu.memory_space<vmem_shared>> -> memref<1048576xi32, #tpu.memory_space<vmem_shared>>
    tpu.wait_indirect_dma semaphore(%arg26 : memref<!tpu.dma_semaphore, #tpu.memory_space<semaphore_mem>>) src(%dma_wait3A_381 : memref<1048576xi32, #tpu.memory_space<vmem_shared>>) dst(%arg17 : memref<2048xi32, #tpu.memory_space<vmem>>)
    %dma_wait3A_382 = tpu.memref_slice %arg7[%add3A_335] : memref<1048576xf32, #tpu.memory_space<hbm>> -> memref<2048xf32, #tpu.memory_space<hbm>>
    %dma_wait3A_383 = tpu.memref_slice %arg7[%add3A_335] : memref<1048576xf32, #tpu.memory_space<hbm>> -> memref<2048xf32, #tpu.memory_space<hbm>>
    tpu.wait_dma2 semaphore(%arg29 : memref<!tpu.dma_semaphore, #tpu.memory_space<semaphore_mem>>) src(%arg20 : memref<2048xf32, #tpu.memory_space<vmem>>) dst(%dma_wait3A_383 : memref<2048xf32, #tpu.memory_space<hbm>>)
    %dma_wait3A_384 = tpu.memref_slice %arg8[%add3A_335] : memref<1048576xf32, #tpu.memory_space<hbm>> -> memref<2048xf32, #tpu.memory_space<hbm>>
    %dma_wait3A_385 = tpu.memref_slice %arg8[%add3A_335] : memref<1048576xf32, #tpu.memory_space<hbm>> -> memref<2048xf32, #tpu.memory_space<hbm>>
    tpu.wait_dma2 semaphore(%arg29 : memref<!tpu.dma_semaphore, #tpu.memory_space<semaphore_mem>>) src(%arg21 : memref<2048xf32, #tpu.memory_space<vmem>>) dst(%dma_wait3A_385 : memref<2048xf32, #tpu.memory_space<hbm>>)
    %dma_wait3A_386 = tpu.memref_slice %arg9[%add3A_335] : memref<1048576xf32, #tpu.memory_space<hbm>> -> memref<2048xf32, #tpu.memory_space<hbm>>
    %dma_wait3A_387 = tpu.memref_slice %arg9[%add3A_335] : memref<1048576xf32, #tpu.memory_space<hbm>> -> memref<2048xf32, #tpu.memory_space<hbm>>
    tpu.wait_dma2 semaphore(%arg29 : memref<!tpu.dma_semaphore, #tpu.memory_space<semaphore_mem>>) src(%arg22 : memref<2048xf32, #tpu.memory_space<vmem>>) dst(%dma_wait3A_387 : memref<2048xf32, #tpu.memory_space<hbm>>)
    %scan3A_388 = arith.constant 0 : i32
    %scan3A_389 = arith.constant 0 : i32
    %scan3A_390 = arith.constant 128 : i32
    %scan3A_391 = arith.addi %scan3A_389, %scan3A_390 : i32
    %scan3A_392 = arith.constant 1 : i32
    scf.for %scan3A_488 = %scan3A_389 to %scan3A_391 step %scan3A_392  : i32 {
      %mul3A_489 = arith.constant 16 : i32
      %mul3A_490 = arith.muli %scan3A_488, %mul3A_489 : i32
      %get3A = arith.index_cast %mul3A_490 : i32 to index
      %get3A_491 = tpu.vector_load %arg17[%get3A] {strides = array<i32>} : memref<2048xi32, #tpu.memory_space<vmem>>, vector<16xi32>,
      %gather3A = tpu.vector_load_idx %arg11[%get3A_491] : memref<10112xf32, #tpu.memory_space<vmem>>[vector<16xi32>], vector<16xf32>,
      %swap3A = arith.index_cast %mul3A_490 : i32 to index
      %swap3A_492 = tpu.vector_load %arg20[%swap3A] {strides = array<i32>} : memref<2048xf32, #tpu.memory_space<vmem>>, vector<16xf32>,
      tpu.vector_store %arg20[%swap3A], %gather3A {strides = array<i32>} : memref<2048xf32, #tpu.memory_space<vmem>>, vector<16xf32>,
      %gather3A_493 = tpu.vector_load_idx %arg12[%get3A_491] : memref<10112xf32, #tpu.memory_space<vmem>>[vector<16xi32>], vector<16xf32>,
      %swap3A_494 = arith.index_cast %mul3A_490 : i32 to index
      %swap3A_495 = tpu.vector_load %arg21[%swap3A_494] {strides = array<i32>} : memref<2048xf32, #tpu.memory_space<vmem>>, vector<16xf32>,
      tpu.vector_store %arg21[%swap3A_494], %gather3A_493 {strides = array<i32>} : memref<2048xf32, #tpu.memory_space<vmem>>, vector<16xf32>,
      %gather3A_496 = tpu.vector_load_idx %arg13[%get3A_491] : memref<10112xf32, #tpu.memory_space<vmem>>[vector<16xi32>], vector<16xf32>,
      %swap3A_497 = arith.index_cast %mul3A_490 : i32 to index
      %swap3A_498 = tpu.vector_load %arg22[%swap3A_497] {strides = array<i32>} : memref<2048xf32, #tpu.memory_space<vmem>>, vector<16xf32>,
      tpu.vector_store %arg22[%swap3A_497], %gather3A_496 {strides = array<i32>} : memref<2048xf32, #tpu.memory_space<vmem>>, vector<16xf32>,
    }
    %scan3A_393 = arith.constant 128 : i32
    %add3A_394 = arith.constant 24576 : i32
    %add3A_395 = arith.addi %mul3A_2, %add3A_394 : i32
    %dma_start3A_396 = tpu.memref_slice %arg7[%add3A_395] : memref<1048576xf32, #tpu.memory_space<hbm>> -> memref<2048xf32, #tpu.memory_space<hbm>>
    %dma_start3A_397 = tpu.memref_slice %arg7[%add3A_395] : memref<1048576xf32, #tpu.memory_space<hbm>> -> memref<2048xf32, #tpu.memory_space<hbm>>
    tpu.enqueue_dma source(%arg20 : memref<2048xf32, #tpu.memory_space<vmem>>) target(%dma_start3A_397 : memref<2048xf32, #tpu.memory_space<hbm>>) target_semaphore(%arg29 : memref<!tpu.dma_semaphore, #tpu.memory_space<semaphore_mem>>)
    %dma_start3A_398 = tpu.memref_slice %arg8[%add3A_395] : memref<1048576xf32, #tpu.memory_space<hbm>> -> memref<2048xf32, #tpu.memory_space<hbm>>
    %dma_start3A_399 = tpu.memref_slice %arg8[%add3A_395] : memref<1048576xf32, #tpu.memory_space<hbm>> -> memref<2048xf32, #tpu.memory_space<hbm>>
    tpu.enqueue_dma source(%arg21 : memref<2048xf32, #tpu.memory_space<vmem>>) target(%dma_start3A_399 : memref<2048xf32, #tpu.memory_space<hbm>>) target_semaphore(%arg29 : memref<!tpu.dma_semaphore, #tpu.memory_space<semaphore_mem>>)
    %dma_start3A_400 = tpu.memref_slice %arg9[%add3A_395] : memref<1048576xf32, #tpu.memory_space<hbm>> -> memref<2048xf32, #tpu.memory_space<hbm>>
    %dma_start3A_401 = tpu.memref_slice %arg9[%add3A_395] : memref<1048576xf32, #tpu.memory_space<hbm>> -> memref<2048xf32, #tpu.memory_space<hbm>>
    tpu.enqueue_dma source(%arg22 : memref<2048xf32, #tpu.memory_space<vmem>>) target(%dma_start3A_401 : memref<2048xf32, #tpu.memory_space<hbm>>) target_semaphore(%arg29 : memref<!tpu.dma_semaphore, #tpu.memory_space<semaphore_mem>>)
    %add3A_402 = arith.constant 30720 : i32
    %add3A_403 = arith.addi %mul3A_2, %add3A_402 : i32
    %dma_start3A_404 = tpu.memref_slice %arg2[%add3A_403] : memref<1048576xi32, #tpu.memory_space<hbm>> -> memref<2048xi32, #tpu.memory_space<hbm>>
    %dma_start3A_405 = tpu.memref_slice %arg2[%add3A_403] : memref<1048576xi32, #tpu.memory_space<hbm>> -> memref<2048xi32, #tpu.memory_space<hbm>>
    tpu.enqueue_dma source(%dma_start3A_405 : memref<2048xi32, #tpu.memory_space<hbm>>) target(%arg14 : memref<2048xi32, #tpu.memory_space<vmem>>) target_semaphore(%arg32 : memref<!tpu.dma_semaphore, #tpu.memory_space<semaphore_mem>>)
    %dma_wait3A_406 = tpu.memref_slice %arg2[%add3A_403] : memref<1048576xi32, #tpu.memory_space<hbm>> -> memref<2048xi32, #tpu.memory_space<hbm>>
    %dma_wait3A_407 = tpu.memref_slice %arg2[%add3A_403] : memref<1048576xi32, #tpu.memory_space<hbm>> -> memref<2048xi32, #tpu.memory_space<hbm>>
    tpu.wait_dma2 semaphore(%arg32 : memref<!tpu.dma_semaphore, #tpu.memory_space<semaphore_mem>>) src(%dma_wait3A_407 : memref<2048xi32, #tpu.memory_space<hbm>>) dst(%arg14 : memref<2048xi32, #tpu.memory_space<vmem>>)
    %dma_start3A_408 = arith.constant 0 : i32
    %dma_start3A_409 = tpu.memref_slice %arg10[%dma_start3A_408] : memref<1048576xi32, #tpu.memory_space<vmem_shared>> -> memref<1048576xi32, #tpu.memory_space<vmem_shared>>
    tpu.enqueue_indirect_dma source(%dma_start3A_409 : memref<1048576xi32, #tpu.memory_space<vmem_shared>>) target(%arg17 : memref<2048xi32, #tpu.memory_space<vmem>>) offsets(%arg14 : memref<2048xi32, #tpu.memory_space<vmem>>) semaphore(%arg26 : memref<!tpu.dma_semaphore, #tpu.memory_space<semaphore_mem>>)
    %dma_wait3A_410 = arith.constant 0 : i32
    %dma_wait3A_411 = tpu.memref_slice %arg10[%dma_wait3A_410] : memref<1048576xi32, #tpu.memory_space<vmem_shared>> -> memref<1048576xi32, #tpu.memory_space<vmem_shared>>
    tpu.wait_indirect_dma semaphore(%arg27 : memref<!tpu.dma_semaphore, #tpu.memory_space<semaphore_mem>>) src(%dma_wait3A_411 : memref<1048576xi32, #tpu.memory_space<vmem_shared>>) dst(%arg18 : memref<2048xi32, #tpu.memory_space<vmem>>)
    %dma_wait3A_412 = tpu.memref_slice %arg7[%add3A_365] : memref<1048576xf32, #tpu.memory_space<hbm>> -> memref<2048xf32, #tpu.memory_space<hbm>>
    %dma_wait3A_413 = tpu.memref_slice %arg7[%add3A_365] : memref<1048576xf32, #tpu.memory_space<hbm>> -> memref<2048xf32, #tpu.memory_space<hbm>>
    tpu.wait_dma2 semaphore(%arg30 : memref<!tpu.dma_semaphore, #tpu.memory_space<semaphore_mem>>) src(%arg23 : memref<2048xf32, #tpu.memory_space<vmem>>) dst(%dma_wait3A_413 : memref<2048xf32, #tpu.memory_space<hbm>>)
    %dma_wait3A_414 = tpu.memref_slice %arg8[%add3A_365] : memref<1048576xf32, #tpu.memory_space<hbm>> -> memref<2048xf32, #tpu.memory_space<hbm>>
    %dma_wait3A_415 = tpu.memref_slice %arg8[%add3A_365] : memref<1048576xf32, #tpu.memory_space<hbm>> -> memref<2048xf32, #tpu.memory_space<hbm>>
    tpu.wait_dma2 semaphore(%arg30 : memref<!tpu.dma_semaphore, #tpu.memory_space<semaphore_mem>>) src(%arg24 : memref<2048xf32, #tpu.memory_space<vmem>>) dst(%dma_wait3A_415 : memref<2048xf32, #tpu.memory_space<hbm>>)
    %dma_wait3A_416 = tpu.memref_slice %arg9[%add3A_365] : memref<1048576xf32, #tpu.memory_space<hbm>> -> memref<2048xf32, #tpu.memory_space<hbm>>
    %dma_wait3A_417 = tpu.memref_slice %arg9[%add3A_365] : memref<1048576xf32, #tpu.memory_space<hbm>> -> memref<2048xf32, #tpu.memory_space<hbm>>
    tpu.wait_dma2 semaphore(%arg30 : memref<!tpu.dma_semaphore, #tpu.memory_space<semaphore_mem>>) src(%arg25 : memref<2048xf32, #tpu.memory_space<vmem>>) dst(%dma_wait3A_417 : memref<2048xf32, #tpu.memory_space<hbm>>)
    %scan3A_418 = arith.constant 0 : i32
    %scan3A_419 = arith.constant 0 : i32
    %scan3A_420 = arith.constant 128 : i32
    %scan3A_421 = arith.addi %scan3A_419, %scan3A_420 : i32
    %scan3A_422 = arith.constant 1 : i32
    scf.for %scan3A_488 = %scan3A_419 to %scan3A_421 step %scan3A_422  : i32 {
      %mul3A_489 = arith.constant 16 : i32
      %mul3A_490 = arith.muli %scan3A_488, %mul3A_489 : i32
      %get3A = arith.index_cast %mul3A_490 : i32 to index
      %get3A_491 = tpu.vector_load %arg18[%get3A] {strides = array<i32>} : memref<2048xi32, #tpu.memory_space<vmem>>, vector<16xi32>,
      %gather3A = tpu.vector_load_idx %arg11[%get3A_491] : memref<10112xf32, #tpu.memory_space<vmem>>[vector<16xi32>], vector<16xf32>,
      %swap3A = arith.index_cast %mul3A_490 : i32 to index
      %swap3A_492 = tpu.vector_load %arg23[%swap3A] {strides = array<i32>} : memref<2048xf32, #tpu.memory_space<vmem>>, vector<16xf32>,
      tpu.vector_store %arg23[%swap3A], %gather3A {strides = array<i32>} : memref<2048xf32, #tpu.memory_space<vmem>>, vector<16xf32>,
      %gather3A_493 = tpu.vector_load_idx %arg12[%get3A_491] : memref<10112xf32, #tpu.memory_space<vmem>>[vector<16xi32>], vector<16xf32>,
      %swap3A_494 = arith.index_cast %mul3A_490 : i32 to index
      %swap3A_495 = tpu.vector_load %arg24[%swap3A_494] {strides = array<i32>} : memref<2048xf32, #tpu.memory_space<vmem>>, vector<16xf32>,
      tpu.vector_store %arg24[%swap3A_494], %gather3A_493 {strides = array<i32>} : memref<2048xf32, #tpu.memory_space<vmem>>, vector<16xf32>,
      %gather3A_496 = tpu.vector_load_idx %arg13[%get3A_491] : memref<10112xf32, #tpu.memory_space<vmem>>[vector<16xi32>], vector<16xf32>,
      %swap3A_497 = arith.index_cast %mul3A_490 : i32 to index
      %swap3A_498 = tpu.vector_load %arg25[%swap3A_497] {strides = array<i32>} : memref<2048xf32, #tpu.memory_space<vmem>>, vector<16xf32>,
      tpu.vector_store %arg25[%swap3A_497], %gather3A_496 {strides = array<i32>} : memref<2048xf32, #tpu.memory_space<vmem>>, vector<16xf32>,
    }
    %scan3A_423 = arith.constant 128 : i32
    %add3A_424 = arith.constant 26624 : i32
    %add3A_425 = arith.addi %mul3A_2, %add3A_424 : i32
    %dma_start3A_426 = tpu.memref_slice %arg7[%add3A_425] : memref<1048576xf32, #tpu.memory_space<hbm>> -> memref<2048xf32, #tpu.memory_space<hbm>>
    %dma_start3A_427 = tpu.memref_slice %arg7[%add3A_425] : memref<1048576xf32, #tpu.memory_space<hbm>> -> memref<2048xf32, #tpu.memory_space<hbm>>
    tpu.enqueue_dma source(%arg23 : memref<2048xf32, #tpu.memory_space<vmem>>) target(%dma_start3A_427 : memref<2048xf32, #tpu.memory_space<hbm>>) target_semaphore(%arg30 : memref<!tpu.dma_semaphore, #tpu.memory_space<semaphore_mem>>)
    %dma_start3A_428 = tpu.memref_slice %arg8[%add3A_425] : memref<1048576xf32, #tpu.memory_space<hbm>> -> memref<2048xf32, #tpu.memory_space<hbm>>
    %dma_start3A_429 = tpu.memref_slice %arg8[%add3A_425] : memref<1048576xf32, #tpu.memory_space<hbm>> -> memref<2048xf32, #tpu.memory_space<hbm>>
    tpu.enqueue_dma source(%arg24 : memref<2048xf32, #tpu.memory_space<vmem>>) target(%dma_start3A_429 : memref<2048xf32, #tpu.memory_space<hbm>>) target_semaphore(%arg30 : memref<!tpu.dma_semaphore, #tpu.memory_space<semaphore_mem>>)
    %dma_start3A_430 = tpu.memref_slice %arg9[%add3A_425] : memref<1048576xf32, #tpu.memory_space<hbm>> -> memref<2048xf32, #tpu.memory_space<hbm>>
    %dma_start3A_431 = tpu.memref_slice %arg9[%add3A_425] : memref<1048576xf32, #tpu.memory_space<hbm>> -> memref<2048xf32, #tpu.memory_space<hbm>>
    tpu.enqueue_dma source(%arg25 : memref<2048xf32, #tpu.memory_space<vmem>>) target(%dma_start3A_431 : memref<2048xf32, #tpu.memory_space<hbm>>) target_semaphore(%arg30 : memref<!tpu.dma_semaphore, #tpu.memory_space<semaphore_mem>>)
    %dma_wait3A_432 = arith.constant 0 : i32
    %dma_wait3A_433 = tpu.memref_slice %arg10[%dma_wait3A_432] : memref<1048576xi32, #tpu.memory_space<vmem_shared>> -> memref<1048576xi32, #tpu.memory_space<vmem_shared>>
    tpu.wait_indirect_dma semaphore(%arg28 : memref<!tpu.dma_semaphore, #tpu.memory_space<semaphore_mem>>) src(%dma_wait3A_433 : memref<1048576xi32, #tpu.memory_space<vmem_shared>>) dst(%arg19 : memref<2048xi32, #tpu.memory_space<vmem>>)
    %dma_wait3A_434 = tpu.memref_slice %arg7[%add3A_395] : memref<1048576xf32, #tpu.memory_space<hbm>> -> memref<2048xf32, #tpu.memory_space<hbm>>
    %dma_wait3A_435 = tpu.memref_slice %arg7[%add3A_395] : memref<1048576xf32, #tpu.memory_space<hbm>> -> memref<2048xf32, #tpu.memory_space<hbm>>
    tpu.wait_dma2 semaphore(%arg29 : memref<!tpu.dma_semaphore, #tpu.memory_space<semaphore_mem>>) src(%arg20 : memref<2048xf32, #tpu.memory_space<vmem>>) dst(%dma_wait3A_435 : memref<2048xf32, #tpu.memory_space<hbm>>)
    %dma_wait3A_436 = tpu.memref_slice %arg8[%add3A_395] : memref<1048576xf32, #tpu.memory_space<hbm>> -> memref<2048xf32, #tpu.memory_space<hbm>>
    %dma_wait3A_437 = tpu.memref_slice %arg8[%add3A_395] : memref<1048576xf32, #tpu.memory_space<hbm>> -> memref<2048xf32, #tpu.memory_space<hbm>>
    tpu.wait_dma2 semaphore(%arg29 : memref<!tpu.dma_semaphore, #tpu.memory_space<semaphore_mem>>) src(%arg21 : memref<2048xf32, #tpu.memory_space<vmem>>) dst(%dma_wait3A_437 : memref<2048xf32, #tpu.memory_space<hbm>>)
    %dma_wait3A_438 = tpu.memref_slice %arg9[%add3A_395] : memref<1048576xf32, #tpu.memory_space<hbm>> -> memref<2048xf32, #tpu.memory_space<hbm>>
    %dma_wait3A_439 = tpu.memref_slice %arg9[%add3A_395] : memref<1048576xf32, #tpu.memory_space<hbm>> -> memref<2048xf32, #tpu.memory_space<hbm>>
    tpu.wait_dma2 semaphore(%arg29 : memref<!tpu.dma_semaphore, #tpu.memory_space<semaphore_mem>>) src(%arg22 : memref<2048xf32, #tpu.memory_space<vmem>>) dst(%dma_wait3A_439 : memref<2048xf32, #tpu.memory_space<hbm>>)
    %scan3A_440 = arith.constant 0 : i32
    %scan3A_441 = arith.constant 0 : i32
    %scan3A_442 = arith.constant 128 : i32
    %scan3A_443 = arith.addi %scan3A_441, %scan3A_442 : i32
    %scan3A_444 = arith.constant 1 : i32
    scf.for %scan3A_488 = %scan3A_441 to %scan3A_443 step %scan3A_444  : i32 {
      %mul3A_489 = arith.constant 16 : i32
      %mul3A_490 = arith.muli %scan3A_488, %mul3A_489 : i32
      %get3A = arith.index_cast %mul3A_490 : i32 to index
      %get3A_491 = tpu.vector_load %arg19[%get3A] {strides = array<i32>} : memref<2048xi32, #tpu.memory_space<vmem>>, vector<16xi32>,
      %gather3A = tpu.vector_load_idx %arg11[%get3A_491] : memref<10112xf32, #tpu.memory_space<vmem>>[vector<16xi32>], vector<16xf32>,
      %swap3A = arith.index_cast %mul3A_490 : i32 to index
      %swap3A_492 = tpu.vector_load %arg20[%swap3A] {strides = array<i32>} : memref<2048xf32, #tpu.memory_space<vmem>>, vector<16xf32>,
      tpu.vector_store %arg20[%swap3A], %gather3A {strides = array<i32>} : memref<2048xf32, #tpu.memory_space<vmem>>, vector<16xf32>,
      %gather3A_493 = tpu.vector_load_idx %arg12[%get3A_491] : memref<10112xf32, #tpu.memory_space<vmem>>[vector<16xi32>], vector<16xf32>,
      %swap3A_494 = arith.index_cast %mul3A_490 : i32 to index
      %swap3A_495 = tpu.vector_load %arg21[%swap3A_494] {strides = array<i32>} : memref<2048xf32, #tpu.memory_space<vmem>>, vector<16xf32>,
      tpu.vector_store %arg21[%swap3A_494], %gather3A_493 {strides = array<i32>} : memref<2048xf32, #tpu.memory_space<vmem>>, vector<16xf32>,
      %gather3A_496 = tpu.vector_load_idx %arg13[%get3A_491] : memref<10112xf32, #tpu.memory_space<vmem>>[vector<16xi32>], vector<16xf32>,
      %swap3A_497 = arith.index_cast %mul3A_490 : i32 to index
      %swap3A_498 = tpu.vector_load %arg22[%swap3A_497] {strides = array<i32>} : memref<2048xf32, #tpu.memory_space<vmem>>, vector<16xf32>,
      tpu.vector_store %arg22[%swap3A_497], %gather3A_496 {strides = array<i32>} : memref<2048xf32, #tpu.memory_space<vmem>>, vector<16xf32>,
    }
    %scan3A_445 = arith.constant 128 : i32
    %add3A_446 = arith.constant 28672 : i32
    %add3A_447 = arith.addi %mul3A_2, %add3A_446 : i32
    %dma_start3A_448 = tpu.memref_slice %arg7[%add3A_447] : memref<1048576xf32, #tpu.memory_space<hbm>> -> memref<2048xf32, #tpu.memory_space<hbm>>
    %dma_start3A_449 = tpu.memref_slice %arg7[%add3A_447] : memref<1048576xf32, #tpu.memory_space<hbm>> -> memref<2048xf32, #tpu.memory_space<hbm>>
    tpu.enqueue_dma source(%arg20 : memref<2048xf32, #tpu.memory_space<vmem>>) target(%dma_start3A_449 : memref<2048xf32, #tpu.memory_space<hbm>>) target_semaphore(%arg29 : memref<!tpu.dma_semaphore, #tpu.memory_space<semaphore_mem>>)
    %dma_start3A_450 = tpu.memref_slice %arg8[%add3A_447] : memref<1048576xf32, #tpu.memory_space<hbm>> -> memref<2048xf32, #tpu.memory_space<hbm>>
    %dma_start3A_451 = tpu.memref_slice %arg8[%add3A_447] : memref<1048576xf32, #tpu.memory_space<hbm>> -> memref<2048xf32, #tpu.memory_space<hbm>>
    tpu.enqueue_dma source(%arg21 : memref<2048xf32, #tpu.memory_space<vmem>>) target(%dma_start3A_451 : memref<2048xf32, #tpu.memory_space<hbm>>) target_semaphore(%arg29 : memref<!tpu.dma_semaphore, #tpu.memory_space<semaphore_mem>>)
    %dma_start3A_452 = tpu.memref_slice %arg9[%add3A_447] : memref<1048576xf32, #tpu.memory_space<hbm>> -> memref<2048xf32, #tpu.memory_space<hbm>>
    %dma_start3A_453 = tpu.memref_slice %arg9[%add3A_447] : memref<1048576xf32, #tpu.memory_space<hbm>> -> memref<2048xf32, #tpu.memory_space<hbm>>
    tpu.enqueue_dma source(%arg22 : memref<2048xf32, #tpu.memory_space<vmem>>) target(%dma_start3A_453 : memref<2048xf32, #tpu.memory_space<hbm>>) target_semaphore(%arg29 : memref<!tpu.dma_semaphore, #tpu.memory_space<semaphore_mem>>)
    %dma_wait3A_454 = arith.constant 0 : i32
    %dma_wait3A_455 = tpu.memref_slice %arg10[%dma_wait3A_454] : memref<1048576xi32, #tpu.memory_space<vmem_shared>> -> memref<1048576xi32, #tpu.memory_space<vmem_shared>>
    tpu.wait_indirect_dma semaphore(%arg26 : memref<!tpu.dma_semaphore, #tpu.memory_space<semaphore_mem>>) src(%dma_wait3A_455 : memref<1048576xi32, #tpu.memory_space<vmem_shared>>) dst(%arg17 : memref<2048xi32, #tpu.memory_space<vmem>>)
    %dma_wait3A_456 = tpu.memref_slice %arg7[%add3A_425] : memref<1048576xf32, #tpu.memory_space<hbm>> -> memref<2048xf32, #tpu.memory_space<hbm>>
    %dma_wait3A_457 = tpu.memref_slice %arg7[%add3A_425] : memref<1048576xf32, #tpu.memory_space<hbm>> -> memref<2048xf32, #tpu.memory_space<hbm>>
    tpu.wait_dma2 semaphore(%arg30 : memref<!tpu.dma_semaphore, #tpu.memory_space<semaphore_mem>>) src(%arg23 : memref<2048xf32, #tpu.memory_space<vmem>>) dst(%dma_wait3A_457 : memref<2048xf32, #tpu.memory_space<hbm>>)
    %dma_wait3A_458 = tpu.memref_slice %arg8[%add3A_425] : memref<1048576xf32, #tpu.memory_space<hbm>> -> memref<2048xf32, #tpu.memory_space<hbm>>
    %dma_wait3A_459 = tpu.memref_slice %arg8[%add3A_425] : memref<1048576xf32, #tpu.memory_space<hbm>> -> memref<2048xf32, #tpu.memory_space<hbm>>
    tpu.wait_dma2 semaphore(%arg30 : memref<!tpu.dma_semaphore, #tpu.memory_space<semaphore_mem>>) src(%arg24 : memref<2048xf32, #tpu.memory_space<vmem>>) dst(%dma_wait3A_459 : memref<2048xf32, #tpu.memory_space<hbm>>)
    %dma_wait3A_460 = tpu.memref_slice %arg9[%add3A_425] : memref<1048576xf32, #tpu.memory_space<hbm>> -> memref<2048xf32, #tpu.memory_space<hbm>>
    %dma_wait3A_461 = tpu.memref_slice %arg9[%add3A_425] : memref<1048576xf32, #tpu.memory_space<hbm>> -> memref<2048xf32, #tpu.memory_space<hbm>>
    tpu.wait_dma2 semaphore(%arg30 : memref<!tpu.dma_semaphore, #tpu.memory_space<semaphore_mem>>) src(%arg25 : memref<2048xf32, #tpu.memory_space<vmem>>) dst(%dma_wait3A_461 : memref<2048xf32, #tpu.memory_space<hbm>>)
    %scan3A_462 = arith.constant 0 : i32
    %scan3A_463 = arith.constant 0 : i32
    %scan3A_464 = arith.constant 128 : i32
    %scan3A_465 = arith.addi %scan3A_463, %scan3A_464 : i32
    %scan3A_466 = arith.constant 1 : i32
    scf.for %scan3A_488 = %scan3A_463 to %scan3A_465 step %scan3A_466  : i32 {
      %mul3A_489 = arith.constant 16 : i32
      %mul3A_490 = arith.muli %scan3A_488, %mul3A_489 : i32
      %get3A = arith.index_cast %mul3A_490 : i32 to index
      %get3A_491 = tpu.vector_load %arg17[%get3A] {strides = array<i32>} : memref<2048xi32, #tpu.memory_space<vmem>>, vector<16xi32>,
      %gather3A = tpu.vector_load_idx %arg11[%get3A_491] : memref<10112xf32, #tpu.memory_space<vmem>>[vector<16xi32>], vector<16xf32>,
      %swap3A = arith.index_cast %mul3A_490 : i32 to index
      %swap3A_492 = tpu.vector_load %arg23[%swap3A] {strides = array<i32>} : memref<2048xf32, #tpu.memory_space<vmem>>, vector<16xf32>,
      tpu.vector_store %arg23[%swap3A], %gather3A {strides = array<i32>} : memref<2048xf32, #tpu.memory_space<vmem>>, vector<16xf32>,
      %gather3A_493 = tpu.vector_load_idx %arg12[%get3A_491] : memref<10112xf32, #tpu.memory_space<vmem>>[vector<16xi32>], vector<16xf32>,
      %swap3A_494 = arith.index_cast %mul3A_490 : i32 to index
      %swap3A_495 = tpu.vector_load %arg24[%swap3A_494] {strides = array<i32>} : memref<2048xf32, #tpu.memory_space<vmem>>, vector<16xf32>,
      tpu.vector_store %arg24[%swap3A_494], %gather3A_493 {strides = array<i32>} : memref<2048xf32, #tpu.memory_space<vmem>>, vector<16xf32>,
      %gather3A_496 = tpu.vector_load_idx %arg13[%get3A_491] : memref<10112xf32, #tpu.memory_space<vmem>>[vector<16xi32>], vector<16xf32>,
      %swap3A_497 = arith.index_cast %mul3A_490 : i32 to index
      %swap3A_498 = tpu.vector_load %arg25[%swap3A_497] {strides = array<i32>} : memref<2048xf32, #tpu.memory_space<vmem>>, vector<16xf32>,
      tpu.vector_store %arg25[%swap3A_497], %gather3A_496 {strides = array<i32>} : memref<2048xf32, #tpu.memory_space<vmem>>, vector<16xf32>,
    }
    %scan3A_467 = arith.constant 128 : i32
    %add3A_468 = arith.constant 30720 : i32
    %add3A_469 = arith.addi %mul3A_2, %add3A_468 : i32
    %dma_start3A_470 = tpu.memref_slice %arg7[%add3A_469] : memref<1048576xf32, #tpu.memory_space<hbm>> -> memref<2048xf32, #tpu.memory_space<hbm>>
    %dma_start3A_471 = tpu.memref_slice %arg7[%add3A_469] : memref<1048576xf32, #tpu.memory_space<hbm>> -> memref<2048xf32, #tpu.memory_space<hbm>>
    tpu.enqueue_dma source(%arg23 : memref<2048xf32, #tpu.memory_space<vmem>>) target(%dma_start3A_471 : memref<2048xf32, #tpu.memory_space<hbm>>) target_semaphore(%arg30 : memref<!tpu.dma_semaphore, #tpu.memory_space<semaphore_mem>>)
    %dma_start3A_472 = tpu.memref_slice %arg8[%add3A_469] : memref<1048576xf32, #tpu.memory_space<hbm>> -> memref<2048xf32, #tpu.memory_space<hbm>>
    %dma_start3A_473 = tpu.memref_slice %arg8[%add3A_469] : memref<1048576xf32, #tpu.memory_space<hbm>> -> memref<2048xf32, #tpu.memory_space<hbm>>
    tpu.enqueue_dma source(%arg24 : memref<2048xf32, #tpu.memory_space<vmem>>) target(%dma_start3A_473 : memref<2048xf32, #tpu.memory_space<hbm>>) target_semaphore(%arg30 : memref<!tpu.dma_semaphore, #tpu.memory_space<semaphore_mem>>)
    %dma_start3A_474 = tpu.memref_slice %arg9[%add3A_469] : memref<1048576xf32, #tpu.memory_space<hbm>> -> memref<2048xf32, #tpu.memory_space<hbm>>
    %dma_start3A_475 = tpu.memref_slice %arg9[%add3A_469] : memref<1048576xf32, #tpu.memory_space<hbm>> -> memref<2048xf32, #tpu.memory_space<hbm>>
    tpu.enqueue_dma source(%arg25 : memref<2048xf32, #tpu.memory_space<vmem>>) target(%dma_start3A_475 : memref<2048xf32, #tpu.memory_space<hbm>>) target_semaphore(%arg30 : memref<!tpu.dma_semaphore, #tpu.memory_space<semaphore_mem>>)
    %dma_wait3A_476 = tpu.memref_slice %arg7[%add3A_447] : memref<1048576xf32, #tpu.memory_space<hbm>> -> memref<2048xf32, #tpu.memory_space<hbm>>
    %dma_wait3A_477 = tpu.memref_slice %arg7[%add3A_447] : memref<1048576xf32, #tpu.memory_space<hbm>> -> memref<2048xf32, #tpu.memory_space<hbm>>
    tpu.wait_dma2 semaphore(%arg29 : memref<!tpu.dma_semaphore, #tpu.memory_space<semaphore_mem>>) src(%arg20 : memref<2048xf32, #tpu.memory_space<vmem>>) dst(%dma_wait3A_477 : memref<2048xf32, #tpu.memory_space<hbm>>)
    %dma_wait3A_478 = tpu.memref_slice %arg8[%add3A_447] : memref<1048576xf32, #tpu.memory_space<hbm>> -> memref<2048xf32, #tpu.memory_space<hbm>>
    %dma_wait3A_479 = tpu.memref_slice %arg8[%add3A_447] : memref<1048576xf32, #tpu.memory_space<hbm>> -> memref<2048xf32, #tpu.memory_space<hbm>>
    tpu.wait_dma2 semaphore(%arg29 : memref<!tpu.dma_semaphore, #tpu.memory_space<semaphore_mem>>) src(%arg21 : memref<2048xf32, #tpu.memory_space<vmem>>) dst(%dma_wait3A_479 : memref<2048xf32, #tpu.memory_space<hbm>>)
    %dma_wait3A_480 = tpu.memref_slice %arg9[%add3A_447] : memref<1048576xf32, #tpu.memory_space<hbm>> -> memref<2048xf32, #tpu.memory_space<hbm>>
    %dma_wait3A_481 = tpu.memref_slice %arg9[%add3A_447] : memref<1048576xf32, #tpu.memory_space<hbm>> -> memref<2048xf32, #tpu.memory_space<hbm>>
    tpu.wait_dma2 semaphore(%arg29 : memref<!tpu.dma_semaphore, #tpu.memory_space<semaphore_mem>>) src(%arg22 : memref<2048xf32, #tpu.memory_space<vmem>>) dst(%dma_wait3A_481 : memref<2048xf32, #tpu.memory_space<hbm>>)
    %dma_wait3A_482 = tpu.memref_slice %arg7[%add3A_469] : memref<1048576xf32, #tpu.memory_space<hbm>> -> memref<2048xf32, #tpu.memory_space<hbm>>
    %dma_wait3A_483 = tpu.memref_slice %arg7[%add3A_469] : memref<1048576xf32, #tpu.memory_space<hbm>> -> memref<2048xf32, #tpu.memory_space<hbm>>
    tpu.wait_dma2 semaphore(%arg30 : memref<!tpu.dma_semaphore, #tpu.memory_space<semaphore_mem>>) src(%arg23 : memref<2048xf32, #tpu.memory_space<vmem>>) dst(%dma_wait3A_483 : memref<2048xf32, #tpu.memory_space<hbm>>)
    %dma_wait3A_484 = tpu.memref_slice %arg8[%add3A_469] : memref<1048576xf32, #tpu.memory_space<hbm>> -> memref<2048xf32, #tpu.memory_space<hbm>>
    %dma_wait3A_485 = tpu.memref_slice %arg8[%add3A_469] : memref<1048576xf32, #tpu.memory_space<hbm>> -> memref<2048xf32, #tpu.memory_space<hbm>>
    tpu.wait_dma2 semaphore(%arg30 : memref<!tpu.dma_semaphore, #tpu.memory_space<semaphore_mem>>) src(%arg24 : memref<2048xf32, #tpu.memory_space<vmem>>) dst(%dma_wait3A_485 : memref<2048xf32, #tpu.memory_space<hbm>>)
    %dma_wait3A_486 = tpu.memref_slice %arg9[%add3A_469] : memref<1048576xf32, #tpu.memory_space<hbm>> -> memref<2048xf32, #tpu.memory_space<hbm>>
    %dma_wait3A_487 = tpu.memref_slice %arg9[%add3A_469] : memref<1048576xf32, #tpu.memory_space<hbm>> -> memref<2048xf32, #tpu.memory_space<hbm>>
    tpu.wait_dma2 semaphore(%arg30 : memref<!tpu.dma_semaphore, #tpu.memory_space<semaphore_mem>>) src(%arg25 : memref<2048xf32, #tpu.memory_space<vmem>>) dst(%dma_wait3A_487 : memref<2048xf32, #tpu.memory_space<hbm>>)
    return
  }
}

</mosaic_0001>

<sc_bundles>
// kernel: kernel.3.cloned.1.call-start
scs
__scs_entry_jumppad:
0x0: {  	(pc) =	sbr.rel $0x88, $3  }
0x1: {  	(tag) =	ssettag $0x0;
	lr =	simm.s32 $0x1  }
0x2: {  	[smem:$0x3F9D] =	sst lr;
	_ =	strace $0xD0000000  }
0x3: {  	_ = 	snop  }
0x4: {  	_ = 	snop  }
0x5: {  	_ = 	snop  }
0x6: {  	_ = 	snop  }
0x7: {  	_ = 	snop  }
__scs_overlays_trampoline_lowered:
0x8: {  	[smem:$0x3FAC] =	sst s0  }
0x9: {  	[smem:$0x3FAD] =	sst s1  }
0xa: {  	[smem:$0x3FAE] =	sst s2  }
0xb: {  	[smem:$0x3FAF] =	sst s3  }
0xc: {  	[smem:$0x3FB0] =	sst s4  }
0xd: {  	[smem:$0x3FB1] =	sst s5  }
0xe: {  	[smem:$0x3FB2] =	sst s6  }
0xf: {  	[smem:$0x3FB3] =	sst s7  }
0x10: {  	[smem:$0x3FB4] =	sst s8  }
0x11: {  	[smem:$0x3FB5] =	sst s9;
	s0 =	simm.s32 @!p0 $0x0  }
0x12: {  	s1 =	sld [smem:$0x3F9B];
	s0 =	simm.s32 @p0 $0x1  }
0x13: {  	[smem:$0x3FB6] =	sst s0;
	s0 =	simm.s32 @!p1 $0x0  }
0x14: {  	s2 =	sld [smem:$0x3F9A];
	s0 =	simm.s32 @p1 $0x1  }
0x15: {  	[smem:$0x3FB7] =	sst s0;
	s0 =	simm.s32 @!p2 $0x0  }
0x16: {  	s3 =	sld [smem:$0x3FDB];
	s0 =	simm.s32 @p2 $0x1  }
0x17: {  	s4 =	simm.s32 $0x1BF5;
	[smem:$0x3FB9] =	sst s0  }
0x18: {  	s0 =	sld [smem:$0x3F9C];
	_ =	swait.ge [sflag:s4], $0x0  }
0x19: {  	s7 =	sld [smem:$0x3F9D]  }
0x1a: {  	s8 =	sadd.s32 $0xFFFFE003, lr  }
0x1b: {  	s9 =	sadd.s32 $0xFFFFFEF7, lr;
	s5 =	simm.s32 $0xFFFFFFFF;
	p2 =	slt.u32 s8, $0xFFFFF086  }
0x1c: {  	p1 =	slt.u32 s9, $0xF7A;
	s5 =	simm.s32 @!p2 $0x0  }
0x1d: {  	s5 =	simm.s32 @p1 $0x1;
	p0 =	seq.s32 s7, s2  }
0x1e: {  	s7 =	smul.u32 @!p0 $0xF7A, s2;
	p2 =	seq.s32 @!p0 s5, $0x0  }
0x1f: {  	s9 =	smul.u32 $0xF7A, s1;
	s8 =	simm.s32 @!p0 $0x1BF5;
	p2 =	por !p2, p0  }
0x20: {  	[sflag:s8] =	ssyncset.s32 @!p0 $0xFFFFF086;
	s6 =	sadd.s32 @!p0 s3, s7;
	s7 =	simm.s32 @!p0 $0x108  }
0x21: {  	s3 =	sadd.s32 s3, s9;
	s6 =	sadd.s32 @!p0 $0x88, s6;
	s7 =	simm.s32 @p2 $0x1082  }
0x22: {  	[simem:s7], [sflag:s8] =	dma.local @!p0 [hbm:s6], $0xF7A  }
0x23: {  	s9 =	sor.u32 $0xD0000000, s2;
	s6 =	simm.s32 $0x108;
	_ =	swait.ge @!p0 [sflag:s8], $0x0  }
0x24: {  	s3 =	sadd.s32 $0x88, s3;
	s6 =	simm.s32 @!p1 $0x1082;
	[sflag:s4] =	ssyncset.s32 $0xFFFFF086  }
0x25: {  	[simem:s6], [sflag:s4] =	dma.local [hbm:s3], $0xF7A  }
0x26: {  	[smem:$0x3F9D] =	sst s1;
	(tag) =	ssettag s2;
	_ =	strace s9  }
0x27: {  	s1 =	sld [smem:$0x3FAD]  }
0x28: {  	s2 =	sld [smem:$0x3FAE]  }
0x29: {  	s4 =	sld [smem:$0x3FB0]  }
0x2a: {  	p0 =	seq.s32 s5, $0x0;
	s5 =	sld [smem:$0x3FB1]  }
0x2b: {  	s6 =	sld [smem:$0x3FB2]  }
0x2c: {  	s7 =	sld [smem:$0x3FB3]  }
0x2d: {  	s3 =	simm.s32 $0x108;
	s8 =	sld [smem:$0x3FB4]  }
0x2e: {  	s3 =	simm.s32 @!p0 $0x1082;
	s9 =	sld [smem:$0x3FB5]  }
0x2f: {  	lr =	sadd.s32 s0, s3;
	s0 =	sld [smem:$0x3FAC]  }
0x30: {  	s3 =	sld [smem:$0x3FAF]  }
0x31: {  	[smem:$0x3FB8] =	sst s10  }
0x32: {  	s10 =	sld [smem:$0x3FB6];
	_ =	sdelay $0x3  }
0x33: {  	p0 =	seq.s32 s10, $0x1;
	s10 =	sld [smem:$0x3FB8];
	_ =	sdelay $0x3  }
0x34: {  	[smem:$0x3FB8] =	sst s10  }
0x35: {  	s10 =	sld [smem:$0x3FB7];
	_ =	sdelay $0x3  }
0x36: {  	p1 =	seq.s32 s10, $0x1;
	s10 =	sld [smem:$0x3FB8];
	_ =	sdelay $0x3  }
0x37: {  	[smem:$0x3FB8] =	sst s10  }
0x38: {  	s10 =	sld [smem:$0x3FB9]  }
0x39: {  	_ = 	snop;
	(pc) =	sbr.ind lr, $3  }
0x3a: {  	_ = 	snop  }
0x3b: {  	_ = 	snop  }
0x3c: {  	p2 =	seq.s32 s10, $0x1;
	s10 =	sld [smem:$0x3FB8]  }
0x3d: {  	_ =	shalt  }
0x3e: {  	_ =	shalt  }
0x3f: {  	_ =	shalt  }
0x40: {  	_ =	shalt  }
0x41: {  	_ =	shalt  }
0x42: {  	_ =	shalt  }
0x43: {  	_ =	shalt  }
0x44: {  	_ =	shalt  }
0x45: {  	_ =	shalt  }
0x46: {  	_ =	shalt  }
0x47: {  	_ =	shalt  }
0x48: {  	_ =	shalt  }
0x49: {  	_ =	shalt  }
0x4a: {  	_ =	shalt  }
0x4b: {  	_ =	shalt  }
0x4c: {  	_ =	shalt  }
0x4d: {  	_ =	shalt  }
0x4e: {  	_ =	shalt  }
0x4f: {  	_ =	shalt  }
0x50: {  	_ =	shalt  }
0x51: {  	_ =	shalt  }
0x52: {  	_ =	shalt  }
0x53: {  	_ =	shalt  }
0x54: {  	_ =	shalt  }
0x55: {  	_ =	shalt  }
0x56: {  	_ =	shalt  }
0x57: {  	_ =	shalt  }
0x58: {  	_ =	shalt  }
0x59: {  	_ =	shalt  }
0x5a: {  	_ =	shalt  }
0x5b: {  	_ =	shalt  }
0x5c: {  	_ =	shalt  }
0x5d: {  	_ =	shalt  }
0x5e: {  	_ =	shalt  }
0x5f: {  	_ =	shalt  }
0x60: {  	_ =	shalt  }
0x61: {  	_ =	shalt  }
0x62: {  	_ =	shalt  }
0x63: {  	_ =	shalt  }
0x64: {  	_ =	shalt  }
0x65: {  	_ =	shalt  }
0x66: {  	_ =	shalt  }
0x67: {  	_ =	shalt  }
0x68: {  	_ =	shalt  }
0x69: {  	_ =	shalt  }
0x6a: {  	_ =	shalt  }
0x6b: {  	_ =	shalt  }
0x6c: {  	_ =	shalt  }
0x6d: {  	_ =	shalt  }
0x6e: {  	_ =	shalt  }
0x6f: {  	_ =	shalt  }
0x70: {  	_ =	shalt  }
0x71: {  	_ =	shalt  }
0x72: {  	_ =	shalt  }
0x73: {  	_ =	shalt  }
0x74: {  	_ =	shalt  }
0x75: {  	_ =	shalt  }
0x76: {  	_ =	shalt  }
0x77: {  	_ =	shalt  }
0x78: {  	_ =	shalt  }
0x79: {  	_ =	shalt  }
0x7a: {  	_ =	shalt  }
0x7b: {  	_ =	shalt  }
0x7c: {  	_ =	shalt  }
0x7d: {  	_ =	shalt  }
0x7e: {  	_ =	shalt  }
0x7f: {  	_ =	shalt  }
0x80: {  	_ =	shalt  }
0x81: {  	_ =	shalt  }
0x82: {  	_ =	shalt  }
0x83: {  	_ =	shalt  }
0x84: {  	_ =	shalt  }
0x85: {  	_ =	shalt  }
0x86: {  	_ =	shalt  }
0x87: {  	_ =	shalt  }
.Lfunc_end0:
.L_simem_size_0:
called_computation_lowered:
.L_overlay_start_0:
0x88: {  	s2 =	sld [smem:$0x3FD9]  }
0x89: {  	s3 =	sld [smem:$0x3FFE];
	_ =	sdelay $0x1  }
0x8a: {  	s1 =	srdreg.scid  }
0x8b: {  	s0 =	sand.u32 $0x1, s1  }
0x8c: {  	s17 =	sshll.u32 s0, $0xA;
	s2 =	sadd.s32 s3, s2  }
0x8d: {  	s2 =	sadd.s32 s2, s17  }
0x8e: {  	[smem:$0x3FC4] =	sst s2  }
0x8f: {  	_ = 	snop  }
0x90: {  	s2 =	sld [smem:$0x3FC9]  }
0x91: {  	s18 =	sld [smem:$0x3FD0];
	(tm) =	ssettm $0x1  }
0x92: {  	s4 =	sld [smem:$0x3FFB];
	_ =	sdelay $0x3  }
0x93: {  	_ =	strace s4  }
0x94: {  	s4 =	sld [smem:$0x3FFC];
	_ =	sdelay $0x3  }
0x95: {  	_ =	strace s4  }
0x96: {  	s4 =	sld [smem:$0x3FFD];
	_ =	sdelay $0x3  }
0x97: {  	_ =	strace s4  }
0x98: {  	_ =	strace $0x8FFFFFFF  }
0x99: {  	s19 =	sld [smem:$0x3FDB];
	_ =	sdelay $0x1  }
0x9a: {  	s5 =	simm.s32 $_scs_section_size  }
0x9b: {  	s6 =	simm.s32 $_size__tile_overlayer_lowered;
	s7 =	simm.s32 $_tile_overlayer_lowered  }
0x9c: {  	s22 =	simm.s32 $0x1BFF;
	s21 =	sshll.u32 s7, $0x1;
	s4 =	sadd.s32 s5, s19  }
0x9d: {  	s8 =	simm.s32 $0x0;
	s20 =	sshll.u32 s6, $0x1;
	s6 =	sadd.s32 s21, s4  }
0x9e: {  	[timem:s8], [sflag:s22] =	dma.local [hbm:s6], s20  }
0x9f: {  	_ =	swait.ge [sflag:s22], s20  }
0xa0: {  	s5 =	ssub.s32 $0x0, s20;
	[sflag:s22] =	ssyncset.done $0x0  }
0xa1: {  	[sflag:s22] =	ssyncadd.s32 s5;
	_ =	sdelay $0x1  }
0xa2: {  	s23 =	simm.s32 $0x1B8B  }
0xa3: {  	_ =	swait.ge [sflag:s23], $0x1  }
0xa4: {  	[sflag:s23] =	ssyncset.done $0x0  }
0xa5: {  	s25 =	simm.s32 $0x1B8E;
	s24 =	sld [smem:$0x3FFE];
	[sflag:s23] =	ssyncadd.s32 $0xFFFFFFFF  }
0xa6: {  	s26 =	simm.s32 $execute0_lowered;
	[smem:$0x3FD2] =	sst s25  }
0xa7: {  	s6 =	sshll.u32 s26, $0x1;
	_ =	strace $0x80000046;
	[dreg:$0x1] =	wrdreg $0xFFFFFFFF  }
0xa8: {  	s28 =	simm.s32 $_size_execute0_lowered;
	s4 =	sadd.s32 s4, s6;
	[dreg:$0x0] =	wrdreg $0x0  }
0xa9: {  	s6 =	sshll.u32 s28, $0x1;
	[dreg:$0x2] =	wrdreg s4  }
0xaa: {  	[dreg:$0x3] =	wrdreg s6  }
0xab: {  	[dreg:$0x4] =	wrdreg $0xC0  }
0xac: {  	_ =	task [dreg:s8], $0x5FFFF  }
0xad: {  	[dreg:$0x1] =	wrdreg $0xFFFFFFFF  }
0xae: {  	[dreg:$0x0] =	wrdreg $0x60  }
0xaf: {  	[dreg:$0x2] =	wrdreg s2  }
0xb0: {  	[dreg:$0x3] =	wrdreg s18  }
0xb1: {  	[dreg:$0x4] =	wrdreg s24  }
0xb2: {  	[dreg:$0x5] =	wrdreg $0x0  }
0xb3: {  	[dreg:$0x6] =	wrdreg $0x9  }
0xb4: {  	_ =	task.clear_ibuf [dreg:s8], $0x7FFFF;
	_ =	strace $0x90000046  }
0xb5: {  	s29 =	simm.s32 $0x9;
	_ =	strace $0x80000048  }
0xb6: {  	_ =	swait.ge [sflag:s29], $0x1  }
0xb7: {  	[sflag:s29] =	ssyncadd.s32 $0xFFFFFFFF  }
0xb8: {  	_ =	strace $0x90000048  }
0xb9: {  	_ =	sfence  }
0xba: {  	s30 =	sld [smem:$0x0];
	_ =	sdelay $0x2  }
0xbb: {  	s31 =	sshll.u32 s1, $0xD;
	s1 =	sshrl.u32 s1, $0x2  }
0xbc: {  	s3 =	sand.u32 $0x4000, s31;
	s1 =	sadd.s32 s1, s30  }
0xbd: {  	s0 =	sor.u32 s3, s0;
	s1 =	sshll.u32 s1, $0x11  }
0xbe: {  	s0 =	sor.u32 s1, s0  }
0xbf: {  	s0 =	sadd.s32 $0x8F2B, s0  }
0xc0: {  	[sflag:s0] =	ssyncadd.remote.s32 $0x1  }
0xc1: {  	_ =	sfence.sel $0xFFFF  }
0xc2: {  	[dreg:$0x0] =	wrdreg $0xFFFFFFFF;
	(pc) =	sbr.abs _section_cstart, $3  }
0xc3: {  	[dreg:$0x1] =	wrdreg $0xFFFFFFFF  }
0xc4: {  	_ =	task.clear_ibuf [dreg:s8], $0x2FFFF;
	_ =	strace $0x9FFFFFFF  }
0xc5: {  	(tm) =	ssettm $0x7FFFFFFF  }
tec
execute0_lowered:
.L_overlay_start_1:
0x0: {  	(tag) =	ssettag $0x1  }
0x1: {  	s5 =	rddreg [dreg:$0x0];
	s2 =	srdreg.scid  }
0x2: {  	s7 =	rddreg [dreg:$0x1];
	s2 =	sand.u32 $0x1, s2  }
0x3: {  	s11 =	rddreg [dreg:$0x2];
	s12 =	stileid.u32;
	s6 =	ssub.s32 $0x2, s2  }
0x4: {  	s9 =	sshll.u32 s12, $0xD;
	s10 =	sshll.u32 s2, $0xC;
	s8 =	sshrl.u32 s6, $0x1  }
0x5: {  	s1 =	simm.s32 $0x0;
	s2 =	ssub.s32 s6, s8;
	s6 =	sor.u32 s10, s9  }
0x6: {  	[smem:$0x7FF] =	sst s1;
	s7 =	sadd.s32 s7, s9;
	s17 =	sor.u32 $0x100, s6  }
0x7: {  	[dreg:$0x5] =	wrdreg s7;
	s18 =	sor.u32 $0x200, s6;
	s20 =	sadd.s32 s5, s17  }
0x8: {  	s19 =	sor.u32 $0x300, s6;
	s21 =	sadd.s32 s5, s18;
	[dreg:$0x6] =	wrdreg s20  }
0x9: {  	s3 =	sadd.s32 $0x1200, s11;
	s22 =	sadd.s32 s5, s19;
	[dreg:$0x7] =	wrdreg s21  }
0xa: {  	s0 =	sadd.s32 $0x21200, s11;
	s23 =	sadd.s32 s3, s17;
	[dreg:$0x8] =	wrdreg s22  }
0xb: {  	s4 =	sadd.s32 $0x41200, s11;
	s24 =	sadd.s32 s0, s17;
	[dreg:$0x9] =	wrdreg s23  }
0xc: {  	s25 =	sor.u32 $0x400, s6;
	s7 =	sadd.s32 s4, s17;
	[dreg:$0xa] =	wrdreg s24  }
0xd: {  	s26 =	sadd.s32 s5, s25;
	[dreg:$0xb] =	wrdreg s7  }
0xe: {  	s13 =	sadd.s32 s3, s18;
	[dreg:$0xc] =	wrdreg s26  }
0xf: {  	s14 =	sadd.s32 s0, s18;
	[dreg:$0xd] =	wrdreg s13  }
0x10: {  	s15 =	sadd.s32 s4, s18;
	[dreg:$0xe] =	wrdreg s14  }
0x11: {  	s16 =	sadd.s32 s3, s19;
	[dreg:$0xf] =	wrdreg s15  }
0x12: {  	s17 =	sadd.s32 s0, s19;
	[dreg:$0x10] =	wrdreg s16  }
0x13: {  	s18 =	sadd.s32 s4, s19;
	[dreg:$0x11] =	wrdreg s17  }
0x14: {  	s19 =	sadd.s32 s3, s25;
	[dreg:$0x12] =	wrdreg s18  }
0x15: {  	[dreg:$0x13] =	wrdreg s19;
	s20 =	sadd.s32 s0, s25  }
0x16: {  	s10 =	sor.u32 $0x700, s6;
	s21 =	sadd.s32 s4, s25;
	[dreg:$0x14] =	wrdreg s20  }
0x17: {  	s15 =	sadd.s32 s5, s10;
	[dreg:$0x15] =	wrdreg s21  }
0x18: {  	s16 =	sadd.s32 s3, s10;
	[dreg:$0x1e] =	wrdreg s15  }
0x19: {  	s22 =	sor.u32 $0x500, s6;
	s17 =	sadd.s32 s0, s10;
	[dreg:$0x1f] =	wrdreg s16  }
0x1a: {  	s23 =	sadd.s32 s5, s22;
	[smem:$0x7D3] =	sst s17  }
0x1b: {  	s25 =	sadd.s32 s3, s22;
	[dreg:$0x16] =	wrdreg s23  }
0x1c: {  	s26 =	sadd.s32 s0, s22;
	[dreg:$0x17] =	wrdreg s25  }
0x1d: {  	s24 =	sor.u32 $0x600, s6;
	s7 =	sadd.s32 s4, s22;
	[dreg:$0x18] =	wrdreg s26  }
0x1e: {  	s9 =	sadd.s32 s5, s24;
	[dreg:$0x19] =	wrdreg s7  }
0x1f: {  	s13 =	sadd.s32 s3, s24;
	[dreg:$0x1a] =	wrdreg s9  }
0x20: {  	s14 =	sadd.s32 s0, s24;
	[dreg:$0x1b] =	wrdreg s13  }
0x21: {  	s18 =	sor.u32 $0x800, s6;
	s8 =	sadd.s32 s4, s24;
	[dreg:$0x1c] =	wrdreg s14  }
0x22: {  	s19 =	sadd.s32 s5, s18;
	[dreg:$0x1d] =	wrdreg s8  }
0x23: {  	s21 =	sadd.s32 s3, s18;
	[smem:$0x7D5] =	sst s19  }
0x24: {  	s22 =	sadd.s32 s0, s18;
	[smem:$0x7D6] =	sst s21  }
0x25: {  	s20 =	sor.u32 $0x900, s6;
	s7 =	sadd.s32 s4, s10;
	[smem:$0x7D7] =	sst s22  }
0x26: {  	s23 =	sadd.s32 s5, s20;
	[smem:$0x7D4] =	sst s7  }
0x27: {  	s25 =	sadd.s32 s3, s20;
	[smem:$0x7D9] =	sst s23  }
0x28: {  	s26 =	sadd.s32 s0, s20;
	[smem:$0x7DA] =	sst s25  }
0x29: {  	s24 =	sor.u32 $0xA00, s6;
	s8 =	sadd.s32 s4, s20;
	[smem:$0x7DB] =	sst s26  }
0x2a: {  	s10 =	sadd.s32 s5, s24;
	[smem:$0x7DC] =	sst s8  }
0x2b: {  	s13 =	sadd.s32 s3, s24;
	[smem:$0x7DD] =	sst s10  }
0x2c: {  	s15 =	sor.u32 $0xB00, s6;
	s14 =	sadd.s32 s0, s24;
	[smem:$0x7DE] =	sst s13  }
0x2d: {  	s16 =	sadd.s32 s5, s15;
	[smem:$0x7DF] =	sst s14  }
0x2e: {  	s17 =	sor.u32 $0xC00, s6;
	s19 =	sadd.s32 s0, s15;
	[smem:$0x7E1] =	sst s16  }
0x2f: {  	s20 =	sadd.s32 s5, s17;
	[smem:$0x7E3] =	sst s19  }
0x30: {  	s21 =	sadd.s32 s3, s17;
	[smem:$0x7E5] =	sst s20  }
0x31: {  	s22 =	sadd.s32 s0, s17;
	[smem:$0x7E6] =	sst s21  }
0x32: {  	s28 =	simm.s32 $0x9;
	s7 =	sadd.s32 s4, s18;
	[smem:$0x7E7] =	sst s22  }
0x33: {  	s29 =	simm.s32 $0x19E80;
	s18 =	sadd.s32 s3, s15;
	[smem:$0x7D8] =	sst s7  }
0x34: {  	s30 =	simm.s32 $0x1;
	s23 =	sadd.s32 s4, s17;
	[smem:$0x7E2] =	sst s18  }
0x35: {  	s31 =	simm.s32 $0x1A680;
	s25 =	sadd.s32 s3, s6;
	[smem:$0x7E8] =	sst s23  }
0x36: {  	s2 =	smax.u32 s2, $0x1;
	s26 =	sadd.s32 s0, s6;
	[smem:$0x7EA] =	sst s25  }
0x37: {  	s9 =	sor.u32 $0xD00, s6;
	s8 =	sadd.s32 s4, s6;
	[smem:$0x7EB] =	sst s26  }
0x38: {  	s10 =	sor.u32 $0xE00, s6;
	s14 =	sadd.s32 s5, s9;
	[smem:$0x7EC] =	sst s8  }
0x39: {  	s13 =	sor.u32 $0xF00, s6;
	s16 =	sadd.s32 s3, s9;
	[smem:$0x7ED] =	sst s14  }
0x3a: {  	s17 =	sadd.s32 s0, s9;
	s7 =	sadd.s32 s4, s24;
	[smem:$0x7F0] =	sst s16  }
0x3b: {  	s24 =	sadd.s32 s5, s6;
	[smem:$0x7F1] =	sst s17;
	s18 =	sadd.s32 s4, s9  }
0x3c: {  	s19 =	sadd.s32 s3, s10;
	s20 =	sadd.s32 s0, s10;
	s6 =	rddreg [dreg:$0x3]  }
0x3d: {  	s21 =	sadd.s32 s4, s10;
	s3 =	sadd.s32 s3, s13;
	[smem:$0x7E0] =	sst s7  }
0x3e: {  	s0 =	sadd.s32 s0, s13;
	s22 =	sadd.s32 s4, s13;
	[smem:$0x7E9] =	sst s24  }
0x3f: {  	s23 =	sshll.u32 s12, $0x10;
	s25 =	sadd.s32 $0x600, s11;
	[smem:$0x7F2] =	sst s18  }
0x40: {  	s26 =	sadd.s32 $0xC00, s11;
	s14 =	simm.s32 $0x10000;
	[smem:$0x7F3] =	sst s19  }
0x41: {  	s16 =	simm.s32 $0x12780;
	s17 =	simm.s32 $0x14F00;
	[smem:$0x7F4] =	sst s20  }
0x42: {  	s8 =	simm.s32 $0x3;
	s9 =	simm.s32 $0x4;
	[smem:$0x7F5] =	sst s21  }
0x43: {  	s11 =	simm.s32 $0x0;
	s7 =	sadd.s32 s4, s15;
	[smem:$0x7F6] =	sst s3  }
0x44: {  	s15 =	sadd.s32 s5, s10;
	s5 =	sadd.s32 s5, s13;
	[smem:$0x7F7] =	sst s0  }
0x45: {  	[smem:$0x7F8] =	sst s22;
	s24 =	sshll.u32 s12, $0x6;
	s0 =	sadd.s32 s23, s6  }
0x46: {  	s18 =	simm.s32 $0x17680;
	s19 =	simm.s32 $0x17E80;
	[smem:$0x7E4] =	sst s7  }
0x47: {  	s20 =	simm.s32 $0x18680;
	s22 =	simm.s32 $0x7;
	[smem:$0x7EE] =	sst s15  }
0x48: {  	s23 =	simm.s32 $0x800;
	[smem:$0x7EF] =	sst s5;
	s3 =	sor.u32 $0x1C06, s24  }
0x49: {  	s4 =	simm.s32 $0x1BE80;
	_ =	strace $0x80000047;
	[smem:$0x7F9] =	sst s3  }
0x4a: {  	s10 =	simm.s32 $0x5;
	s0 =	sshrl.u32 s0, $0x3;
	[smem:$0x7FA] =	sst s2  }
0x4b: {  	s15 =	simm.s32 $0xA;
	s24 =	simm.s32 $0x18E80;
	[smem:$0x7FB] =	sst s0  }
0x4c: {  	s5 =	simm.s32 $0x1C680;
	s7 =	simm.s32 $0x1CE80;
	[smem:$0x7FC] =	sst s25  }
0x4d: {  	[smem:$0x7FD] =	sst s26;
	s25 =	simm.s32 $0x8;
	s26 =	simm.s32 $0x19680  }
0x4e: {  	s2 =	simm.s32 $0x1AE80;
	s0 =	simm.s32 $0x1B680;
	s3 =	simm.s32 $0x2  }
.LBB2_1:
0x4f: {  	s13 =	sld [smem:$0x7F9]  }
0x50: {  	s21 =	sld [smem:$0x7FB];
	_ =	sdelay $0x1  }
0x51: {  	s12 =	rddreg [dreg:$0x5]  }
0x52: {  	[spmem:s21], [sflag:s13] =	dma.local [hbm:s12], $0x2000  }
0x53: {  	s12 =	sld [smem:$0x7FC];
	_ =	sdelay $0x2  }
0x54: {  	[tilespmem:s14], [sflag:$0xA] =	stream.linear.gather [hbm4b:s12+s1], $0x2780, $0x38;
	[tilespmem:$0x1D680] =	vst v63  }
0x55: {  	_ =	swait.ge [sflag:s15], $0x2780  }
0x56: {  	s13 =	sld [smem:$0x7FD]  }
0x57: {  	[sflag:s15] =	ssyncset.done $0x0  }
0x58: {  	[sflag:s15] =	ssyncadd.s32 $0xFFFFD880  }
0x59: {  	[tilespmem:s16], [sflag:$0xA] =	stream.linear.gather [hbm4b:s13+s1], $0x2780, $0x38;
	[tilespmem:$0x1D680] =	vst v63  }
0x5a: {  	_ =	swait.ge [sflag:s15], $0x2780  }
0x5b: {  	[sflag:s15] =	ssyncset.done $0x0  }
0x5c: {  	[sflag:s15] =	ssyncadd.s32 $0xFFFFD880  }
0x5d: {  	s21 =	rddreg [dreg:$0x2]  }
0x5e: {  	[tilespmem:s17], [sflag:$0xA] =	stream.linear.gather [hbm4b:s21+s1], $0x2780, $0x38;
	[tilespmem:$0x1D680] =	vst v63  }
0x5f: {  	_ =	swait.ge [sflag:s15], $0x2780  }
0x60: {  	s13 =	sld [smem:$0x7E9]  }
0x61: {  	[sflag:s15] =	ssyncset.done $0x0  }
0x62: {  	[sflag:s15] =	ssyncadd.s32 $0xFFFFD880  }
0x63: {  	[tilespmem:s18], [sflag:$0x7] =	stream.linear.gather [hbm4b:s13+s1], $0x800, $0x38;
	[tilespmem:$0x1D680] =	vst v63  }
0x64: {  	s21 =	rddreg [dreg:$0x6]  }
0x65: {  	[tilespmem:s19], [sflag:$0x8] =	stream.linear.gather [hbm4b:s21+s1], $0x800, $0x38;
	[tilespmem:$0x1D680] =	vst v63  }
0x66: {  	s13 =	rddreg [dreg:$0x7];
	s21 =	simm.s32 $0x6  }
0x67: {  	[tilespmem:s20], [sflag:$0x9] =	stream.linear.gather [hbm4b:s13+s1], $0x800, $0x38;
	[tilespmem:$0x1D680] =	vst v63  }
0x68: {  	_ =	swait.ge [sflag:s21], $0x2000  }
0x69: {  	[sflag:s21] =	ssyncset.done $0x0  }
0x6a: {  	[sflag:s21] =	ssyncadd.s32 $0xFFFFE000  }
0x6b: {  	[bflag:$0x0] =	sbarrier.arrive $0xFFFF  }
0x6c: {  	_ =	swait.ge [sflag:s22], $0x800  }
0x6d: {  	[sflag:s22] =	ssyncset.done $0x0  }
0x6e: {  	[sflag:s22] =	ssyncadd.s32 $0xFFFFF800  }
0x6f: {  	[tilespmem:s24], [sflag:$0x1] =	stream.indirect.gather [spmem:s6], $0x1, s18, s23, $0xb8;
	[tilespmem:$0x1D680] =	vst v63  }
0x70: {  	_ =	swait.ge [sflag:s25], $0x800  }
0x71: {  	[sflag:s25] =	ssyncset.done $0x0  }
0x72: {  	[sflag:s25] =	ssyncadd.s32 $0xFFFFF800  }
0x73: {  	[tilespmem:s26], [sflag:$0x2] =	stream.indirect.gather [spmem:s6], $0x1, s19, s23, $0xb8;
	[tilespmem:$0x1D680] =	vst v63  }
0x74: {  	_ =	swait.ge [sflag:s28], $0x800  }
0x75: {  	[sflag:s28] =	ssyncset.done $0x0  }
0x76: {  	[sflag:s28] =	ssyncadd.s32 $0xFFFFF800  }
0x77: {  	[tilespmem:s29], [sflag:$0x3] =	stream.indirect.gather [spmem:s6], $0x1, s20, s23, $0xb8;
	[tilespmem:$0x1D680] =	vst v63  }
0x78: {  	_ =	swait.ge [sflag:s30], $0x800  }
0x79: {  	[sflag:s30] =	ssyncset.done $0x0  }
0x7a: {  	s12 =	simm.s32 $0x0;
	[sflag:s30] =	ssyncadd.s32 $0xFFFFF800  }
0x7b: {  	v0 =	vld [tilespmem:s12+$0x18E80];
	_ =	sdelay $0x7  }
0x7c: {  	v1 =	vld.idx.msk [tilespmem:v0+s14+$0x0], $0xffff;
	_ =	sdelay $0x4  }
0x7d: {  	[tilespmem:s12+$0x1A680] =	vst v1  }
0x7e: {  	v1 =	vld.idx.msk [tilespmem:v0+s16+$0x0], $0xffff;
	_ =	sdelay $0x3  }
0x7f: {  	s13 =	simm.s32 $0x80;
	s21 =	simm.s32 $0x10  }
.LBB2_2:
0x80: {  	p0 =	sne.s32 s13, $0x1FC0;
	v2 =	vld [tilespmem:s21+$0x18E80];
	[tilespmem:s12+$0x1AE80] =	vst v1  }
0x81: {  	v1 =	vld.idx.msk [tilespmem:v0+s17+$0x0], $0xffff;
	_ =	sdelay $0x3  }
0x82: {  	v0 =	vmov v2;
	_ =	sdelay $0x1  }
0x83: {  	[tilespmem:s12+$0x1B680] =	vst v1;
	s12 =	smov.u32 s21  }
0x84: {  	v1 =	vld.idx.msk [tilespmem:v2+s14+$0x0], $0xffff;
	_ =	sdelay $0x5  }
0x85: {  	[tilespmem:s12+$0x1A680] =	vst v1  }
0x86: {  	v1 =	vld.idx.msk [tilespmem:v2+s16+$0x0], $0xffff  }
.Ltmp0:
0x87: {  	(pc) =	sbr.rel @p0 .LBB2_2-.Ltmp0, $2  }
0x88: {  	_ =	sdelay $0x2  }
0x89: {  	s21 =	sshra.s32 s13, $0x2;
	s13 =	sadd.s32 $0x40, s13  }
0x8a: {  	_ =	sdelay $0x1  }
0x8b: {  	v2 =	vld [tilespmem:s21+$0x18E80]  }
0x8c: {  	[tilespmem:s12+$0x1AE80] =	vst v1  }
0x8d: {  	v0 =	vld.idx.msk [tilespmem:v0+s17+$0x0], $0xffff;
	_ =	sdelay $0x4  }
0x8e: {  	[tilespmem:s12+$0x1B680] =	vst v0  }
0x8f: {  	v0 =	vld.idx.msk [tilespmem:v2+s14+$0x0], $0xffff;
	_ =	sdelay $0x4  }
0x90: {  	[tilespmem:s21+$0x1A680] =	vst v0  }
0x91: {  	v0 =	vld.idx.msk [tilespmem:v2+s16+$0x0], $0xffff;
	_ =	sdelay $0x4  }
0x92: {  	[tilespmem:s21+$0x1AE80] =	vst v0  }
0x93: {  	v0 =	vld.idx.msk [tilespmem:v2+s17+$0x0], $0xffff;
	_ =	sdelay $0x2  }
0x94: {  	s13 =	sld [smem:$0x7EA];
	_ =	sdelay $0x1  }
0x95: {  	s12 =	simm.s32 $0x0;
	[tilespmem:s21+$0x1B680] =	vst v0;
	s21 =	sld [smem:$0x7EB]  }
0x96: {  	[hbm4b:s13+s12] =	stream.linear.scatter [tilespmem:s31], [sflag:$0x4], $0x800, $0x38;
	[tilespmem:$0x1D680] =	vst v63  }
0x97: {  	_ = 	snop  }
0x98: {  	[hbm4b:s21+s12] =	stream.linear.scatter [tilespmem:s2], [sflag:$0x4], $0x800, $0x38;
	[tilespmem:$0x1D680] =	vst v63  }
0x99: {  	s21 =	sld [smem:$0x7EC];
	_ =	sdelay $0x2  }
0x9a: {  	[hbm4b:s21+s12] =	stream.linear.scatter [tilespmem:s0], [sflag:$0x4], $0x800, $0x38;
	[tilespmem:$0x1D680] =	vst v63  }
0x9b: {  	s21 =	rddreg [dreg:$0x8]  }
0x9c: {  	[tilespmem:s18], [sflag:$0x7] =	stream.linear.gather [hbm4b:s21+s12], $0x800, $0x38;
	[tilespmem:$0x1D680] =	vst v63  }
0x9d: {  	_ =	swait.ge [sflag:s22], $0x800  }
0x9e: {  	[sflag:s22] =	ssyncset.done $0x0  }
0x9f: {  	[sflag:s22] =	ssyncadd.s32 $0xFFFFF800  }
0xa0: {  	[tilespmem:s24], [sflag:$0x1] =	stream.indirect.gather [spmem:s6], $0x1, s18, s23, $0xb8;
	[tilespmem:$0x1D680] =	vst v63  }
0xa1: {  	_ =	swait.ge [sflag:s3], $0x800  }
0xa2: {  	[sflag:s3] =	ssyncset.done $0x0  }
0xa3: {  	s12 =	simm.s32 $0x0;
	[sflag:s3] =	ssyncadd.s32 $0xFFFFF800  }
0xa4: {  	v0 =	vld [tilespmem:s12+$0x19680];
	_ =	sdelay $0x7  }
0xa5: {  	v1 =	vld.idx.msk [tilespmem:v0+s14+$0x0], $0xffff;
	_ =	sdelay $0x4  }
0xa6: {  	[tilespmem:s12+$0x1BE80] =	vst v1  }
0xa7: {  	v1 =	vld.idx.msk [tilespmem:v0+s16+$0x0], $0xffff;
	_ =	sdelay $0x3  }
0xa8: {  	s13 =	simm.s32 $0x80;
	s21 =	simm.s32 $0x10  }
.LBB2_4:
0xa9: {  	p0 =	sne.s32 s13, $0x1FC0;
	v2 =	vld [tilespmem:s21+$0x19680];
	[tilespmem:s12+$0x1C680] =	vst v1  }
0xaa: {  	v1 =	vld.idx.msk [tilespmem:v0+s17+$0x0], $0xffff;
	_ =	sdelay $0x3  }
0xab: {  	v0 =	vmov v2;
	_ =	sdelay $0x1  }
0xac: {  	[tilespmem:s12+$0x1CE80] =	vst v1;
	s12 =	smov.u32 s21  }
0xad: {  	v1 =	vld.idx.msk [tilespmem:v2+s14+$0x0], $0xffff;
	_ =	sdelay $0x5  }
0xae: {  	[tilespmem:s12+$0x1BE80] =	vst v1  }
0xaf: {  	v1 =	vld.idx.msk [tilespmem:v2+s16+$0x0], $0xffff  }
.Ltmp1:
0xb0: {  	(pc) =	sbr.rel @p0 .LBB2_4-.Ltmp1, $2  }
0xb1: {  	_ =	sdelay $0x2  }
0xb2: {  	s21 =	sshra.s32 s13, $0x2;
	s13 =	sadd.s32 $0x40, s13  }
0xb3: {  	_ =	sdelay $0x1  }
0xb4: {  	v2 =	vld [tilespmem:s21+$0x19680]  }
0xb5: {  	[tilespmem:s12+$0x1C680] =	vst v1  }
0xb6: {  	v0 =	vld.idx.msk [tilespmem:v0+s17+$0x0], $0xffff;
	_ =	sdelay $0x4  }
0xb7: {  	[tilespmem:s12+$0x1CE80] =	vst v0  }
0xb8: {  	v0 =	vld.idx.msk [tilespmem:v2+s14+$0x0], $0xffff;
	_ =	sdelay $0x4  }
0xb9: {  	[tilespmem:s21+$0x1BE80] =	vst v0  }
0xba: {  	v0 =	vld.idx.msk [tilespmem:v2+s16+$0x0], $0xffff;
	_ =	sdelay $0x4  }
0xbb: {  	[tilespmem:s21+$0x1C680] =	vst v0  }
0xbc: {  	v0 =	vld.idx.msk [tilespmem:v2+s17+$0x0], $0xffff;
	_ =	sdelay $0x4  }
0xbd: {  	s13 =	rddreg [dreg:$0x9];
	s12 =	simm.s32 $0x0;
	[tilespmem:s21+$0x1CE80] =	vst v0  }
0xbe: {  	[hbm4b:s13+s12] =	stream.linear.scatter [tilespmem:s4], [sflag:$0x5], $0x800, $0x38;
	[tilespmem:$0x1D680] =	vst v63  }
0xbf: {  	s21 =	rddreg [dreg:$0xa]  }
0xc0: {  	[hbm4b:s21+s12] =	stream.linear.scatter [tilespmem:s5], [sflag:$0x5], $0x800, $0x38;
	[tilespmem:$0x1D680] =	vst v63  }
0xc1: {  	s21 =	rddreg [dreg:$0xb]  }
0xc2: {  	[hbm4b:s21+s12] =	stream.linear.scatter [tilespmem:s7], [sflag:$0x5], $0x800, $0x38;
	[tilespmem:$0x1D680] =	vst v63  }
0xc3: {  	s21 =	rddreg [dreg:$0xc]  }
0xc4: {  	[tilespmem:s19], [sflag:$0x8] =	stream.linear.gather [hbm4b:s21+s12], $0x800, $0x38;
	[tilespmem:$0x1D680] =	vst v63  }
0xc5: {  	_ =	swait.ge [sflag:s25], $0x800  }
0xc6: {  	[sflag:s25] =	ssyncset.done $0x0  }
0xc7: {  	[sflag:s25] =	ssyncadd.s32 $0xFFFFF800  }
0xc8: {  	[tilespmem:s26], [sflag:$0x2] =	stream.indirect.gather [spmem:s6], $0x1, s19, s23, $0xb8;
	[tilespmem:$0x1D680] =	vst v63  }
0xc9: {  	_ =	swait.ge [sflag:s8], $0x800  }
0xca: {  	[sflag:s8] =	ssyncset.done $0x0  }
0xcb: {  	[sflag:s8] =	ssyncadd.s32 $0xFFFFF800  }
0xcc: {  	_ =	swait.ge [sflag:s9], $0x800  }
0xcd: {  	[sflag:s9] =	ssyncset.done $0x0  }
0xce: {  	[sflag:s9] =	ssyncadd.s32 $0xFFFFF800  }
0xcf: {  	_ =	swait.ge [sflag:s9], $0x800  }
0xd0: {  	[sflag:s9] =	ssyncset.done $0x0  }
0xd1: {  	[sflag:s9] =	ssyncadd.s32 $0xFFFFF800  }
0xd2: {  	_ =	swait.ge [sflag:s9], $0x800  }
0xd3: {  	[sflag:s9] =	ssyncset.done $0x0  }
0xd4: {  	s12 =	simm.s32 $0x0;
	[sflag:s9] =	ssyncadd.s32 $0xFFFFF800  }
0xd5: {  	v0 =	vld [tilespmem:s12+$0x19E80];
	_ =	sdelay $0x7  }
0xd6: {  	v1 =	vld.idx.msk [tilespmem:v0+s14+$0x0], $0xffff;
	_ =	sdelay $0x4  }
0xd7: {  	[tilespmem:s12+$0x1A680] =	vst v1  }
0xd8: {  	v1 =	vld.idx.msk [tilespmem:v0+s16+$0x0], $0xffff;
	_ =	sdelay $0x3  }
0xd9: {  	s13 =	simm.s32 $0x80;
	s21 =	simm.s32 $0x10  }
.LBB2_6:
0xda: {  	p0 =	sne.s32 s13, $0x1FC0;
	v2 =	vld [tilespmem:s21+$0x19E80];
	[tilespmem:s12+$0x1AE80] =	vst v1  }
0xdb: {  	v1 =	vld.idx.msk [tilespmem:v0+s17+$0x0], $0xffff;
	_ =	sdelay $0x3  }
0xdc: {  	v0 =	vmov v2;
	_ =	sdelay $0x1  }
0xdd: {  	[tilespmem:s12+$0x1B680] =	vst v1;
	s12 =	smov.u32 s21  }
0xde: {  	v1 =	vld.idx.msk [tilespmem:v2+s14+$0x0], $0xffff;
	_ =	sdelay $0x5  }
0xdf: {  	[tilespmem:s12+$0x1A680] =	vst v1  }
0xe0: {  	v1 =	vld.idx.msk [tilespmem:v2+s16+$0x0], $0xffff  }
.Ltmp2:
0xe1: {  	(pc) =	sbr.rel @p0 .LBB2_6-.Ltmp2, $2  }
0xe2: {  	_ =	sdelay $0x2  }
0xe3: {  	s21 =	sshra.s32 s13, $0x2;
	s13 =	sadd.s32 $0x40, s13  }
0xe4: {  	_ =	sdelay $0x1  }
0xe5: {  	v2 =	vld [tilespmem:s21+$0x19E80]  }
0xe6: {  	[tilespmem:s12+$0x1AE80] =	vst v1  }
0xe7: {  	v0 =	vld.idx.msk [tilespmem:v0+s17+$0x0], $0xffff;
	_ =	sdelay $0x4  }
0xe8: {  	[tilespmem:s12+$0x1B680] =	vst v0  }
0xe9: {  	v0 =	vld.idx.msk [tilespmem:v2+s14+$0x0], $0xffff;
	_ =	sdelay $0x4  }
0xea: {  	[tilespmem:s21+$0x1A680] =	vst v0  }
0xeb: {  	v0 =	vld.idx.msk [tilespmem:v2+s16+$0x0], $0xffff;
	_ =	sdelay $0x4  }
0xec: {  	[tilespmem:s21+$0x1AE80] =	vst v0  }
0xed: {  	v0 =	vld.idx.msk [tilespmem:v2+s17+$0x0], $0xffff;
	_ =	sdelay $0x4  }
0xee: {  	s13 =	rddreg [dreg:$0xd];
	s12 =	simm.s32 $0x0;
	[tilespmem:s21+$0x1B680] =	vst v0  }
0xef: {  	[hbm4b:s13+s12] =	stream.linear.scatter [tilespmem:s31], [sflag:$0x4], $0x800, $0x38;
	[tilespmem:$0x1D680] =	vst v63  }
0xf0: {  	s21 =	rddreg [dreg:$0xe]  }
0xf1: {  	[hbm4b:s21+s12] =	stream.linear.scatter [tilespmem:s2], [sflag:$0x4], $0x800, $0x38;
	[tilespmem:$0x1D680] =	vst v63  }
0xf2: {  	s21 =	rddreg [dreg:$0xf]  }
0xf3: {  	[hbm4b:s21+s12] =	stream.linear.scatter [tilespmem:s0], [sflag:$0x4], $0x800, $0x38;
	[tilespmem:$0x1D680] =	vst v63  }
0xf4: {  	s21 =	rddreg [dreg:$0x16]  }
0xf5: {  	[tilespmem:s20], [sflag:$0x9] =	stream.linear.gather [hbm4b:s21+s12], $0x800, $0x38;
	[tilespmem:$0x1D680] =	vst v63  }
0xf6: {  	_ =	swait.ge [sflag:s28], $0x800  }
0xf7: {  	[sflag:s28] =	ssyncset.done $0x0  }
0xf8: {  	[sflag:s28] =	ssyncadd.s32 $0xFFFFF800  }
0xf9: {  	[tilespmem:s29], [sflag:$0x3] =	stream.indirect.gather [spmem:s6], $0x1, s20, s23, $0xb8;
	[tilespmem:$0x1D680] =	vst v63  }
0xfa: {  	_ =	swait.ge [sflag:s30], $0x800  }
0xfb: {  	[sflag:s30] =	ssyncset.done $0x0  }
0xfc: {  	[sflag:s30] =	ssyncadd.s32 $0xFFFFF800  }
0xfd: {  	_ =	swait.ge [sflag:s10], $0x800  }
0xfe: {  	[sflag:s10] =	ssyncset.done $0x0  }
0xff: {  	[sflag:s10] =	ssyncadd.s32 $0xFFFFF800  }
0x100: {  	_ =	swait.ge [sflag:s10], $0x800  }
0x101: {  	[sflag:s10] =	ssyncset.done $0x0  }
0x102: {  	[sflag:s10] =	ssyncadd.s32 $0xFFFFF800  }
0x103: {  	_ =	swait.ge [sflag:s10], $0x800  }
0x104: {  	[sflag:s10] =	ssyncset.done $0x0  }
0x105: {  	s12 =	simm.s32 $0x0;
	[sflag:s10] =	ssyncadd.s32 $0xFFFFF800  }
0x106: {  	v0 =	vld [tilespmem:s12+$0x18E80];
	_ =	sdelay $0x7  }
0x107: {  	v1 =	vld.idx.msk [tilespmem:v0+s14+$0x0], $0xffff;
	_ =	sdelay $0x4  }
0x108: {  	[tilespmem:s12+$0x1BE80] =	vst v1  }
0x109: {  	v1 =	vld.idx.msk [tilespmem:v0+s16+$0x0], $0xffff;
	_ =	sdelay $0x3  }
0x10a: {  	s13 =	simm.s32 $0x80;
	s21 =	simm.s32 $0x10  }
.LBB2_8:
0x10b: {  	p0 =	sne.s32 s13, $0x1FC0;
	v2 =	vld [tilespmem:s21+$0x18E80];
	[tilespmem:s12+$0x1C680] =	vst v1  }
0x10c: {  	v1 =	vld.idx.msk [tilespmem:v0+s17+$0x0], $0xffff;
	_ =	sdelay $0x3  }
0x10d: {  	v0 =	vmov v2;
	_ =	sdelay $0x1  }
0x10e: {  	[tilespmem:s12+$0x1CE80] =	vst v1;
	s12 =	smov.u32 s21  }
0x10f: {  	v1 =	vld.idx.msk [tilespmem:v2+s14+$0x0], $0xffff;
	_ =	sdelay $0x5  }
0x110: {  	[tilespmem:s12+$0x1BE80] =	vst v1  }
0x111: {  	v1 =	vld.idx.msk [tilespmem:v2+s16+$0x0], $0xffff  }
.Ltmp3:
0x112: {  	(pc) =	sbr.rel @p0 .LBB2_8-.Ltmp3, $2  }
0x113: {  	_ =	sdelay $0x2  }
0x114: {  	s21 =	sshra.s32 s13, $0x2;
	s13 =	sadd.s32 $0x40, s13  }
0x115: {  	_ =	sdelay $0x1  }
0x116: {  	v2 =	vld [tilespmem:s21+$0x18E80]  }
0x117: {  	[tilespmem:s12+$0x1C680] =	vst v1  }
0x118: {  	v0 =	vld.idx.msk [tilespmem:v0+s17+$0x0], $0xffff;
	_ =	sdelay $0x4  }
0x119: {  	[tilespmem:s12+$0x1CE80] =	vst v0  }
0x11a: {  	v0 =	vld.idx.msk [tilespmem:v2+s14+$0x0], $0xffff;
	_ =	sdelay $0x4  }
0x11b: {  	[tilespmem:s21+$0x1BE80] =	vst v0  }
0x11c: {  	v0 =	vld.idx.msk [tilespmem:v2+s16+$0x0], $0xffff;
	_ =	sdelay $0x4  }
0x11d: {  	[tilespmem:s21+$0x1C680] =	vst v0  }
0x11e: {  	v0 =	vld.idx.msk [tilespmem:v2+s17+$0x0], $0xffff;
	_ =	sdelay $0x4  }
0x11f: {  	s13 =	rddreg [dreg:$0x10];
	s12 =	simm.s32 $0x0;
	[tilespmem:s21+$0x1CE80] =	vst v0  }
0x120: {  	[hbm4b:s13+s12] =	stream.linear.scatter [tilespmem:s4], [sflag:$0x5], $0x800, $0x38;
	[tilespmem:$0x1D680] =	vst v63  }
0x121: {  	s21 =	rddreg [dreg:$0x11]  }
0x122: {  	[hbm4b:s21+s12] =	stream.linear.scatter [tilespmem:s5], [sflag:$0x5], $0x800, $0x38;
	[tilespmem:$0x1D680] =	vst v63  }
0x123: {  	s21 =	rddreg [dreg:$0x12]  }
0x124: {  	[hbm4b:s21+s12] =	stream.linear.scatter [tilespmem:s7], [sflag:$0x5], $0x800, $0x38;
	[tilespmem:$0x1D680] =	vst v63  }
0x125: {  	s21 =	rddreg [dreg:$0x1a]  }
0x126: {  	[tilespmem:s18], [sflag:$0x7] =	stream.linear.gather [hbm4b:s21+s12], $0x800, $0x38;
	[tilespmem:$0x1D680] =	vst v63  }
0x127: {  	_ =	swait.ge [sflag:s22], $0x800  }
0x128: {  	[sflag:s22] =	ssyncset.done $0x0  }
0x129: {  	[sflag:s22] =	ssyncadd.s32 $0xFFFFF800  }
0x12a: {  	[tilespmem:s24], [sflag:$0x1] =	stream.indirect.gather [spmem:s6], $0x1, s18, s23, $0xb8;
	[tilespmem:$0x1D680] =	vst v63  }
0x12b: {  	_ =	swait.ge [sflag:s3], $0x800  }
0x12c: {  	[sflag:s3] =	ssyncset.done $0x0  }
0x12d: {  	[sflag:s3] =	ssyncadd.s32 $0xFFFFF800  }
0x12e: {  	_ =	swait.ge [sflag:s9], $0x800  }
0x12f: {  	[sflag:s9] =	ssyncset.done $0x0  }
0x130: {  	[sflag:s9] =	ssyncadd.s32 $0xFFFFF800  }
0x131: {  	_ =	swait.ge [sflag:s9], $0x800  }
0x132: {  	[sflag:s9] =	ssyncset.done $0x0  }
0x133: {  	[sflag:s9] =	ssyncadd.s32 $0xFFFFF800  }
0x134: {  	_ =	swait.ge [sflag:s9], $0x800  }
0x135: {  	[sflag:s9] =	ssyncset.done $0x0  }
0x136: {  	s12 =	simm.s32 $0x0;
	[sflag:s9] =	ssyncadd.s32 $0xFFFFF800  }
0x137: {  	v0 =	vld [tilespmem:s12+$0x19680];
	_ =	sdelay $0x7  }
0x138: {  	v1 =	vld.idx.msk [tilespmem:v0+s14+$0x0], $0xffff;
	_ =	sdelay $0x4  }
0x139: {  	[tilespmem:s12+$0x1A680] =	vst v1  }
0x13a: {  	v1 =	vld.idx.msk [tilespmem:v0+s16+$0x0], $0xffff;
	_ =	sdelay $0x3  }
0x13b: {  	s13 =	simm.s32 $0x80;
	s21 =	simm.s32 $0x10  }
.LBB2_10:
0x13c: {  	p0 =	sne.s32 s13, $0x1FC0;
	v2 =	vld [tilespmem:s21+$0x19680];
	[tilespmem:s12+$0x1AE80] =	vst v1  }
0x13d: {  	v1 =	vld.idx.msk [tilespmem:v0+s17+$0x0], $0xffff;
	_ =	sdelay $0x3  }
0x13e: {  	v0 =	vmov v2;
	_ =	sdelay $0x1  }
0x13f: {  	[tilespmem:s12+$0x1B680] =	vst v1;
	s12 =	smov.u32 s21  }
0x140: {  	v1 =	vld.idx.msk [tilespmem:v2+s14+$0x0], $0xffff;
	_ =	sdelay $0x5  }
0x141: {  	[tilespmem:s12+$0x1A680] =	vst v1  }
0x142: {  	v1 =	vld.idx.msk [tilespmem:v2+s16+$0x0], $0xffff  }
.Ltmp4:
0x143: {  	(pc) =	sbr.rel @p0 .LBB2_10-.Ltmp4, $2  }
0x144: {  	_ =	sdelay $0x2  }
0x145: {  	s21 =	sshra.s32 s13, $0x2;
	s13 =	sadd.s32 $0x40, s13  }
0x146: {  	_ =	sdelay $0x1  }
0x147: {  	v2 =	vld [tilespmem:s21+$0x19680]  }
0x148: {  	[tilespmem:s12+$0x1AE80] =	vst v1  }
0x149: {  	v0 =	vld.idx.msk [tilespmem:v0+s17+$0x0], $0xffff;
	_ =	sdelay $0x4  }
0x14a: {  	[tilespmem:s12+$0x1B680] =	vst v0  }
0x14b: {  	v0 =	vld.idx.msk [tilespmem:v2+s14+$0x0], $0xffff;
	_ =	sdelay $0x4  }
0x14c: {  	[tilespmem:s21+$0x1A680] =	vst v0  }
0x14d: {  	v0 =	vld.idx.msk [tilespmem:v2+s16+$0x0], $0xffff;
	_ =	sdelay $0x4  }
0x14e: {  	[tilespmem:s21+$0x1AE80] =	vst v0  }
0x14f: {  	v0 =	vld.idx.msk [tilespmem:v2+s17+$0x0], $0xffff;
	_ =	sdelay $0x4  }
0x150: {  	s13 =	rddreg [dreg:$0x13];
	s12 =	simm.s32 $0x0;
	[tilespmem:s21+$0x1B680] =	vst v0  }
0x151: {  	[hbm4b:s13+s12] =	stream.linear.scatter [tilespmem:s31], [sflag:$0x4], $0x800, $0x38;
	[tilespmem:$0x1D680] =	vst v63  }
0x152: {  	s21 =	rddreg [dreg:$0x14]  }
0x153: {  	[hbm4b:s21+s12] =	stream.linear.scatter [tilespmem:s2], [sflag:$0x4], $0x800, $0x38;
	[tilespmem:$0x1D680] =	vst v63  }
0x154: {  	s21 =	rddreg [dreg:$0x15]  }
0x155: {  	[hbm4b:s21+s12] =	stream.linear.scatter [tilespmem:s0], [sflag:$0x4], $0x800, $0x38;
	[tilespmem:$0x1D680] =	vst v63  }
0x156: {  	s21 =	rddreg [dreg:$0x1e]  }
0x157: {  	[tilespmem:s19], [sflag:$0x8] =	stream.linear.gather [hbm4b:s21+s12], $0x800, $0x38;
	[tilespmem:$0x1D680] =	vst v63  }
0x158: {  	_ =	swait.ge [sflag:s25], $0x800  }
0x159: {  	[sflag:s25] =	ssyncset.done $0x0  }
0x15a: {  	[sflag:s25] =	ssyncadd.s32 $0xFFFFF800  }
0x15b: {  	[tilespmem:s26], [sflag:$0x2] =	stream.indirect.gather [spmem:s6], $0x1, s19, s23, $0xb8;
	[tilespmem:$0x1D680] =	vst v63  }
0x15c: {  	_ =	swait.ge [sflag:s8], $0x800  }
0x15d: {  	[sflag:s8] =	ssyncset.done $0x0  }
0x15e: {  	[sflag:s8] =	ssyncadd.s32 $0xFFFFF800  }
0x15f: {  	_ =	swait.ge [sflag:s10], $0x800  }
0x160: {  	[sflag:s10] =	ssyncset.done $0x0  }
0x161: {  	[sflag:s10] =	ssyncadd.s32 $0xFFFFF800  }
0x162: {  	_ =	swait.ge [sflag:s10], $0x800  }
0x163: {  	[sflag:s10] =	ssyncset.done $0x0  }
0x164: {  	[sflag:s10] =	ssyncadd.s32 $0xFFFFF800  }
0x165: {  	_ =	swait.ge [sflag:s10], $0x800  }
0x166: {  	[sflag:s10] =	ssyncset.done $0x0  }
0x167: {  	s12 =	simm.s32 $0x0;
	[sflag:s10] =	ssyncadd.s32 $0xFFFFF800  }
0x168: {  	v0 =	vld [tilespmem:s12+$0x19E80];
	_ =	sdelay $0x7  }
0x169: {  	v1 =	vld.idx.msk [tilespmem:v0+s14+$0x0], $0xffff;
	_ =	sdelay $0x4  }
0x16a: {  	[tilespmem:s12+$0x1BE80] =	vst v1  }
0x16b: {  	v1 =	vld.idx.msk [tilespmem:v0+s16+$0x0], $0xffff;
	_ =	sdelay $0x3  }
0x16c: {  	s13 =	simm.s32 $0x80;
	s21 =	simm.s32 $0x10  }
.LBB2_12:
0x16d: {  	p0 =	sne.s32 s13, $0x1FC0;
	v2 =	vld [tilespmem:s21+$0x19E80];
	[tilespmem:s12+$0x1C680] =	vst v1  }
0x16e: {  	v1 =	vld.idx.msk [tilespmem:v0+s17+$0x0], $0xffff;
	_ =	sdelay $0x3  }
0x16f: {  	v0 =	vmov v2;
	_ =	sdelay $0x1  }
0x170: {  	[tilespmem:s12+$0x1CE80] =	vst v1;
	s12 =	smov.u32 s21  }
0x171: {  	v1 =	vld.idx.msk [tilespmem:v2+s14+$0x0], $0xffff;
	_ =	sdelay $0x5  }
0x172: {  	[tilespmem:s12+$0x1BE80] =	vst v1  }
0x173: {  	v1 =	vld.idx.msk [tilespmem:v2+s16+$0x0], $0xffff  }
.Ltmp5:
0x174: {  	(pc) =	sbr.rel @p0 .LBB2_12-.Ltmp5, $2  }
0x175: {  	_ =	sdelay $0x2  }
0x176: {  	s21 =	sshra.s32 s13, $0x2;
	s13 =	sadd.s32 $0x40, s13  }
0x177: {  	_ =	sdelay $0x1  }
0x178: {  	v2 =	vld [tilespmem:s21+$0x19E80]  }
0x179: {  	[tilespmem:s12+$0x1C680] =	vst v1  }
0x17a: {  	v0 =	vld.idx.msk [tilespmem:v0+s17+$0x0], $0xffff;
	_ =	sdelay $0x4  }
0x17b: {  	[tilespmem:s12+$0x1CE80] =	vst v0  }
0x17c: {  	v0 =	vld.idx.msk [tilespmem:v2+s14+$0x0], $0xffff;
	_ =	sdelay $0x4  }
0x17d: {  	[tilespmem:s21+$0x1BE80] =	vst v0  }
0x17e: {  	v0 =	vld.idx.msk [tilespmem:v2+s16+$0x0], $0xffff;
	_ =	sdelay $0x4  }
0x17f: {  	[tilespmem:s21+$0x1C680] =	vst v0  }
0x180: {  	v0 =	vld.idx.msk [tilespmem:v2+s17+$0x0], $0xffff;
	_ =	sdelay $0x4  }
0x181: {  	s13 =	rddreg [dreg:$0x17];
	s12 =	simm.s32 $0x0;
	[tilespmem:s21+$0x1CE80] =	vst v0  }
0x182: {  	[hbm4b:s13+s12] =	stream.linear.scatter [tilespmem:s4], [sflag:$0x5], $0x800, $0x38;
	[tilespmem:$0x1D680] =	vst v63  }
0x183: {  	s21 =	rddreg [dreg:$0x18]  }
0x184: {  	[hbm4b:s21+s12] =	stream.linear.scatter [tilespmem:s5], [sflag:$0x5], $0x800, $0x38;
	[tilespmem:$0x1D680] =	vst v63  }
0x185: {  	s21 =	rddreg [dreg:$0x19]  }
0x186: {  	[hbm4b:s21+s12] =	stream.linear.scatter [tilespmem:s7], [sflag:$0x5], $0x800, $0x38;
	[tilespmem:$0x1D680] =	vst v63  }
0x187: {  	s21 =	sld [smem:$0x7D5];
	_ =	sdelay $0x2  }
0x188: {  	[tilespmem:s20], [sflag:$0x9] =	stream.linear.gather [hbm4b:s21+s12], $0x800, $0x38;
	[tilespmem:$0x1D680] =	vst v63  }
0x189: {  	_ =	swait.ge [sflag:s28], $0x800  }
0x18a: {  	[sflag:s28] =	ssyncset.done $0x0  }
0x18b: {  	[sflag:s28] =	ssyncadd.s32 $0xFFFFF800  }
0x18c: {  	[tilespmem:s29], [sflag:$0x3] =	stream.indirect.gather [spmem:s6], $0x1, s20, s23, $0xb8;
	[tilespmem:$0x1D680] =	vst v63  }
0x18d: {  	_ =	swait.ge [sflag:s30], $0x800  }
0x18e: {  	[sflag:s30] =	ssyncset.done $0x0  }
0x18f: {  	[sflag:s30] =	ssyncadd.s32 $0xFFFFF800  }
0x190: {  	_ =	swait.ge [sflag:s9], $0x800  }
0x191: {  	[sflag:s9] =	ssyncset.done $0x0  }
0x192: {  	[sflag:s9] =	ssyncadd.s32 $0xFFFFF800  }
0x193: {  	_ =	swait.ge [sflag:s9], $0x800  }
0x194: {  	[sflag:s9] =	ssyncset.done $0x0  }
0x195: {  	[sflag:s9] =	ssyncadd.s32 $0xFFFFF800  }
0x196: {  	_ =	swait.ge [sflag:s9], $0x800  }
0x197: {  	[sflag:s9] =	ssyncset.done $0x0  }
0x198: {  	s12 =	simm.s32 $0x0;
	[sflag:s9] =	ssyncadd.s32 $0xFFFFF800  }
0x199: {  	v0 =	vld [tilespmem:s12+$0x18E80];
	_ =	sdelay $0x7  }
0x19a: {  	v1 =	vld.idx.msk [tilespmem:v0+s14+$0x0], $0xffff;
	_ =	sdelay $0x4  }
0x19b: {  	[tilespmem:s12+$0x1A680] =	vst v1  }
0x19c: {  	v1 =	vld.idx.msk [tilespmem:v0+s16+$0x0], $0xffff;
	_ =	sdelay $0x3  }
0x19d: {  	s13 =	simm.s32 $0x80;
	s21 =	simm.s32 $0x10  }
.LBB2_14:
0x19e: {  	p0 =	sne.s32 s13, $0x1FC0;
	v2 =	vld [tilespmem:s21+$0x18E80];
	[tilespmem:s12+$0x1AE80] =	vst v1  }
0x19f: {  	v1 =	vld.idx.msk [tilespmem:v0+s17+$0x0], $0xffff;
	_ =	sdelay $0x3  }
0x1a0: {  	v0 =	vmov v2;
	_ =	sdelay $0x1  }
0x1a1: {  	[tilespmem:s12+$0x1B680] =	vst v1;
	s12 =	smov.u32 s21  }
0x1a2: {  	v1 =	vld.idx.msk [tilespmem:v2+s14+$0x0], $0xffff;
	_ =	sdelay $0x5  }
0x1a3: {  	[tilespmem:s12+$0x1A680] =	vst v1  }
0x1a4: {  	v1 =	vld.idx.msk [tilespmem:v2+s16+$0x0], $0xffff  }
.Ltmp6:
0x1a5: {  	(pc) =	sbr.rel @p0 .LBB2_14-.Ltmp6, $2  }
0x1a6: {  	_ =	sdelay $0x2  }
0x1a7: {  	s21 =	sshra.s32 s13, $0x2;
	s13 =	sadd.s32 $0x40, s13  }
0x1a8: {  	_ =	sdelay $0x1  }
0x1a9: {  	v2 =	vld [tilespmem:s21+$0x18E80]  }
0x1aa: {  	[tilespmem:s12+$0x1AE80] =	vst v1  }
0x1ab: {  	v0 =	vld.idx.msk [tilespmem:v0+s17+$0x0], $0xffff;
	_ =	sdelay $0x4  }
0x1ac: {  	[tilespmem:s12+$0x1B680] =	vst v0  }
0x1ad: {  	v0 =	vld.idx.msk [tilespmem:v2+s14+$0x0], $0xffff;
	_ =	sdelay $0x4  }
0x1ae: {  	[tilespmem:s21+$0x1A680] =	vst v0  }
0x1af: {  	v0 =	vld.idx.msk [tilespmem:v2+s16+$0x0], $0xffff;
	_ =	sdelay $0x4  }
0x1b0: {  	[tilespmem:s21+$0x1AE80] =	vst v0  }
0x1b1: {  	v0 =	vld.idx.msk [tilespmem:v2+s17+$0x0], $0xffff;
	_ =	sdelay $0x4  }
0x1b2: {  	s13 =	rddreg [dreg:$0x1b];
	s12 =	simm.s32 $0x0;
	[tilespmem:s21+$0x1B680] =	vst v0  }
0x1b3: {  	[hbm4b:s13+s12] =	stream.linear.scatter [tilespmem:s31], [sflag:$0x4], $0x800, $0x38;
	[tilespmem:$0x1D680] =	vst v63  }
0x1b4: {  	s21 =	rddreg [dreg:$0x1c]  }
0x1b5: {  	[hbm4b:s21+s12] =	stream.linear.scatter [tilespmem:s2], [sflag:$0x4], $0x800, $0x38;
	[tilespmem:$0x1D680] =	vst v63  }
0x1b6: {  	s21 =	rddreg [dreg:$0x1d]  }
0x1b7: {  	[hbm4b:s21+s12] =	stream.linear.scatter [tilespmem:s0], [sflag:$0x4], $0x800, $0x38;
	[tilespmem:$0x1D680] =	vst v63  }
0x1b8: {  	s21 =	sld [smem:$0x7D9];
	_ =	sdelay $0x2  }
0x1b9: {  	[tilespmem:s18], [sflag:$0x7] =	stream.linear.gather [hbm4b:s21+s12], $0x800, $0x38;
	[tilespmem:$0x1D680] =	vst v63  }
0x1ba: {  	_ =	swait.ge [sflag:s22], $0x800  }
0x1bb: {  	[sflag:s22] =	ssyncset.done $0x0  }
0x1bc: {  	[sflag:s22] =	ssyncadd.s32 $0xFFFFF800  }
0x1bd: {  	[tilespmem:s24], [sflag:$0x1] =	stream.indirect.gather [spmem:s6], $0x1, s18, s23, $0xb8;
	[tilespmem:$0x1D680] =	vst v63  }
0x1be: {  	_ =	swait.ge [sflag:s3], $0x800  }
0x1bf: {  	[sflag:s3] =	ssyncset.done $0x0  }
0x1c0: {  	[sflag:s3] =	ssyncadd.s32 $0xFFFFF800  }
0x1c1: {  	_ =	swait.ge [sflag:s10], $0x800  }
0x1c2: {  	[sflag:s10] =	ssyncset.done $0x0  }
0x1c3: {  	[sflag:s10] =	ssyncadd.s32 $0xFFFFF800  }
0x1c4: {  	_ =	swait.ge [sflag:s10], $0x800  }
0x1c5: {  	[sflag:s10] =	ssyncset.done $0x0  }
0x1c6: {  	[sflag:s10] =	ssyncadd.s32 $0xFFFFF800  }
0x1c7: {  	_ =	swait.ge [sflag:s10], $0x800  }
0x1c8: {  	[sflag:s10] =	ssyncset.done $0x0  }
0x1c9: {  	s12 =	simm.s32 $0x0;
	[sflag:s10] =	ssyncadd.s32 $0xFFFFF800  }
0x1ca: {  	v0 =	vld [tilespmem:s12+$0x19680];
	_ =	sdelay $0x7  }
0x1cb: {  	v1 =	vld.idx.msk [tilespmem:v0+s14+$0x0], $0xffff;
	_ =	sdelay $0x4  }
0x1cc: {  	[tilespmem:s12+$0x1BE80] =	vst v1  }
0x1cd: {  	v1 =	vld.idx.msk [tilespmem:v0+s16+$0x0], $0xffff;
	_ =	sdelay $0x3  }
0x1ce: {  	s13 =	simm.s32 $0x80;
	s21 =	simm.s32 $0x10  }
.LBB2_16:
0x1cf: {  	p0 =	sne.s32 s13, $0x1FC0;
	v2 =	vld [tilespmem:s21+$0x19680];
	[tilespmem:s12+$0x1C680] =	vst v1  }
0x1d0: {  	v1 =	vld.idx.msk [tilespmem:v0+s17+$0x0], $0xffff;
	_ =	sdelay $0x3  }
0x1d1: {  	v0 =	vmov v2;
	_ =	sdelay $0x1  }
0x1d2: {  	[tilespmem:s12+$0x1CE80] =	vst v1;
	s12 =	smov.u32 s21  }
0x1d3: {  	v1 =	vld.idx.msk [tilespmem:v2+s14+$0x0], $0xffff;
	_ =	sdelay $0x5  }
0x1d4: {  	[tilespmem:s12+$0x1BE80] =	vst v1  }
0x1d5: {  	v1 =	vld.idx.msk [tilespmem:v2+s16+$0x0], $0xffff  }
.Ltmp7:
0x1d6: {  	(pc) =	sbr.rel @p0 .LBB2_16-.Ltmp7, $2  }
0x1d7: {  	_ =	sdelay $0x2  }
0x1d8: {  	s21 =	sshra.s32 s13, $0x2;
	s13 =	sadd.s32 $0x40, s13  }
0x1d9: {  	_ =	sdelay $0x1  }
0x1da: {  	v2 =	vld [tilespmem:s21+$0x19680]  }
0x1db: {  	[tilespmem:s12+$0x1C680] =	vst v1  }
0x1dc: {  	v0 =	vld.idx.msk [tilespmem:v0+s17+$0x0], $0xffff;
	_ =	sdelay $0x4  }
0x1dd: {  	[tilespmem:s12+$0x1CE80] =	vst v0  }
0x1de: {  	v0 =	vld.idx.msk [tilespmem:v2+s14+$0x0], $0xffff;
	_ =	sdelay $0x4  }
0x1df: {  	[tilespmem:s21+$0x1BE80] =	vst v0  }
0x1e0: {  	v0 =	vld.idx.msk [tilespmem:v2+s16+$0x0], $0xffff;
	_ =	sdelay $0x4  }
0x1e1: {  	[tilespmem:s21+$0x1C680] =	vst v0  }
0x1e2: {  	v0 =	vld.idx.msk [tilespmem:v2+s17+$0x0], $0xffff;
	_ =	sdelay $0x3  }
0x1e3: {  	s13 =	rddreg [dreg:$0x1f]  }
0x1e4: {  	s12 =	simm.s32 $0x0;
	[tilespmem:s21+$0x1CE80] =	vst v0;
	s21 =	sld [smem:$0x7D3]  }
0x1e5: {  	[hbm4b:s13+s12] =	stream.linear.scatter [tilespmem:s4], [sflag:$0x5], $0x800, $0x38;
	[tilespmem:$0x1D680] =	vst v63  }
0x1e6: {  	_ = 	snop  }
0x1e7: {  	[hbm4b:s21+s12] =	stream.linear.scatter [tilespmem:s5], [sflag:$0x5], $0x800, $0x38;
	[tilespmem:$0x1D680] =	vst v63  }
0x1e8: {  	s21 =	sld [smem:$0x7D4];
	_ =	sdelay $0x2  }
0x1e9: {  	[hbm4b:s21+s12] =	stream.linear.scatter [tilespmem:s7], [sflag:$0x5], $0x800, $0x38;
	[tilespmem:$0x1D680] =	vst v63  }
0x1ea: {  	s21 =	sld [smem:$0x7DD];
	_ =	sdelay $0x2  }
0x1eb: {  	[tilespmem:s19], [sflag:$0x8] =	stream.linear.gather [hbm4b:s21+s12], $0x800, $0x38;
	[tilespmem:$0x1D680] =	vst v63  }
0x1ec: {  	_ =	swait.ge [sflag:s25], $0x800  }
0x1ed: {  	[sflag:s25] =	ssyncset.done $0x0  }
0x1ee: {  	[sflag:s25] =	ssyncadd.s32 $0xFFFFF800  }
0x1ef: {  	[tilespmem:s26], [sflag:$0x2] =	stream.indirect.gather [spmem:s6], $0x1, s19, s23, $0xb8;
	[tilespmem:$0x1D680] =	vst v63  }
0x1f0: {  	_ =	swait.ge [sflag:s8], $0x800  }
0x1f1: {  	[sflag:s8] =	ssyncset.done $0x0  }
0x1f2: {  	[sflag:s8] =	ssyncadd.s32 $0xFFFFF800  }
0x1f3: {  	_ =	swait.ge [sflag:s9], $0x800  }
0x1f4: {  	[sflag:s9] =	ssyncset.done $0x0  }
0x1f5: {  	[sflag:s9] =	ssyncadd.s32 $0xFFFFF800  }
0x1f6: {  	_ =	swait.ge [sflag:s9], $0x800  }
0x1f7: {  	[sflag:s9] =	ssyncset.done $0x0  }
0x1f8: {  	[sflag:s9] =	ssyncadd.s32 $0xFFFFF800  }
0x1f9: {  	_ =	swait.ge [sflag:s9], $0x800  }
0x1fa: {  	[sflag:s9] =	ssyncset.done $0x0  }
0x1fb: {  	s12 =	simm.s32 $0x0;
	[sflag:s9] =	ssyncadd.s32 $0xFFFFF800  }
0x1fc: {  	v0 =	vld [tilespmem:s12+$0x19E80];
	_ =	sdelay $0x7  }
0x1fd: {  	v1 =	vld.idx.msk [tilespmem:v0+s14+$0x0], $0xffff;
	_ =	sdelay $0x4  }
0x1fe: {  	[tilespmem:s12+$0x1A680] =	vst v1  }
0x1ff: {  	v1 =	vld.idx.msk [tilespmem:v0+s16+$0x0], $0xffff;
	_ =	sdelay $0x3  }
0x200: {  	s13 =	simm.s32 $0x80;
	s21 =	simm.s32 $0x10  }
.LBB2_18:
0x201: {  	p0 =	sne.s32 s13, $0x1FC0;
	v2 =	vld [tilespmem:s21+$0x19E80];
	[tilespmem:s12+$0x1AE80] =	vst v1  }
0x202: {  	v1 =	vld.idx.msk [tilespmem:v0+s17+$0x0], $0xffff;
	_ =	sdelay $0x3  }
0x203: {  	v0 =	vmov v2;
	_ =	sdelay $0x1  }
0x204: {  	[tilespmem:s12+$0x1B680] =	vst v1;
	s12 =	smov.u32 s21  }
0x205: {  	v1 =	vld.idx.msk [tilespmem:v2+s14+$0x0], $0xffff;
	_ =	sdelay $0x5  }
0x206: {  	[tilespmem:s12+$0x1A680] =	vst v1  }
0x207: {  	v1 =	vld.idx.msk [tilespmem:v2+s16+$0x0], $0xffff  }
.Ltmp8:
0x208: {  	(pc) =	sbr.rel @p0 .LBB2_18-.Ltmp8, $2  }
0x209: {  	_ =	sdelay $0x2  }
0x20a: {  	s21 =	sshra.s32 s13, $0x2;
	s13 =	sadd.s32 $0x40, s13  }
0x20b: {  	_ =	sdelay $0x1  }
0x20c: {  	v2 =	vld [tilespmem:s21+$0x19E80]  }
0x20d: {  	[tilespmem:s12+$0x1AE80] =	vst v1  }
0x20e: {  	v0 =	vld.idx.msk [tilespmem:v0+s17+$0x0], $0xffff;
	_ =	sdelay $0x4  }
0x20f: {  	[tilespmem:s12+$0x1B680] =	vst v0  }
0x210: {  	v0 =	vld.idx.msk [tilespmem:v2+s14+$0x0], $0xffff;
	_ =	sdelay $0x4  }
0x211: {  	[tilespmem:s21+$0x1A680] =	vst v0  }
0x212: {  	v0 =	vld.idx.msk [tilespmem:v2+s16+$0x0], $0xffff;
	_ =	sdelay $0x4  }
0x213: {  	[tilespmem:s21+$0x1AE80] =	vst v0  }
0x214: {  	v0 =	vld.idx.msk [tilespmem:v2+s17+$0x0], $0xffff;
	_ =	sdelay $0x2  }
0x215: {  	s13 =	sld [smem:$0x7D6];
	_ =	sdelay $0x1  }
0x216: {  	s12 =	simm.s32 $0x0;
	[tilespmem:s21+$0x1B680] =	vst v0;
	s21 =	sld [smem:$0x7D7]  }
0x217: {  	[hbm4b:s13+s12] =	stream.linear.scatter [tilespmem:s31], [sflag:$0x4], $0x800, $0x38;
	[tilespmem:$0x1D680] =	vst v63  }
0x218: {  	_ = 	snop  }
0x219: {  	[hbm4b:s21+s12] =	stream.linear.scatter [tilespmem:s2], [sflag:$0x4], $0x800, $0x38;
	[tilespmem:$0x1D680] =	vst v63  }
0x21a: {  	s21 =	sld [smem:$0x7D8];
	_ =	sdelay $0x2  }
0x21b: {  	[hbm4b:s21+s12] =	stream.linear.scatter [tilespmem:s0], [sflag:$0x4], $0x800, $0x38;
	[tilespmem:$0x1D680] =	vst v63  }
0x21c: {  	s21 =	sld [smem:$0x7E1];
	_ =	sdelay $0x2  }
0x21d: {  	[tilespmem:s20], [sflag:$0x9] =	stream.linear.gather [hbm4b:s21+s12], $0x800, $0x38;
	[tilespmem:$0x1D680] =	vst v63  }
0x21e: {  	_ =	swait.ge [sflag:s28], $0x800  }
0x21f: {  	[sflag:s28] =	ssyncset.done $0x0  }
0x220: {  	[sflag:s28] =	ssyncadd.s32 $0xFFFFF800  }
0x221: {  	[tilespmem:s29], [sflag:$0x3] =	stream.indirect.gather [spmem:s6], $0x1, s20, s23, $0xb8;
	[tilespmem:$0x1D680] =	vst v63  }
0x222: {  	_ =	swait.ge [sflag:s30], $0x800  }
0x223: {  	[sflag:s30] =	ssyncset.done $0x0  }
0x224: {  	[sflag:s30] =	ssyncadd.s32 $0xFFFFF800  }
0x225: {  	_ =	swait.ge [sflag:s10], $0x800  }
0x226: {  	[sflag:s10] =	ssyncset.done $0x0  }
0x227: {  	[sflag:s10] =	ssyncadd.s32 $0xFFFFF800  }
0x228: {  	_ =	swait.ge [sflag:s10], $0x800  }
0x229: {  	[sflag:s10] =	ssyncset.done $0x0  }
0x22a: {  	[sflag:s10] =	ssyncadd.s32 $0xFFFFF800  }
0x22b: {  	_ =	swait.ge [sflag:s10], $0x800  }
0x22c: {  	[sflag:s10] =	ssyncset.done $0x0  }
0x22d: {  	s12 =	simm.s32 $0x0;
	[sflag:s10] =	ssyncadd.s32 $0xFFFFF800  }
0x22e: {  	v0 =	vld [tilespmem:s12+$0x18E80];
	_ =	sdelay $0x7  }
0x22f: {  	v1 =	vld.idx.msk [tilespmem:v0+s14+$0x0], $0xffff;
	_ =	sdelay $0x4  }
0x230: {  	[tilespmem:s12+$0x1BE80] =	vst v1  }
0x231: {  	v1 =	vld.idx.msk [tilespmem:v0+s16+$0x0], $0xffff;
	_ =	sdelay $0x3  }
0x232: {  	s13 =	simm.s32 $0x80;
	s21 =	simm.s32 $0x10  }
.LBB2_20:
0x233: {  	p0 =	sne.s32 s13, $0x1FC0;
	v2 =	vld [tilespmem:s21+$0x18E80];
	[tilespmem:s12+$0x1C680] =	vst v1  }
0x234: {  	v1 =	vld.idx.msk [tilespmem:v0+s17+$0x0], $0xffff;
	_ =	sdelay $0x3  }
0x235: {  	v0 =	vmov v2;
	_ =	sdelay $0x1  }
0x236: {  	[tilespmem:s12+$0x1CE80] =	vst v1;
	s12 =	smov.u32 s21  }
0x237: {  	v1 =	vld.idx.msk [tilespmem:v2+s14+$0x0], $0xffff;
	_ =	sdelay $0x5  }
0x238: {  	[tilespmem:s12+$0x1BE80] =	vst v1  }
0x239: {  	v1 =	vld.idx.msk [tilespmem:v2+s16+$0x0], $0xffff  }
.Ltmp9:
0x23a: {  	(pc) =	sbr.rel @p0 .LBB2_20-.Ltmp9, $2  }
0x23b: {  	_ =	sdelay $0x2  }
0x23c: {  	s21 =	sshra.s32 s13, $0x2;
	s13 =	sadd.s32 $0x40, s13  }
0x23d: {  	_ =	sdelay $0x1  }
0x23e: {  	v2 =	vld [tilespmem:s21+$0x18E80]  }
0x23f: {  	[tilespmem:s12+$0x1C680] =	vst v1  }
0x240: {  	v0 =	vld.idx.msk [tilespmem:v0+s17+$0x0], $0xffff;
	_ =	sdelay $0x4  }
0x241: {  	[tilespmem:s12+$0x1CE80] =	vst v0  }
0x242: {  	v0 =	vld.idx.msk [tilespmem:v2+s14+$0x0], $0xffff;
	_ =	sdelay $0x4  }
0x243: {  	[tilespmem:s21+$0x1BE80] =	vst v0  }
0x244: {  	v0 =	vld.idx.msk [tilespmem:v2+s16+$0x0], $0xffff;
	_ =	sdelay $0x4  }
0x245: {  	[tilespmem:s21+$0x1C680] =	vst v0  }
0x246: {  	v0 =	vld.idx.msk [tilespmem:v2+s17+$0x0], $0xffff;
	_ =	sdelay $0x2  }
0x247: {  	s13 =	sld [smem:$0x7DA];
	_ =	sdelay $0x1  }
0x248: {  	s12 =	simm.s32 $0x0;
	[tilespmem:s21+$0x1CE80] =	vst v0;
	s21 =	sld [smem:$0x7DB]  }
0x249: {  	[hbm4b:s13+s12] =	stream.linear.scatter [tilespmem:s4], [sflag:$0x5], $0x800, $0x38;
	[tilespmem:$0x1D680] =	vst v63  }
0x24a: {  	_ = 	snop  }
0x24b: {  	[hbm4b:s21+s12] =	stream.linear.scatter [tilespmem:s5], [sflag:$0x5], $0x800, $0x38;
	[tilespmem:$0x1D680] =	vst v63  }
0x24c: {  	s21 =	sld [smem:$0x7DC];
	_ =	sdelay $0x2  }
0x24d: {  	[hbm4b:s21+s12] =	stream.linear.scatter [tilespmem:s7], [sflag:$0x5], $0x800, $0x38;
	[tilespmem:$0x1D680] =	vst v63  }
0x24e: {  	s21 =	sld [smem:$0x7E5];
	_ =	sdelay $0x2  }
0x24f: {  	[tilespmem:s18], [sflag:$0x7] =	stream.linear.gather [hbm4b:s21+s12], $0x800, $0x38;
	[tilespmem:$0x1D680] =	vst v63  }
0x250: {  	_ =	swait.ge [sflag:s22], $0x800  }
0x251: {  	[sflag:s22] =	ssyncset.done $0x0  }
0x252: {  	[sflag:s22] =	ssyncadd.s32 $0xFFFFF800  }
0x253: {  	[tilespmem:s24], [sflag:$0x1] =	stream.indirect.gather [spmem:s6], $0x1, s18, s23, $0xb8;
	[tilespmem:$0x1D680] =	vst v63  }
0x254: {  	_ =	swait.ge [sflag:s3], $0x800  }
0x255: {  	[sflag:s3] =	ssyncset.done $0x0  }
0x256: {  	[sflag:s3] =	ssyncadd.s32 $0xFFFFF800  }
0x257: {  	_ =	swait.ge [sflag:s9], $0x800  }
0x258: {  	[sflag:s9] =	ssyncset.done $0x0  }
0x259: {  	[sflag:s9] =	ssyncadd.s32 $0xFFFFF800  }
0x25a: {  	_ =	swait.ge [sflag:s9], $0x800  }
0x25b: {  	[sflag:s9] =	ssyncset.done $0x0  }
0x25c: {  	[sflag:s9] =	ssyncadd.s32 $0xFFFFF800  }
0x25d: {  	_ =	swait.ge [sflag:s9], $0x800  }
0x25e: {  	[sflag:s9] =	ssyncset.done $0x0  }
0x25f: {  	s12 =	simm.s32 $0x0;
	[sflag:s9] =	ssyncadd.s32 $0xFFFFF800  }
0x260: {  	v0 =	vld [tilespmem:s12+$0x19680];
	_ =	sdelay $0x7  }
0x261: {  	v1 =	vld.idx.msk [tilespmem:v0+s14+$0x0], $0xffff;
	_ =	sdelay $0x4  }
0x262: {  	[tilespmem:s12+$0x1A680] =	vst v1  }
0x263: {  	v1 =	vld.idx.msk [tilespmem:v0+s16+$0x0], $0xffff;
	_ =	sdelay $0x3  }
0x264: {  	s13 =	simm.s32 $0x80;
	s21 =	simm.s32 $0x10  }
.LBB2_22:
0x265: {  	p0 =	sne.s32 s13, $0x1FC0;
	v2 =	vld [tilespmem:s21+$0x19680];
	[tilespmem:s12+$0x1AE80] =	vst v1  }
0x266: {  	v1 =	vld.idx.msk [tilespmem:v0+s17+$0x0], $0xffff;
	_ =	sdelay $0x3  }
0x267: {  	v0 =	vmov v2;
	_ =	sdelay $0x1  }
0x268: {  	[tilespmem:s12+$0x1B680] =	vst v1;
	s12 =	smov.u32 s21  }
0x269: {  	v1 =	vld.idx.msk [tilespmem:v2+s14+$0x0], $0xffff;
	_ =	sdelay $0x5  }
0x26a: {  	[tilespmem:s12+$0x1A680] =	vst v1  }
0x26b: {  	v1 =	vld.idx.msk [tilespmem:v2+s16+$0x0], $0xffff  }
.Ltmp10:
0x26c: {  	(pc) =	sbr.rel @p0 .LBB2_22-.Ltmp10, $2  }
0x26d: {  	_ =	sdelay $0x2  }
0x26e: {  	s21 =	sshra.s32 s13, $0x2;
	s13 =	sadd.s32 $0x40, s13  }
0x26f: {  	_ =	sdelay $0x1  }
0x270: {  	v2 =	vld [tilespmem:s21+$0x19680]  }
0x271: {  	[tilespmem:s12+$0x1AE80] =	vst v1  }
0x272: {  	v0 =	vld.idx.msk [tilespmem:v0+s17+$0x0], $0xffff;
	_ =	sdelay $0x4  }
0x273: {  	[tilespmem:s12+$0x1B680] =	vst v0  }
0x274: {  	v0 =	vld.idx.msk [tilespmem:v2+s14+$0x0], $0xffff;
	_ =	sdelay $0x4  }
0x275: {  	[tilespmem:s21+$0x1A680] =	vst v0  }
0x276: {  	v0 =	vld.idx.msk [tilespmem:v2+s16+$0x0], $0xffff;
	_ =	sdelay $0x4  }
0x277: {  	[tilespmem:s21+$0x1AE80] =	vst v0  }
0x278: {  	v0 =	vld.idx.msk [tilespmem:v2+s17+$0x0], $0xffff;
	_ =	sdelay $0x2  }
0x279: {  	s13 =	sld [smem:$0x7DE];
	_ =	sdelay $0x1  }
0x27a: {  	s12 =	simm.s32 $0x0;
	[tilespmem:s21+$0x1B680] =	vst v0;
	s21 =	sld [smem:$0x7DF]  }
0x27b: {  	[hbm4b:s13+s12] =	stream.linear.scatter [tilespmem:s31], [sflag:$0x4], $0x800, $0x38;
	[tilespmem:$0x1D680] =	vst v63  }
0x27c: {  	_ = 	snop  }
0x27d: {  	[hbm4b:s21+s12] =	stream.linear.scatter [tilespmem:s2], [sflag:$0x4], $0x800, $0x38;
	[tilespmem:$0x1D680] =	vst v63  }
0x27e: {  	s21 =	sld [smem:$0x7E0];
	_ =	sdelay $0x2  }
0x27f: {  	[hbm4b:s21+s12] =	stream.linear.scatter [tilespmem:s0], [sflag:$0x4], $0x800, $0x38;
	[tilespmem:$0x1D680] =	vst v63  }
0x280: {  	s21 =	sld [smem:$0x7ED];
	_ =	sdelay $0x2  }
0x281: {  	[tilespmem:s19], [sflag:$0x8] =	stream.linear.gather [hbm4b:s21+s12], $0x800, $0x38;
	[tilespmem:$0x1D680] =	vst v63  }
0x282: {  	_ =	swait.ge [sflag:s25], $0x800  }
0x283: {  	[sflag:s25] =	ssyncset.done $0x0  }
0x284: {  	[sflag:s25] =	ssyncadd.s32 $0xFFFFF800  }
0x285: {  	[tilespmem:s26], [sflag:$0x2] =	stream.indirect.gather [spmem:s6], $0x1, s19, s23, $0xb8;
	[tilespmem:$0x1D680] =	vst v63  }
0x286: {  	_ =	swait.ge [sflag:s8], $0x800  }
0x287: {  	[sflag:s8] =	ssyncset.done $0x0  }
0x288: {  	[sflag:s8] =	ssyncadd.s32 $0xFFFFF800  }
0x289: {  	_ =	swait.ge [sflag:s10], $0x800  }
0x28a: {  	[sflag:s10] =	ssyncset.done $0x0  }
0x28b: {  	[sflag:s10] =	ssyncadd.s32 $0xFFFFF800  }
0x28c: {  	_ =	swait.ge [sflag:s10], $0x800  }
0x28d: {  	[sflag:s10] =	ssyncset.done $0x0  }
0x28e: {  	[sflag:s10] =	ssyncadd.s32 $0xFFFFF800  }
0x28f: {  	_ =	swait.ge [sflag:s10], $0x800  }
0x290: {  	[sflag:s10] =	ssyncset.done $0x0  }
0x291: {  	s12 =	simm.s32 $0x0;
	[sflag:s10] =	ssyncadd.s32 $0xFFFFF800  }
0x292: {  	v0 =	vld [tilespmem:s12+$0x19E80];
	_ =	sdelay $0x7  }
0x293: {  	v1 =	vld.idx.msk [tilespmem:v0+s14+$0x0], $0xffff;
	_ =	sdelay $0x4  }
0x294: {  	[tilespmem:s12+$0x1BE80] =	vst v1  }
0x295: {  	v1 =	vld.idx.msk [tilespmem:v0+s16+$0x0], $0xffff;
	_ =	sdelay $0x3  }
0x296: {  	s13 =	simm.s32 $0x80;
	s21 =	simm.s32 $0x10  }
.LBB2_24:
0x297: {  	p0 =	sne.s32 s13, $0x1FC0;
	v2 =	vld [tilespmem:s21+$0x19E80];
	[tilespmem:s12+$0x1C680] =	vst v1  }
0x298: {  	v1 =	vld.idx.msk [tilespmem:v0+s17+$0x0], $0xffff;
	_ =	sdelay $0x3  }
0x299: {  	v0 =	vmov v2;
	_ =	sdelay $0x1  }
0x29a: {  	[tilespmem:s12+$0x1CE80] =	vst v1;
	s12 =	smov.u32 s21  }
0x29b: {  	v1 =	vld.idx.msk [tilespmem:v2+s14+$0x0], $0xffff;
	_ =	sdelay $0x5  }
0x29c: {  	[tilespmem:s12+$0x1BE80] =	vst v1  }
0x29d: {  	v1 =	vld.idx.msk [tilespmem:v2+s16+$0x0], $0xffff  }
.Ltmp11:
0x29e: {  	(pc) =	sbr.rel @p0 .LBB2_24-.Ltmp11, $2  }
0x29f: {  	_ =	sdelay $0x2  }
0x2a0: {  	s21 =	sshra.s32 s13, $0x2;
	s13 =	sadd.s32 $0x40, s13  }
0x2a1: {  	_ =	sdelay $0x1  }
0x2a2: {  	v2 =	vld [tilespmem:s21+$0x19E80]  }
0x2a3: {  	[tilespmem:s12+$0x1C680] =	vst v1  }
0x2a4: {  	v0 =	vld.idx.msk [tilespmem:v0+s17+$0x0], $0xffff;
	_ =	sdelay $0x4  }
0x2a5: {  	[tilespmem:s12+$0x1CE80] =	vst v0  }
0x2a6: {  	v0 =	vld.idx.msk [tilespmem:v2+s14+$0x0], $0xffff;
	_ =	sdelay $0x4  }
0x2a7: {  	[tilespmem:s21+$0x1BE80] =	vst v0  }
0x2a8: {  	v0 =	vld.idx.msk [tilespmem:v2+s16+$0x0], $0xffff;
	_ =	sdelay $0x4  }
0x2a9: {  	[tilespmem:s21+$0x1C680] =	vst v0  }
0x2aa: {  	v0 =	vld.idx.msk [tilespmem:v2+s17+$0x0], $0xffff;
	_ =	sdelay $0x2  }
0x2ab: {  	s13 =	sld [smem:$0x7E2];
	_ =	sdelay $0x1  }
0x2ac: {  	s12 =	simm.s32 $0x0;
	[tilespmem:s21+$0x1CE80] =	vst v0;
	s21 =	sld [smem:$0x7E3]  }
0x2ad: {  	[hbm4b:s13+s12] =	stream.linear.scatter [tilespmem:s4], [sflag:$0x5], $0x800, $0x38;
	[tilespmem:$0x1D680] =	vst v63  }
0x2ae: {  	_ = 	snop  }
0x2af: {  	[hbm4b:s21+s12] =	stream.linear.scatter [tilespmem:s5], [sflag:$0x5], $0x800, $0x38;
	[tilespmem:$0x1D680] =	vst v63  }
0x2b0: {  	s21 =	sld [smem:$0x7E4];
	_ =	sdelay $0x2  }
0x2b1: {  	[hbm4b:s21+s12] =	stream.linear.scatter [tilespmem:s7], [sflag:$0x5], $0x800, $0x38;
	[tilespmem:$0x1D680] =	vst v63  }
0x2b2: {  	s21 =	sld [smem:$0x7EE];
	_ =	sdelay $0x2  }
0x2b3: {  	[tilespmem:s20], [sflag:$0x9] =	stream.linear.gather [hbm4b:s21+s12], $0x800, $0x38;
	[tilespmem:$0x1D680] =	vst v63  }
0x2b4: {  	_ =	swait.ge [sflag:s28], $0x800  }
0x2b5: {  	[sflag:s28] =	ssyncset.done $0x0  }
0x2b6: {  	[sflag:s28] =	ssyncadd.s32 $0xFFFFF800  }
0x2b7: {  	[tilespmem:s29], [sflag:$0x3] =	stream.indirect.gather [spmem:s6], $0x1, s20, s23, $0xb8;
	[tilespmem:$0x1D680] =	vst v63  }
0x2b8: {  	_ =	swait.ge [sflag:s30], $0x800  }
0x2b9: {  	[sflag:s30] =	ssyncset.done $0x0  }
0x2ba: {  	[sflag:s30] =	ssyncadd.s32 $0xFFFFF800  }
0x2bb: {  	_ =	swait.ge [sflag:s9], $0x800  }
0x2bc: {  	[sflag:s9] =	ssyncset.done $0x0  }
0x2bd: {  	[sflag:s9] =	ssyncadd.s32 $0xFFFFF800  }
0x2be: {  	_ =	swait.ge [sflag:s9], $0x800  }
0x2bf: {  	[sflag:s9] =	ssyncset.done $0x0  }
0x2c0: {  	[sflag:s9] =	ssyncadd.s32 $0xFFFFF800  }
0x2c1: {  	_ =	swait.ge [sflag:s9], $0x800  }
0x2c2: {  	[sflag:s9] =	ssyncset.done $0x0  }
0x2c3: {  	s12 =	simm.s32 $0x0;
	[sflag:s9] =	ssyncadd.s32 $0xFFFFF800  }
0x2c4: {  	v0 =	vld [tilespmem:s12+$0x18E80];
	_ =	sdelay $0x7  }
0x2c5: {  	v1 =	vld.idx.msk [tilespmem:v0+s14+$0x0], $0xffff;
	_ =	sdelay $0x4  }
0x2c6: {  	[tilespmem:s12+$0x1A680] =	vst v1  }
0x2c7: {  	v1 =	vld.idx.msk [tilespmem:v0+s16+$0x0], $0xffff;
	_ =	sdelay $0x3  }
0x2c8: {  	s13 =	simm.s32 $0x80;
	s21 =	simm.s32 $0x10  }
.LBB2_26:
0x2c9: {  	p0 =	sne.s32 s13, $0x1FC0;
	v2 =	vld [tilespmem:s21+$0x18E80];
	[tilespmem:s12+$0x1AE80] =	vst v1  }
0x2ca: {  	v1 =	vld.idx.msk [tilespmem:v0+s17+$0x0], $0xffff;
	_ =	sdelay $0x3  }
0x2cb: {  	v0 =	vmov v2;
	_ =	sdelay $0x1  }
0x2cc: {  	[tilespmem:s12+$0x1B680] =	vst v1;
	s12 =	smov.u32 s21  }
0x2cd: {  	v1 =	vld.idx.msk [tilespmem:v2+s14+$0x0], $0xffff;
	_ =	sdelay $0x5  }
0x2ce: {  	[tilespmem:s12+$0x1A680] =	vst v1  }
0x2cf: {  	v1 =	vld.idx.msk [tilespmem:v2+s16+$0x0], $0xffff  }
.Ltmp12:
0x2d0: {  	(pc) =	sbr.rel @p0 .LBB2_26-.Ltmp12, $2  }
0x2d1: {  	_ =	sdelay $0x2  }
0x2d2: {  	s21 =	sshra.s32 s13, $0x2;
	s13 =	sadd.s32 $0x40, s13  }
0x2d3: {  	_ =	sdelay $0x1  }
0x2d4: {  	v2 =	vld [tilespmem:s21+$0x18E80]  }
0x2d5: {  	[tilespmem:s12+$0x1AE80] =	vst v1  }
0x2d6: {  	v0 =	vld.idx.msk [tilespmem:v0+s17+$0x0], $0xffff;
	_ =	sdelay $0x4  }
0x2d7: {  	[tilespmem:s12+$0x1B680] =	vst v0  }
0x2d8: {  	v0 =	vld.idx.msk [tilespmem:v2+s14+$0x0], $0xffff;
	_ =	sdelay $0x4  }
0x2d9: {  	[tilespmem:s21+$0x1A680] =	vst v0  }
0x2da: {  	v0 =	vld.idx.msk [tilespmem:v2+s16+$0x0], $0xffff;
	_ =	sdelay $0x4  }
0x2db: {  	[tilespmem:s21+$0x1AE80] =	vst v0  }
0x2dc: {  	v0 =	vld.idx.msk [tilespmem:v2+s17+$0x0], $0xffff;
	_ =	sdelay $0x2  }
0x2dd: {  	s13 =	sld [smem:$0x7E6];
	_ =	sdelay $0x1  }
0x2de: {  	s12 =	simm.s32 $0x0;
	[tilespmem:s21+$0x1B680] =	vst v0;
	s21 =	sld [smem:$0x7E7]  }
0x2df: {  	[hbm4b:s13+s12] =	stream.linear.scatter [tilespmem:s31], [sflag:$0x4], $0x800, $0x38;
	[tilespmem:$0x1D680] =	vst v63  }
0x2e0: {  	_ = 	snop  }
0x2e1: {  	[hbm4b:s21+s12] =	stream.linear.scatter [tilespmem:s2], [sflag:$0x4], $0x800, $0x38;
	[tilespmem:$0x1D680] =	vst v63  }
0x2e2: {  	s21 =	sld [smem:$0x7E8];
	_ =	sdelay $0x2  }
0x2e3: {  	[hbm4b:s21+s12] =	stream.linear.scatter [tilespmem:s0], [sflag:$0x4], $0x800, $0x38;
	[tilespmem:$0x1D680] =	vst v63  }
0x2e4: {  	s21 =	sld [smem:$0x7EF];
	_ =	sdelay $0x2  }
0x2e5: {  	[tilespmem:s18], [sflag:$0x7] =	stream.linear.gather [hbm4b:s21+s12], $0x800, $0x38;
	[tilespmem:$0x1D680] =	vst v63  }
0x2e6: {  	_ =	swait.ge [sflag:s22], $0x800  }
0x2e7: {  	[sflag:s22] =	ssyncset.done $0x0  }
0x2e8: {  	[sflag:s22] =	ssyncadd.s32 $0xFFFFF800  }
0x2e9: {  	[tilespmem:s24], [sflag:$0x1] =	stream.indirect.gather [spmem:s6], $0x1, s18, s23, $0xb8;
	[tilespmem:$0x1D680] =	vst v63  }
0x2ea: {  	_ =	swait.ge [sflag:s3], $0x800  }
0x2eb: {  	[sflag:s3] =	ssyncset.done $0x0  }
0x2ec: {  	[sflag:s3] =	ssyncadd.s32 $0xFFFFF800  }
0x2ed: {  	_ =	swait.ge [sflag:s10], $0x800  }
0x2ee: {  	[sflag:s10] =	ssyncset.done $0x0  }
0x2ef: {  	[sflag:s10] =	ssyncadd.s32 $0xFFFFF800  }
0x2f0: {  	_ =	swait.ge [sflag:s10], $0x800  }
0x2f1: {  	[sflag:s10] =	ssyncset.done $0x0  }
0x2f2: {  	[sflag:s10] =	ssyncadd.s32 $0xFFFFF800  }
0x2f3: {  	_ =	swait.ge [sflag:s10], $0x800  }
0x2f4: {  	[sflag:s10] =	ssyncset.done $0x0  }
0x2f5: {  	s12 =	simm.s32 $0x0;
	[sflag:s10] =	ssyncadd.s32 $0xFFFFF800  }
0x2f6: {  	v0 =	vld [tilespmem:s12+$0x19680];
	_ =	sdelay $0x7  }
0x2f7: {  	v1 =	vld.idx.msk [tilespmem:v0+s14+$0x0], $0xffff;
	_ =	sdelay $0x4  }
0x2f8: {  	[tilespmem:s12+$0x1BE80] =	vst v1  }
0x2f9: {  	v1 =	vld.idx.msk [tilespmem:v0+s16+$0x0], $0xffff;
	_ =	sdelay $0x3  }
0x2fa: {  	s13 =	simm.s32 $0x80;
	s21 =	simm.s32 $0x10  }
.LBB2_28:
0x2fb: {  	p0 =	sne.s32 s13, $0x1FC0;
	v2 =	vld [tilespmem:s21+$0x19680];
	[tilespmem:s12+$0x1C680] =	vst v1  }
0x2fc: {  	v1 =	vld.idx.msk [tilespmem:v0+s17+$0x0], $0xffff;
	_ =	sdelay $0x3  }
0x2fd: {  	v0 =	vmov v2;
	_ =	sdelay $0x1  }
0x2fe: {  	[tilespmem:s12+$0x1CE80] =	vst v1;
	s12 =	smov.u32 s21  }
0x2ff: {  	v1 =	vld.idx.msk [tilespmem:v2+s14+$0x0], $0xffff;
	_ =	sdelay $0x5  }
0x300: {  	[tilespmem:s12+$0x1BE80] =	vst v1  }
0x301: {  	v1 =	vld.idx.msk [tilespmem:v2+s16+$0x0], $0xffff  }
.Ltmp13:
0x302: {  	(pc) =	sbr.rel @p0 .LBB2_28-.Ltmp13, $2  }
0x303: {  	_ =	sdelay $0x2  }
0x304: {  	s21 =	sshra.s32 s13, $0x2;
	s13 =	sadd.s32 $0x40, s13  }
0x305: {  	_ =	sdelay $0x1  }
0x306: {  	v2 =	vld [tilespmem:s21+$0x19680]  }
0x307: {  	[tilespmem:s12+$0x1C680] =	vst v1  }
0x308: {  	v0 =	vld.idx.msk [tilespmem:v0+s17+$0x0], $0xffff;
	_ =	sdelay $0x4  }
0x309: {  	[tilespmem:s12+$0x1CE80] =	vst v0  }
0x30a: {  	v0 =	vld.idx.msk [tilespmem:v2+s14+$0x0], $0xffff;
	_ =	sdelay $0x4  }
0x30b: {  	[tilespmem:s21+$0x1BE80] =	vst v0  }
0x30c: {  	v0 =	vld.idx.msk [tilespmem:v2+s16+$0x0], $0xffff;
	_ =	sdelay $0x4  }
0x30d: {  	[tilespmem:s21+$0x1C680] =	vst v0  }
0x30e: {  	v0 =	vld.idx.msk [tilespmem:v2+s17+$0x0], $0xffff;
	_ =	sdelay $0x2  }
0x30f: {  	s13 =	sld [smem:$0x7F0];
	_ =	sdelay $0x1  }
0x310: {  	s12 =	simm.s32 $0x0;
	[tilespmem:s21+$0x1CE80] =	vst v0;
	s21 =	sld [smem:$0x7F1]  }
0x311: {  	[hbm4b:s13+s12] =	stream.linear.scatter [tilespmem:s4], [sflag:$0x5], $0x800, $0x38;
	[tilespmem:$0x1D680] =	vst v63  }
0x312: {  	_ = 	snop  }
0x313: {  	[hbm4b:s21+s12] =	stream.linear.scatter [tilespmem:s5], [sflag:$0x5], $0x800, $0x38;
	[tilespmem:$0x1D680] =	vst v63  }
0x314: {  	s21 =	sld [smem:$0x7F2];
	_ =	sdelay $0x2  }
0x315: {  	[hbm4b:s21+s12] =	stream.linear.scatter [tilespmem:s7], [sflag:$0x5], $0x800, $0x38;
	[tilespmem:$0x1D680] =	vst v63  }
0x316: {  	_ =	swait.ge [sflag:s8], $0x800  }
0x317: {  	[sflag:s8] =	ssyncset.done $0x0  }
0x318: {  	[sflag:s8] =	ssyncadd.s32 $0xFFFFF800  }
0x319: {  	_ =	swait.ge [sflag:s9], $0x800  }
0x31a: {  	[sflag:s9] =	ssyncset.done $0x0  }
0x31b: {  	[sflag:s9] =	ssyncadd.s32 $0xFFFFF800  }
0x31c: {  	_ =	swait.ge [sflag:s9], $0x800  }
0x31d: {  	[sflag:s9] =	ssyncset.done $0x0  }
0x31e: {  	[sflag:s9] =	ssyncadd.s32 $0xFFFFF800  }
0x31f: {  	_ =	swait.ge [sflag:s9], $0x800  }
0x320: {  	[sflag:s9] =	ssyncset.done $0x0  }
0x321: {  	s12 =	simm.s32 $0x0;
	[sflag:s9] =	ssyncadd.s32 $0xFFFFF800  }
0x322: {  	v0 =	vld [tilespmem:s12+$0x19E80];
	_ =	sdelay $0x7  }
0x323: {  	v1 =	vld.idx.msk [tilespmem:v0+s14+$0x0], $0xffff;
	_ =	sdelay $0x4  }
0x324: {  	[tilespmem:s12+$0x1A680] =	vst v1  }
0x325: {  	v1 =	vld.idx.msk [tilespmem:v0+s16+$0x0], $0xffff;
	_ =	sdelay $0x3  }
0x326: {  	s13 =	simm.s32 $0x80;
	s21 =	simm.s32 $0x10  }
.LBB2_30:
0x327: {  	p0 =	sne.s32 s13, $0x1FC0;
	v2 =	vld [tilespmem:s21+$0x19E80];
	[tilespmem:s12+$0x1AE80] =	vst v1  }
0x328: {  	v1 =	vld.idx.msk [tilespmem:v0+s17+$0x0], $0xffff;
	_ =	sdelay $0x3  }
0x329: {  	v0 =	vmov v2;
	_ =	sdelay $0x1  }
0x32a: {  	[tilespmem:s12+$0x1B680] =	vst v1;
	s12 =	smov.u32 s21  }
0x32b: {  	v1 =	vld.idx.msk [tilespmem:v2+s14+$0x0], $0xffff;
	_ =	sdelay $0x5  }
0x32c: {  	[tilespmem:s12+$0x1A680] =	vst v1  }
0x32d: {  	v1 =	vld.idx.msk [tilespmem:v2+s16+$0x0], $0xffff  }
.Ltmp14:
0x32e: {  	(pc) =	sbr.rel @p0 .LBB2_30-.Ltmp14, $2  }
0x32f: {  	_ =	sdelay $0x2  }
0x330: {  	s21 =	sshra.s32 s13, $0x2;
	s13 =	sadd.s32 $0x40, s13  }
0x331: {  	_ =	sdelay $0x1  }
0x332: {  	v2 =	vld [tilespmem:s21+$0x19E80]  }
0x333: {  	[tilespmem:s12+$0x1AE80] =	vst v1  }
0x334: {  	v0 =	vld.idx.msk [tilespmem:v0+s17+$0x0], $0xffff;
	_ =	sdelay $0x4  }
0x335: {  	[tilespmem:s12+$0x1B680] =	vst v0  }
0x336: {  	v0 =	vld.idx.msk [tilespmem:v2+s14+$0x0], $0xffff;
	_ =	sdelay $0x4  }
0x337: {  	[tilespmem:s21+$0x1A680] =	vst v0  }
0x338: {  	v0 =	vld.idx.msk [tilespmem:v2+s16+$0x0], $0xffff;
	_ =	sdelay $0x4  }
0x339: {  	[tilespmem:s21+$0x1AE80] =	vst v0  }
0x33a: {  	v0 =	vld.idx.msk [tilespmem:v2+s17+$0x0], $0xffff;
	_ =	sdelay $0x2  }
0x33b: {  	s13 =	sld [smem:$0x7F3];
	_ =	sdelay $0x1  }
0x33c: {  	s12 =	simm.s32 $0x0;
	[tilespmem:s21+$0x1B680] =	vst v0;
	s21 =	sld [smem:$0x7F4]  }
0x33d: {  	[hbm4b:s13+s12] =	stream.linear.scatter [tilespmem:s31], [sflag:$0x4], $0x800, $0x38;
	[tilespmem:$0x1D680] =	vst v63  }
0x33e: {  	_ = 	snop  }
0x33f: {  	[hbm4b:s21+s12] =	stream.linear.scatter [tilespmem:s2], [sflag:$0x4], $0x800, $0x38;
	[tilespmem:$0x1D680] =	vst v63  }
0x340: {  	s21 =	sld [smem:$0x7F5];
	_ =	sdelay $0x2  }
0x341: {  	[hbm4b:s21+s12] =	stream.linear.scatter [tilespmem:s0], [sflag:$0x4], $0x800, $0x38;
	[tilespmem:$0x1D680] =	vst v63  }
0x342: {  	_ =	swait.ge [sflag:s30], $0x800  }
0x343: {  	[sflag:s30] =	ssyncset.done $0x0  }
0x344: {  	[sflag:s30] =	ssyncadd.s32 $0xFFFFF800  }
0x345: {  	_ =	swait.ge [sflag:s10], $0x800  }
0x346: {  	[sflag:s10] =	ssyncset.done $0x0  }
0x347: {  	[sflag:s10] =	ssyncadd.s32 $0xFFFFF800  }
0x348: {  	_ =	swait.ge [sflag:s10], $0x800  }
0x349: {  	[sflag:s10] =	ssyncset.done $0x0  }
0x34a: {  	[sflag:s10] =	ssyncadd.s32 $0xFFFFF800  }
0x34b: {  	_ =	swait.ge [sflag:s10], $0x800  }
0x34c: {  	[sflag:s10] =	ssyncset.done $0x0  }
0x34d: {  	s12 =	simm.s32 $0x0;
	[sflag:s10] =	ssyncadd.s32 $0xFFFFF800  }
0x34e: {  	v0 =	vld [tilespmem:s12+$0x18E80];
	_ =	sdelay $0x7  }
0x34f: {  	v1 =	vld.idx.msk [tilespmem:v0+s14+$0x0], $0xffff;
	_ =	sdelay $0x4  }
0x350: {  	[tilespmem:s12+$0x1BE80] =	vst v1  }
0x351: {  	v1 =	vld.idx.msk [tilespmem:v0+s16+$0x0], $0xffff;
	_ =	sdelay $0x3  }
0x352: {  	s13 =	simm.s32 $0x80;
	s21 =	simm.s32 $0x10  }
.LBB2_32:
0x353: {  	p0 =	sne.s32 s13, $0x1FC0;
	v2 =	vld [tilespmem:s21+$0x18E80];
	[tilespmem:s12+$0x1C680] =	vst v1  }
0x354: {  	v1 =	vld.idx.msk [tilespmem:v0+s17+$0x0], $0xffff;
	_ =	sdelay $0x3  }
0x355: {  	v0 =	vmov v2;
	_ =	sdelay $0x1  }
0x356: {  	[tilespmem:s12+$0x1CE80] =	vst v1;
	s12 =	smov.u32 s21  }
0x357: {  	v1 =	vld.idx.msk [tilespmem:v2+s14+$0x0], $0xffff;
	_ =	sdelay $0x5  }
0x358: {  	[tilespmem:s12+$0x1BE80] =	vst v1  }
0x359: {  	v1 =	vld.idx.msk [tilespmem:v2+s16+$0x0], $0xffff  }
.Ltmp15:
0x35a: {  	(pc) =	sbr.rel @p0 .LBB2_32-.Ltmp15, $2  }
0x35b: {  	_ =	sdelay $0x2  }
0x35c: {  	s21 =	sshra.s32 s13, $0x2;
	s13 =	sadd.s32 $0x40, s13  }
0x35d: {  	_ =	sdelay $0x1  }
0x35e: {  	v2 =	vld [tilespmem:s21+$0x18E80]  }
0x35f: {  	[tilespmem:s12+$0x1C680] =	vst v1  }
0x360: {  	v0 =	vld.idx.msk [tilespmem:v0+s17+$0x0], $0xffff;
	_ =	sdelay $0x4  }
0x361: {  	[tilespmem:s12+$0x1CE80] =	vst v0  }
0x362: {  	v0 =	vld.idx.msk [tilespmem:v2+s14+$0x0], $0xffff;
	_ =	sdelay $0x4  }
0x363: {  	[tilespmem:s21+$0x1BE80] =	vst v0  }
0x364: {  	v0 =	vld.idx.msk [tilespmem:v2+s16+$0x0], $0xffff;
	_ =	sdelay $0x4  }
0x365: {  	[tilespmem:s21+$0x1C680] =	vst v0  }
0x366: {  	v0 =	vld.idx.msk [tilespmem:v2+s17+$0x0], $0xffff;
	_ =	sdelay $0x2  }
0x367: {  	s13 =	sld [smem:$0x7F6];
	_ =	sdelay $0x1  }
0x368: {  	[tilespmem:s21+$0x1CE80] =	vst v0;
	s21 =	sld [smem:$0x7F7]  }
0x369: {  	[hbm4b:s13+s1] =	stream.linear.scatter [tilespmem:s4], [sflag:$0x5], $0x800, $0x38;
	[tilespmem:$0x1D680] =	vst v63  }
0x36a: {  	s13 =	sld [smem:$0x7F8]  }
0x36b: {  	[hbm4b:s21+s1] =	stream.linear.scatter [tilespmem:s5], [sflag:$0x5], $0x800, $0x38;
	[tilespmem:$0x1D680] =	vst v63  }
0x36c: {  	_ = 	snop  }
0x36d: {  	[hbm4b:s13+s1] =	stream.linear.scatter [tilespmem:s7], [sflag:$0x5], $0x800, $0x38;
	[tilespmem:$0x1D680] =	vst v63  }
0x36e: {  	_ =	swait.ge [sflag:s9], $0x800  }
0x36f: {  	[sflag:s9] =	ssyncset.done $0x0  }
0x370: {  	[sflag:s9] =	ssyncadd.s32 $0xFFFFF800  }
0x371: {  	_ =	swait.ge [sflag:s9], $0x800  }
0x372: {  	[sflag:s9] =	ssyncset.done $0x0  }
0x373: {  	[sflag:s9] =	ssyncadd.s32 $0xFFFFF800  }
0x374: {  	_ =	swait.ge [sflag:s9], $0x800  }
0x375: {  	[sflag:s9] =	ssyncset.done $0x0  }
0x376: {  	[sflag:s9] =	ssyncadd.s32 $0xFFFFF800  }
0x377: {  	_ =	swait.ge [sflag:s10], $0x800  }
0x378: {  	[sflag:s10] =	ssyncset.done $0x0  }
0x379: {  	[sflag:s10] =	ssyncadd.s32 $0xFFFFF800  }
0x37a: {  	_ =	swait.ge [sflag:s10], $0x800  }
0x37b: {  	[sflag:s10] =	ssyncset.done $0x0  }
0x37c: {  	[sflag:s10] =	ssyncadd.s32 $0xFFFFF800  }
0x37d: {  	_ =	swait.ge [sflag:s10], $0x800  }
0x37e: {  	s21 =	sld [smem:$0x7FA];
	_ =	sdelay $0x1  }
0x37f: {  	s11 =	sadd.s32 $0x1, s11  }
0x380: {  	p0 =	sne.s32 s11, s21  }
.Ltmp16:
0x381: {  	_ = 	snop;
	(pc) =	sbr.rel @p0 .LBB2_1-.Ltmp16, $3  }
0x382: {  	_ =	sdelay $0x1  }
0x383: {  	[sflag:s10] =	ssyncset.done $0x0  }
0x384: {  	[sflag:s10] =	ssyncadd.s32 $0xFFFFF800  }
0x385: {  	_ =	sfence.sel $0x180000  }
0x386: {  	[bflag:$0x0] =	sbarrier.arrive $0xFFFF  }
0x387: {  	_ =	strace $0x90000047  }
0x388: {  	s0 =	stileid.u32;
	[bflag:$0x2] =	sbarrier.arrive $0xFFFF  }
0x389: {  	p0 =	sne.s32 s0, $0x0;
	s0 =	rddreg [dreg:$0x4]  }
0x38a: {  	s0 =	sadd.s32 @!p0 $0x100000, s0  }
0x38b: {  	[sflag:s0] =	ssyncadd.tile.s32 @!p0 $0x1;
	_ =	shalt  }
.Lfunc_end2:
_tile_overlayer_lowered:
.L_overlay_start_2:
0x38c: {  	(tag) =	ssettag $0x2  }
0x38d: {  	s0 =	rddreg [dreg:$0x0];
	s2 =	stileid.u32  }
0x38e: {  	s1 =	rddreg [dreg:$0x1];
	p0 =	sne.s32 s2, $0x0  }
0x38f: {  	s3 =	rddreg [dreg:$0x2];
	[bflag:$0x3] =	sbarrier.arrive $0xFFFF;
	s2 =	simm.s32 @!p0 $0x1C0A  }
0x390: {  	[timem:s3], [sflag:s2] =	dma.local @!p0 [hbm:s0], s1  }
0x391: {  	s0 =	simm.s32 @!p0 $0xA  }
0x392: {  	_ =	swait.ge @!p0 [sflag:s0], s1  }
0x393: {  	s1 =	ssub.s32 @!p0 $0x0, s1;
	[sflag:s0] =	ssyncset.done @!p0 $0x0  }
0x394: {  	[sflag:s0] =	ssyncadd.s32 @!p0 s1  }
0x395: {  	[bflag:$0x3] =	sbarrier.arrive $0xFFFF  }
0x396: {  	_ =	shalt  }

</sc_bundles>
